<compile_context>
chip_gen: v7x
topology: tpu7x:2x2x1
jax: 0.10.2.dev20260603
libtpu: 0.0.44.dev20260713+nightly
codegen_flags: <defaults>
</compile_context>

<pallas_src>
import functools

import jax
import jax.numpy as jnp
from jax import lax
from jax.experimental import pallas as pl
from jax.experimental.pallas import tpu as pltpu
from jax.experimental.pallas import tpu_sc as plsc

B, L, C = 4096, 200, 128
VOCAB = 262
NUM_CORES = 2
NUM_SUBCORES = 16
NW = NUM_CORES * NUM_SUBCORES
RPW = B // NW
NBUF = 2
NGX = RPW // NBUF
NGP = L // NBUF
G0, G1 = 128, L - 128
PCH = 48
PCHUNKS = ((0, 48), (48, 48), (96, 48), (144, 48), (192, 48), (240, 22))


def _sc_body(idx_hbm, table_hbm, tab_ev_hbm, tab_od_hbm, x_hbm, pt_hbm,
             pooled_hbm, pa_v, pb_v, pc_v, idxblk_v, xrows_v,
             icol_v, gb0_v, gb1_v, tb0_v, tb1_v, sem_g, sem_o):
    c = lax.axis_index("c")
    s = lax.axis_index("s")
    wid = s * NUM_CORES + c

    @pl.when(s == 0)
    def _():
        for off, nrows in PCHUNKS:
            rows = pl.ds(off, nrows)
            pltpu.sync_copy(tab_ev_hbm.at[rows], pa_v.at[pl.ds(0, nrows)])
            pltpu.sync_copy(tab_od_hbm.at[rows], pb_v.at[pl.ds(0, nrows)])

            def row_body(r, carry):
                for j in range(4):
                    sl = pl.ds(j * 16, 16)
                    pc_v[r, sl] = jnp.maximum(pa_v[r, sl], pb_v[r, sl])
                return carry

            lax.fori_loop(0, nrows, row_body, 0)
            pltpu.sync_copy(pc_v.at[pl.ds(0, nrows)], pooled_hbm.at[rows])

    plsc.subcore_barrier()

    base_w = wid * RPW
    pltpu.sync_copy(idx_hbm.at[pl.ds(base_w, RPW)], idxblk_v)

    def start_all(copies):
        for cp in copies:
            cp.start()

    def wait_all(copies):
        for cp in copies:
            cp.wait()

    def g_copies(i, k):
        return (
            pltpu.make_async_copy(
                table_hbm.at[idxblk_v.at[i, pl.ds(0, G0)]],
                xrows_v.at[k, pl.ds(0, G0)], sem_g.at[k]),
            pltpu.make_async_copy(
                table_hbm.at[idxblk_v.at[i, pl.ds(G0, G1)]],
                xrows_v.at[k, pl.ds(G0, G1)], sem_g.at[k]),
        )

    def o_copy(i, k):
        return pltpu.make_async_copy(
            xrows_v.at[k], x_hbm.at[base_w + i], sem_o.at[k])

    for k in range(NBUF):
        start_all(g_copies(k, k))

    def ring_body(g, carry):
        for k in range(NBUF):
            i = g * NBUF + k
            wait_all(g_copies(i, k))
            o_copy(i, k).start()

            @pl.when(g < NGX - 1)
            def _():
                o_copy(i, k).wait()
                start_all(g_copies(i + NBUF, k))
        return carry

    lax.fori_loop(0, NGX, ring_body, 0)
    for k in range(NBUF):
        o_copy((NGX - 1) * NBUF + k, k).wait()

    gbufs = (gb0_v, gb1_v)
    tbufs = (tb0_v, tb1_v)
    row_ids = [lax.iota(jnp.int32, 16) + 16 * t for t in range(8)]

    def fill_icol(i, k):
        col = jnp.zeros((16,), jnp.int32) + i
        for t in range(8):
            v = plsc.load_gather(idxblk_v, [row_ids[t], col])
            icol_v[k, pl.ds(16 * t, 16)] = v

    def pg_copy(k):
        return pltpu.make_async_copy(
            pooled_hbm.at[icol_v.at[k]], gbufs[k], sem_g.at[k])

    def po_copy(i, k):
        return pltpu.make_async_copy(
            tbufs[k].at[:, :, pl.ds(0, RPW)], pt_hbm.at[i, :, wid],
            sem_o.at[k])

    iota16 = lax.iota(jnp.int32, 16)
    cb_idx = [(16 * q + iota16) // 8 for q in range(4)]
    ci_idx = [(16 * q + iota16) % 8 for q in range(4)]

    def transpose_block(k):
        gb, tb = gbufs[k], tbufs[k]

        def r_body(r, carry):
            bvec = jnp.zeros((16,), jnp.int32) + r
            for q in range(4):
                v = gb[r, pl.ds(16 * q, 16)]
                plsc.store_scatter(tb, [cb_idx[q], ci_idx[q], bvec], v)
            return carry

        lax.fori_loop(0, RPW, r_body, 0)

    for k in range(NBUF):
        fill_icol(k, k)
        pg_copy(k).start()

    def pring_body(g, carry):
        for k in range(NBUF):
            i = g * NBUF + k
            pg_copy(k).wait()

            @pl.when(g > 0)
            def _():
                po_copy(i - NBUF, k).wait()
            transpose_block(k)
            po_copy(i, k).start()

            @pl.when(g < NGP - 1)
            def _():
                fill_icol(i + NBUF, k)
                pg_copy(k).start()
        return carry

    lax.fori_loop(0, NGP, pring_body, 0)
    for k in range(NBUF):
        po_copy((NGP - 1) * NBUF + k, k).wait()


@jax.jit
def kernel(inputs, table):
    idx = inputs.astype(jnp.int32)
    table = table.astype(jnp.float32)
    tab_ev = table[:, 0::2]
    tab_od = table[:, 1::2]
    mesh = plsc.VectorSubcoreMesh(core_axis_name="c", subcore_axis_name="s")
    call = pl.kernel(
        _sc_body,
        mesh=mesh,
        compiler_params=pltpu.CompilerParams(
            use_tc_tiling_on_sc=False, needs_layout_passes=False),
        out_type=[
            jax.ShapeDtypeStruct((B, L, C), jnp.float32),
            jax.ShapeDtypeStruct((L, 8, B // 128, 8, 128), jnp.float32),
            jax.ShapeDtypeStruct((VOCAB, C // 2), jnp.float32),
        ],
        scratch_types=[
            pltpu.VMEM((PCH, C // 2), jnp.float32),
            pltpu.VMEM((PCH, C // 2), jnp.float32),
            pltpu.VMEM((PCH, C // 2), jnp.float32),
            pltpu.VMEM((RPW, L), jnp.int32),
            pltpu.VMEM((NBUF, L, C), jnp.float32),
            pltpu.VMEM((NBUF, RPW), jnp.int32),
            pltpu.VMEM((RPW, C // 2), jnp.float32),
            pltpu.VMEM((RPW, C // 2), jnp.float32),
            pltpu.VMEM((8, 8, RPW + 1), jnp.float32),
            pltpu.VMEM((8, 8, RPW + 1), jnp.float32),
            pltpu.SemaphoreType.DMA((NBUF,)),
            pltpu.SemaphoreType.DMA((NBUF,)),
        ],
    )
    x, pt, _pooled = call(idx, table, tab_ev, tab_od)
    p = jnp.transpose(pt, (2, 4, 0, 1, 3)).reshape(B, L, C // 2)
    return (x, p)

# --- scband reference (transcript-rebuilt; emitter-appended) ---
"""Pipeline reference for scband-text-encoder-block-28475633172751 (READ-ONLY COPY).

The authoritative reference and input builder live on the scoring server;
editing this copy changes nothing except your own understanding.
"""

import jax, jax.numpy as jnp
import numpy as np

B, L, C = 4096, 200, 128
VOCAB = 262

def setup_inputs(seed: int = 0) -> dict:
    key = jax.random.key(seed)
    k1, k2 = jax.random.split(key)
    inputs = jax.random.randint(k1, (B, L), 0, VOCAB, dtype=jnp.int64 if jax.config.jax_enable_x64 else jnp.int32)
    table = jax.random.normal(k2, (VOCAB, C), dtype=jnp.float32)
    return {"inputs": inputs, "table": table}

def reference(inputs, table):
    # x = self.embeddings(inputs): gather rows -> [B, L, C]
    x = jnp.take(table, inputs, axis=0)
    # p = self.pool(x): nn.MaxPool1d(2) pools along the LAST dim of a [N, C, L] tensor.
    # Here x is [B, L, C], so pooling is over the embedding dim -> [B, L, C//2]
    p = x.reshape(B, L, C // 2, 2).max(axis=-1)
    return (x, p)

if __name__ == "__main__":
    import jax
    _d = setup_inputs()
    print(jax.jit(kernel)(*tuple(_d.values())))

</pallas_src>

<mosaic_0001>
#map = affine_map<(d0, d1) -> (0, 0)>
#map1 = affine_map<(d0, d1) -> (0, 0, 0)>
#map2 = affine_map<(d0, d1) -> (0, 0, 0, 0, 0)>
module attributes {stable_mosaic.version = 14 : i64} {
  func.func @_sc_body(%arg0: i32, %arg1: i32, %arg2: memref<4096x200xi32, #tpu.memory_space<hbm>>, %arg3: memref<262x128xf32, #tpu.memory_space<hbm>>, %arg4: memref<262x64xf32, #tpu.memory_space<hbm>>, %arg5: memref<262x64xf32, #tpu.memory_space<hbm>>, %arg6: memref<4096x200x128xf32, #tpu.memory_space<hbm>>, %arg7: memref<200x8x32x8x128xf32, #tpu.memory_space<hbm>>, %arg8: memref<262x64xf32, #tpu.memory_space<hbm>>, %arg9: memref<48x64xf32, #tpu.memory_space<vmem>>, %arg10: memref<48x64xf32, #tpu.memory_space<vmem>>, %arg11: memref<48x64xf32, #tpu.memory_space<vmem>>, %arg12: memref<128x200xi32, #tpu.memory_space<vmem>>, %arg13: memref<2x200x128xf32, #tpu.memory_space<vmem>>, %arg14: memref<2x128xi32, #tpu.memory_space<vmem>>, %arg15: memref<128x64xf32, #tpu.memory_space<vmem>>, %arg16: memref<128x64xf32, #tpu.memory_space<vmem>>, %arg17: memref<8x8x129xf32, #tpu.memory_space<vmem>>, %arg18: memref<8x8x129xf32, #tpu.memory_space<vmem>>, %arg19: memref<2x!tpu.dma_semaphore, #tpu.memory_space<semaphore_mem>>, %arg20: memref<2x!tpu.dma_semaphore, #tpu.memory_space<semaphore_mem>>) attributes {dimension_semantics = [#tpu.dimension_semantics<core_parallel>, #tpu.dimension_semantics<subcore_parallel>], iteration_bounds = array<i64: 2, 16>, scalar_prefetch = 0 : i64, scratch_operands = 12 : i64, tpu.core_type = #tpu.core_type<sc_vector_subcore>, window_params = [{transform_indices = #map}, {transform_indices = #map}, {transform_indices = #map}, {transform_indices = #map}, {transform_indices = #map1}, {transform_indices = #map2}, {transform_indices = #map}]} {
    %mul3A = arith.constant 2 : i32
    %mul3A_0 = arith.muli %arg1, %mul3A : i32
    %add3A = arith.addi %mul3A_0, %arg0 : i32
    %eq3A = arith.constant 0 : i32
    %eq3A_1 = arith.cmpi eq, %arg1, %eq3A : i32
    %convert_element_type3A = arith.extui %eq3A_1 : i1 to i32
    %cond3A = arith.constant 0 : i32
    %cond3A_2 = arith.cmpi ne, %convert_element_type3A, %cond3A : i32
    scf.if %cond3A_2 {
      "tpu.region"() ({
        %run_scoped3A = tpu.sem_alloc : memref<!tpu.dma_semaphore, #tpu.memory_space<semaphore_mem>>
        %dma_start3A_564 = arith.constant 0 : i32
        %dma_start3A_565 = arith.constant 0 : i32
        %dma_start3A_566 = tpu.memref_slice %arg9[%dma_start3A_564, %dma_start3A_565] : memref<48x64xf32, #tpu.memory_space<vmem>> -> memref<48x64xf32, #tpu.memory_space<vmem>>
        %dma_start3A_567 = arith.constant 0 : i32
        %dma_start3A_568 = arith.constant 0 : i32
        %dma_start3A_569 = tpu.memref_slice %arg4[%dma_start3A_567, %dma_start3A_568] : memref<262x64xf32, #tpu.memory_space<hbm>> -> memref<48x64xf32, #tpu.memory_space<hbm>>
        %dma_start3A_570 = arith.constant 0 : i32
        %dma_start3A_571 = arith.constant 0 : i32
        %dma_start3A_572 = tpu.memref_slice %arg9[%dma_start3A_570, %dma_start3A_571] : memref<48x64xf32, #tpu.memory_space<vmem>> -> memref<48x64xf32, #tpu.memory_space<vmem>>
        %dma_start3A_573 = arith.constant 0 : i32
        %dma_start3A_574 = arith.constant 0 : i32
        %dma_start3A_575 = tpu.memref_slice %arg4[%dma_start3A_573, %dma_start3A_574] : memref<262x64xf32, #tpu.memory_space<hbm>> -> memref<48x64xf32, #tpu.memory_space<hbm>>
        tpu.enqueue_dma source(%dma_start3A_575 : memref<48x64xf32, #tpu.memory_space<hbm>>) target(%dma_start3A_572 : memref<48x64xf32, #tpu.memory_space<vmem>>) target_semaphore(%run_scoped3A : memref<!tpu.dma_semaphore, #tpu.memory_space<semaphore_mem>>)
        %dma_wait3A_576 = arith.constant 0 : i32
        %dma_wait3A_577 = arith.constant 0 : i32
        %dma_wait3A_578 = tpu.memref_slice %arg9[%dma_wait3A_576, %dma_wait3A_577] : memref<48x64xf32, #tpu.memory_space<vmem>> -> memref<48x64xf32, #tpu.memory_space<vmem>>
        %dma_wait3A_579 = arith.constant 0 : i32
        %dma_wait3A_580 = arith.constant 0 : i32
        %dma_wait3A_581 = tpu.memref_slice %arg4[%dma_wait3A_579, %dma_wait3A_580] : memref<262x64xf32, #tpu.memory_space<hbm>> -> memref<48x64xf32, #tpu.memory_space<hbm>>
        %dma_wait3A_582 = arith.constant 0 : i32
        %dma_wait3A_583 = arith.constant 0 : i32
        %dma_wait3A_584 = tpu.memref_slice %arg9[%dma_wait3A_582, %dma_wait3A_583] : memref<48x64xf32, #tpu.memory_space<vmem>> -> memref<48x64xf32, #tpu.memory_space<vmem>>
        %dma_wait3A_585 = arith.constant 0 : i32
        %dma_wait3A_586 = arith.constant 0 : i32
        %dma_wait3A_587 = tpu.memref_slice %arg4[%dma_wait3A_585, %dma_wait3A_586] : memref<262x64xf32, #tpu.memory_space<hbm>> -> memref<48x64xf32, #tpu.memory_space<hbm>>
        tpu.wait_dma2 semaphore(%run_scoped3A : memref<!tpu.dma_semaphore, #tpu.memory_space<semaphore_mem>>) src(%dma_wait3A_587 : memref<48x64xf32, #tpu.memory_space<hbm>>) dst(%dma_wait3A_584 : memref<48x64xf32, #tpu.memory_space<vmem>>)
        tpu.yield
      }) : () -> ()
      "tpu.region"() ({
        %run_scoped3A = tpu.sem_alloc : memref<!tpu.dma_semaphore, #tpu.memory_space<semaphore_mem>>
        %dma_start3A_564 = arith.constant 0 : i32
        %dma_start3A_565 = arith.constant 0 : i32
        %dma_start3A_566 = tpu.memref_slice %arg10[%dma_start3A_564, %dma_start3A_565] : memref<48x64xf32, #tpu.memory_space<vmem>> -> memref<48x64xf32, #tpu.memory_space<vmem>>
        %dma_start3A_567 = arith.constant 0 : i32
        %dma_start3A_568 = arith.constant 0 : i32
        %dma_start3A_569 = tpu.memref_slice %arg5[%dma_start3A_567, %dma_start3A_568] : memref<262x64xf32, #tpu.memory_space<hbm>> -> memref<48x64xf32, #tpu.memory_space<hbm>>
        %dma_start3A_570 = arith.constant 0 : i32
        %dma_start3A_571 = arith.constant 0 : i32
        %dma_start3A_572 = tpu.memref_slice %arg10[%dma_start3A_570, %dma_start3A_571] : memref<48x64xf32, #tpu.memory_space<vmem>> -> memref<48x64xf32, #tpu.memory_space<vmem>>
        %dma_start3A_573 = arith.constant 0 : i32
        %dma_start3A_574 = arith.constant 0 : i32
        %dma_start3A_575 = tpu.memref_slice %arg5[%dma_start3A_573, %dma_start3A_574] : memref<262x64xf32, #tpu.memory_space<hbm>> -> memref<48x64xf32, #tpu.memory_space<hbm>>
        tpu.enqueue_dma source(%dma_start3A_575 : memref<48x64xf32, #tpu.memory_space<hbm>>) target(%dma_start3A_572 : memref<48x64xf32, #tpu.memory_space<vmem>>) target_semaphore(%run_scoped3A : memref<!tpu.dma_semaphore, #tpu.memory_space<semaphore_mem>>)
        %dma_wait3A_576 = arith.constant 0 : i32
        %dma_wait3A_577 = arith.constant 0 : i32
        %dma_wait3A_578 = tpu.memref_slice %arg10[%dma_wait3A_576, %dma_wait3A_577] : memref<48x64xf32, #tpu.memory_space<vmem>> -> memref<48x64xf32, #tpu.memory_space<vmem>>
        %dma_wait3A_579 = arith.constant 0 : i32
        %dma_wait3A_580 = arith.constant 0 : i32
        %dma_wait3A_581 = tpu.memref_slice %arg5[%dma_wait3A_579, %dma_wait3A_580] : memref<262x64xf32, #tpu.memory_space<hbm>> -> memref<48x64xf32, #tpu.memory_space<hbm>>
        %dma_wait3A_582 = arith.constant 0 : i32
        %dma_wait3A_583 = arith.constant 0 : i32
        %dma_wait3A_584 = tpu.memref_slice %arg10[%dma_wait3A_582, %dma_wait3A_583] : memref<48x64xf32, #tpu.memory_space<vmem>> -> memref<48x64xf32, #tpu.memory_space<vmem>>
        %dma_wait3A_585 = arith.constant 0 : i32
        %dma_wait3A_586 = arith.constant 0 : i32
        %dma_wait3A_587 = tpu.memref_slice %arg5[%dma_wait3A_585, %dma_wait3A_586] : memref<262x64xf32, #tpu.memory_space<hbm>> -> memref<48x64xf32, #tpu.memory_space<hbm>>
        tpu.wait_dma2 semaphore(%run_scoped3A : memref<!tpu.dma_semaphore, #tpu.memory_space<semaphore_mem>>) src(%dma_wait3A_587 : memref<48x64xf32, #tpu.memory_space<hbm>>) dst(%dma_wait3A_584 : memref<48x64xf32, #tpu.memory_space<vmem>>)
        tpu.yield
      }) : () -> ()
      %scan3A_528 = arith.constant 0 : i32
      %scan3A_529 = arith.constant 0 : i32
      %scan3A_530 = arith.constant 48 : i32
      %scan3A_531 = arith.addi %scan3A_529, %scan3A_530 : i32
      %scan3A_532 = arith.constant 1 : i32
      scf.for %scan3A_564 = %scan3A_529 to %scan3A_531 step %scan3A_532  : i32 {
        %get3A = arith.index_cast %scan3A_564 : i32 to index
        %get3A_565 = arith.constant 0 : index
        %get3A_566 = tpu.vector_load %arg9[%get3A, %get3A_565] {strides = array<i32>} : memref<48x64xf32, #tpu.memory_space<vmem>>, vector<16xf32>,
        %get3A_567 = arith.index_cast %scan3A_564 : i32 to index
        %get3A_568 = arith.constant 0 : index
        %get3A_569 = tpu.vector_load %arg10[%get3A_567, %get3A_568] {strides = array<i32>} : memref<48x64xf32, #tpu.memory_space<vmem>>, vector<16xf32>,
        %max3A = arith.maximumf %get3A_566, %get3A_569 : vector<16xf32>
        %swap3A_570 = arith.index_cast %scan3A_564 : i32 to index
        %swap3A_571 = arith.constant 0 : index
        %swap3A_572 = tpu.vector_load %arg11[%swap3A_570, %swap3A_571] {strides = array<i32>} : memref<48x64xf32, #tpu.memory_space<vmem>>, vector<16xf32>,
        tpu.vector_store %arg11[%swap3A_570, %swap3A_571], %max3A {strides = array<i32>} : memref<48x64xf32, #tpu.memory_space<vmem>>, vector<16xf32>,
        %get3A_573 = arith.index_cast %scan3A_564 : i32 to index
        %get3A_574 = arith.constant 16 : index
        %get3A_575 = tpu.vector_load %arg9[%get3A_573, %get3A_574] {strides = array<i32>} : memref<48x64xf32, #tpu.memory_space<vmem>>, vector<16xf32>,
        %get3A_576 = arith.index_cast %scan3A_564 : i32 to index
        %get3A_577 = arith.constant 16 : index
        %get3A_578 = tpu.vector_load %arg10[%get3A_576, %get3A_577] {strides = array<i32>} : memref<48x64xf32, #tpu.memory_space<vmem>>, vector<16xf32>,
        %max3A_579 = arith.maximumf %get3A_575, %get3A_578 : vector<16xf32>
        %swap3A_580 = arith.index_cast %scan3A_564 : i32 to index
        %swap3A_581 = arith.constant 16 : index
        %swap3A_582 = tpu.vector_load %arg11[%swap3A_580, %swap3A_581] {strides = array<i32>} : memref<48x64xf32, #tpu.memory_space<vmem>>, vector<16xf32>,
        tpu.vector_store %arg11[%swap3A_580, %swap3A_581], %max3A_579 {strides = array<i32>} : memref<48x64xf32, #tpu.memory_space<vmem>>, vector<16xf32>,
        %get3A_583 = arith.index_cast %scan3A_564 : i32 to index
        %get3A_584 = arith.constant 32 : index
        %get3A_585 = tpu.vector_load %arg9[%get3A_583, %get3A_584] {strides = array<i32>} : memref<48x64xf32, #tpu.memory_space<vmem>>, vector<16xf32>,
        %get3A_586 = arith.index_cast %scan3A_564 : i32 to index
        %get3A_587 = arith.constant 32 : index
        %get3A_588 = tpu.vector_load %arg10[%get3A_586, %get3A_587] {strides = array<i32>} : memref<48x64xf32, #tpu.memory_space<vmem>>, vector<16xf32>,
        %max3A_589 = arith.maximumf %get3A_585, %get3A_588 : vector<16xf32>
        %swap3A_590 = arith.index_cast %scan3A_564 : i32 to index
        %swap3A_591 = arith.constant 32 : index
        %swap3A_592 = tpu.vector_load %arg11[%swap3A_590, %swap3A_591] {strides = array<i32>} : memref<48x64xf32, #tpu.memory_space<vmem>>, vector<16xf32>,
        tpu.vector_store %arg11[%swap3A_590, %swap3A_591], %max3A_589 {strides = array<i32>} : memref<48x64xf32, #tpu.memory_space<vmem>>, vector<16xf32>,
        %get3A_593 = arith.index_cast %scan3A_564 : i32 to index
        %get3A_594 = arith.constant 48 : index
        %get3A_595 = tpu.vector_load %arg9[%get3A_593, %get3A_594] {strides = array<i32>} : memref<48x64xf32, #tpu.memory_space<vmem>>, vector<16xf32>,
        %get3A_596 = arith.index_cast %scan3A_564 : i32 to index
        %get3A_597 = arith.constant 48 : index
        %get3A_598 = tpu.vector_load %arg10[%get3A_596, %get3A_597] {strides = array<i32>} : memref<48x64xf32, #tpu.memory_space<vmem>>, vector<16xf32>,
        %max3A_599 = arith.maximumf %get3A_595, %get3A_598 : vector<16xf32>
        %swap3A_600 = arith.index_cast %scan3A_564 : i32 to index
        %swap3A_601 = arith.constant 48 : index
        %swap3A_602 = tpu.vector_load %arg11[%swap3A_600, %swap3A_601] {strides = array<i32>} : memref<48x64xf32, #tpu.memory_space<vmem>>, vector<16xf32>,
        tpu.vector_store %arg11[%swap3A_600, %swap3A_601], %max3A_599 {strides = array<i32>} : memref<48x64xf32, #tpu.memory_space<vmem>>, vector<16xf32>,
      }
      %scan3A_533 = arith.constant 48 : i32
      "tpu.region"() ({
        %run_scoped3A = tpu.sem_alloc : memref<!tpu.dma_semaphore, #tpu.memory_space<semaphore_mem>>
        %dma_start3A_564 = arith.constant 0 : i32
        %dma_start3A_565 = arith.constant 0 : i32
        %dma_start3A_566 = tpu.memref_slice %arg11[%dma_start3A_564, %dma_start3A_565] : memref<48x64xf32, #tpu.memory_space<vmem>> -> memref<48x64xf32, #tpu.memory_space<vmem>>
        %dma_start3A_567 = arith.constant 0 : i32
        %dma_start3A_568 = arith.constant 0 : i32
        %dma_start3A_569 = tpu.memref_slice %arg8[%dma_start3A_567, %dma_start3A_568] : memref<262x64xf32, #tpu.memory_space<hbm>> -> memref<48x64xf32, #tpu.memory_space<hbm>>
        %dma_start3A_570 = arith.constant 0 : i32
        %dma_start3A_571 = arith.constant 0 : i32
        %dma_start3A_572 = tpu.memref_slice %arg8[%dma_start3A_570, %dma_start3A_571] : memref<262x64xf32, #tpu.memory_space<hbm>> -> memref<48x64xf32, #tpu.memory_space<hbm>>
        %dma_start3A_573 = arith.constant 0 : i32
        %dma_start3A_574 = arith.constant 0 : i32
        %dma_start3A_575 = tpu.memref_slice %arg11[%dma_start3A_573, %dma_start3A_574] : memref<48x64xf32, #tpu.memory_space<vmem>> -> memref<48x64xf32, #tpu.memory_space<vmem>>
        tpu.enqueue_dma source(%dma_start3A_575 : memref<48x64xf32, #tpu.memory_space<vmem>>) target(%dma_start3A_572 : memref<48x64xf32, #tpu.memory_space<hbm>>) target_semaphore(%run_scoped3A : memref<!tpu.dma_semaphore, #tpu.memory_space<semaphore_mem>>)
        %dma_wait3A_576 = arith.constant 0 : i32
        %dma_wait3A_577 = arith.constant 0 : i32
        %dma_wait3A_578 = tpu.memref_slice %arg11[%dma_wait3A_576, %dma_wait3A_577] : memref<48x64xf32, #tpu.memory_space<vmem>> -> memref<48x64xf32, #tpu.memory_space<vmem>>
        %dma_wait3A_579 = arith.constant 0 : i32
        %dma_wait3A_580 = arith.constant 0 : i32
        %dma_wait3A_581 = tpu.memref_slice %arg8[%dma_wait3A_579, %dma_wait3A_580] : memref<262x64xf32, #tpu.memory_space<hbm>> -> memref<48x64xf32, #tpu.memory_space<hbm>>
        %dma_wait3A_582 = arith.constant 0 : i32
        %dma_wait3A_583 = arith.constant 0 : i32
        %dma_wait3A_584 = tpu.memref_slice %arg8[%dma_wait3A_582, %dma_wait3A_583] : memref<262x64xf32, #tpu.memory_space<hbm>> -> memref<48x64xf32, #tpu.memory_space<hbm>>
        %dma_wait3A_585 = arith.constant 0 : i32
        %dma_wait3A_586 = arith.constant 0 : i32
        %dma_wait3A_587 = tpu.memref_slice %arg11[%dma_wait3A_585, %dma_wait3A_586] : memref<48x64xf32, #tpu.memory_space<vmem>> -> memref<48x64xf32, #tpu.memory_space<vmem>>
        tpu.wait_dma2 semaphore(%run_scoped3A : memref<!tpu.dma_semaphore, #tpu.memory_space<semaphore_mem>>) src(%dma_wait3A_587 : memref<48x64xf32, #tpu.memory_space<vmem>>) dst(%dma_wait3A_584 : memref<48x64xf32, #tpu.memory_space<hbm>>)
        tpu.yield
      }) : () -> ()
      "tpu.region"() ({
        %run_scoped3A = tpu.sem_alloc : memref<!tpu.dma_semaphore, #tpu.memory_space<semaphore_mem>>
        %dma_start3A_564 = arith.constant 0 : i32
        %dma_start3A_565 = arith.constant 0 : i32
        %dma_start3A_566 = tpu.memref_slice %arg9[%dma_start3A_564, %dma_start3A_565] : memref<48x64xf32, #tpu.memory_space<vmem>> -> memref<48x64xf32, #tpu.memory_space<vmem>>
        %dma_start3A_567 = arith.constant 48 : i32
        %dma_start3A_568 = arith.constant 0 : i32
        %dma_start3A_569 = tpu.memref_slice %arg4[%dma_start3A_567, %dma_start3A_568] : memref<262x64xf32, #tpu.memory_space<hbm>> -> memref<48x64xf32, #tpu.memory_space<hbm>>
        %dma_start3A_570 = arith.constant 0 : i32
        %dma_start3A_571 = arith.constant 0 : i32
        %dma_start3A_572 = tpu.memref_slice %arg9[%dma_start3A_570, %dma_start3A_571] : memref<48x64xf32, #tpu.memory_space<vmem>> -> memref<48x64xf32, #tpu.memory_space<vmem>>
        %dma_start3A_573 = arith.constant 48 : i32
        %dma_start3A_574 = arith.constant 0 : i32
        %dma_start3A_575 = tpu.memref_slice %arg4[%dma_start3A_573, %dma_start3A_574] : memref<262x64xf32, #tpu.memory_space<hbm>> -> memref<48x64xf32, #tpu.memory_space<hbm>>
        tpu.enqueue_dma source(%dma_start3A_575 : memref<48x64xf32, #tpu.memory_space<hbm>>) target(%dma_start3A_572 : memref<48x64xf32, #tpu.memory_space<vmem>>) target_semaphore(%run_scoped3A : memref<!tpu.dma_semaphore, #tpu.memory_space<semaphore_mem>>)
        %dma_wait3A_576 = arith.constant 0 : i32
        %dma_wait3A_577 = arith.constant 0 : i32
        %dma_wait3A_578 = tpu.memref_slice %arg9[%dma_wait3A_576, %dma_wait3A_577] : memref<48x64xf32, #tpu.memory_space<vmem>> -> memref<48x64xf32, #tpu.memory_space<vmem>>
        %dma_wait3A_579 = arith.constant 48 : i32
        %dma_wait3A_580 = arith.constant 0 : i32
        %dma_wait3A_581 = tpu.memref_slice %arg4[%dma_wait3A_579, %dma_wait3A_580] : memref<262x64xf32, #tpu.memory_space<hbm>> -> memref<48x64xf32, #tpu.memory_space<hbm>>
        %dma_wait3A_582 = arith.constant 0 : i32
        %dma_wait3A_583 = arith.constant 0 : i32
        %dma_wait3A_584 = tpu.memref_slice %arg9[%dma_wait3A_582, %dma_wait3A_583] : memref<48x64xf32, #tpu.memory_space<vmem>> -> memref<48x64xf32, #tpu.memory_space<vmem>>
        %dma_wait3A_585 = arith.constant 48 : i32
        %dma_wait3A_586 = arith.constant 0 : i32
        %dma_wait3A_587 = tpu.memref_slice %arg4[%dma_wait3A_585, %dma_wait3A_586] : memref<262x64xf32, #tpu.memory_space<hbm>> -> memref<48x64xf32, #tpu.memory_space<hbm>>
        tpu.wait_dma2 semaphore(%run_scoped3A : memref<!tpu.dma_semaphore, #tpu.memory_space<semaphore_mem>>) src(%dma_wait3A_587 : memref<48x64xf32, #tpu.memory_space<hbm>>) dst(%dma_wait3A_584 : memref<48x64xf32, #tpu.memory_space<vmem>>)
        tpu.yield
      }) : () -> ()
      "tpu.region"() ({
        %run_scoped3A = tpu.sem_alloc : memref<!tpu.dma_semaphore, #tpu.memory_space<semaphore_mem>>
        %dma_start3A_564 = arith.constant 0 : i32
        %dma_start3A_565 = arith.constant 0 : i32
        %dma_start3A_566 = tpu.memref_slice %arg10[%dma_start3A_564, %dma_start3A_565] : memref<48x64xf32, #tpu.memory_space<vmem>> -> memref<48x64xf32, #tpu.memory_space<vmem>>
        %dma_start3A_567 = arith.constant 48 : i32
        %dma_start3A_568 = arith.constant 0 : i32
        %dma_start3A_569 = tpu.memref_slice %arg5[%dma_start3A_567, %dma_start3A_568] : memref<262x64xf32, #tpu.memory_space<hbm>> -> memref<48x64xf32, #tpu.memory_space<hbm>>
        %dma_start3A_570 = arith.constant 0 : i32
        %dma_start3A_571 = arith.constant 0 : i32
        %dma_start3A_572 = tpu.memref_slice %arg10[%dma_start3A_570, %dma_start3A_571] : memref<48x64xf32, #tpu.memory_space<vmem>> -> memref<48x64xf32, #tpu.memory_space<vmem>>
        %dma_start3A_573 = arith.constant 48 : i32
        %dma_start3A_574 = arith.constant 0 : i32
        %dma_start3A_575 = tpu.memref_slice %arg5[%dma_start3A_573, %dma_start3A_574] : memref<262x64xf32, #tpu.memory_space<hbm>> -> memref<48x64xf32, #tpu.memory_space<hbm>>
        tpu.enqueue_dma source(%dma_start3A_575 : memref<48x64xf32, #tpu.memory_space<hbm>>) target(%dma_start3A_572 : memref<48x64xf32, #tpu.memory_space<vmem>>) target_semaphore(%run_scoped3A : memref<!tpu.dma_semaphore, #tpu.memory_space<semaphore_mem>>)
        %dma_wait3A_576 = arith.constant 0 : i32
        %dma_wait3A_577 = arith.constant 0 : i32
        %dma_wait3A_578 = tpu.memref_slice %arg10[%dma_wait3A_576, %dma_wait3A_577] : memref<48x64xf32, #tpu.memory_space<vmem>> -> memref<48x64xf32, #tpu.memory_space<vmem>>
        %dma_wait3A_579 = arith.constant 48 : i32
        %dma_wait3A_580 = arith.constant 0 : i32
        %dma_wait3A_581 = tpu.memref_slice %arg5[%dma_wait3A_579, %dma_wait3A_580] : memref<262x64xf32, #tpu.memory_space<hbm>> -> memref<48x64xf32, #tpu.memory_space<hbm>>
        %dma_wait3A_582 = arith.constant 0 : i32
        %dma_wait3A_583 = arith.constant 0 : i32
        %dma_wait3A_584 = tpu.memref_slice %arg10[%dma_wait3A_582, %dma_wait3A_583] : memref<48x64xf32, #tpu.memory_space<vmem>> -> memref<48x64xf32, #tpu.memory_space<vmem>>
        %dma_wait3A_585 = arith.constant 48 : i32
        %dma_wait3A_586 = arith.constant 0 : i32
        %dma_wait3A_587 = tpu.memref_slice %arg5[%dma_wait3A_585, %dma_wait3A_586] : memref<262x64xf32, #tpu.memory_space<hbm>> -> memref<48x64xf32, #tpu.memory_space<hbm>>
        tpu.wait_dma2 semaphore(%run_scoped3A : memref<!tpu.dma_semaphore, #tpu.memory_space<semaphore_mem>>) src(%dma_wait3A_587 : memref<48x64xf32, #tpu.memory_space<hbm>>) dst(%dma_wait3A_584 : memref<48x64xf32, #tpu.memory_space<vmem>>)
        tpu.yield
      }) : () -> ()
      %scan3A_534 = arith.constant 0 : i32
      %scan3A_535 = arith.constant 0 : i32
      %scan3A_536 = arith.constant 48 : i32
      %scan3A_537 = arith.addi %scan3A_535, %scan3A_536 : i32
      %scan3A_538 = arith.constant 1 : i32
      scf.for %scan3A_564 = %scan3A_535 to %scan3A_537 step %scan3A_538  : i32 {
        %get3A = arith.index_cast %scan3A_564 : i32 to index
        %get3A_565 = arith.constant 0 : index
        %get3A_566 = tpu.vector_load %arg9[%get3A, %get3A_565] {strides = array<i32>} : memref<48x64xf32, #tpu.memory_space<vmem>>, vector<16xf32>,
        %get3A_567 = arith.index_cast %scan3A_564 : i32 to index
        %get3A_568 = arith.constant 0 : index
        %get3A_569 = tpu.vector_load %arg10[%get3A_567, %get3A_568] {strides = array<i32>} : memref<48x64xf32, #tpu.memory_space<vmem>>, vector<16xf32>,
        %max3A = arith.maximumf %get3A_566, %get3A_569 : vector<16xf32>
        %swap3A_570 = arith.index_cast %scan3A_564 : i32 to index
        %swap3A_571 = arith.constant 0 : index
        %swap3A_572 = tpu.vector_load %arg11[%swap3A_570, %swap3A_571] {strides = array<i32>} : memref<48x64xf32, #tpu.memory_space<vmem>>, vector<16xf32>,
        tpu.vector_store %arg11[%swap3A_570, %swap3A_571], %max3A {strides = array<i32>} : memref<48x64xf32, #tpu.memory_space<vmem>>, vector<16xf32>,
        %get3A_573 = arith.index_cast %scan3A_564 : i32 to index
        %get3A_574 = arith.constant 16 : index
        %get3A_575 = tpu.vector_load %arg9[%get3A_573, %get3A_574] {strides = array<i32>} : memref<48x64xf32, #tpu.memory_space<vmem>>, vector<16xf32>,
        %get3A_576 = arith.index_cast %scan3A_564 : i32 to index
        %get3A_577 = arith.constant 16 : index
        %get3A_578 = tpu.vector_load %arg10[%get3A_576, %get3A_577] {strides = array<i32>} : memref<48x64xf32, #tpu.memory_space<vmem>>, vector<16xf32>,
        %max3A_579 = arith.maximumf %get3A_575, %get3A_578 : vector<16xf32>
        %swap3A_580 = arith.index_cast %scan3A_564 : i32 to index
        %swap3A_581 = arith.constant 16 : index
        %swap3A_582 = tpu.vector_load %arg11[%swap3A_580, %swap3A_581] {strides = array<i32>} : memref<48x64xf32, #tpu.memory_space<vmem>>, vector<16xf32>,
        tpu.vector_store %arg11[%swap3A_580, %swap3A_581], %max3A_579 {strides = array<i32>} : memref<48x64xf32, #tpu.memory_space<vmem>>, vector<16xf32>,
        %get3A_583 = arith.index_cast %scan3A_564 : i32 to index
        %get3A_584 = arith.constant 32 : index
        %get3A_585 = tpu.vector_load %arg9[%get3A_583, %get3A_584] {strides = array<i32>} : memref<48x64xf32, #tpu.memory_space<vmem>>, vector<16xf32>,
        %get3A_586 = arith.index_cast %scan3A_564 : i32 to index
        %get3A_587 = arith.constant 32 : index
        %get3A_588 = tpu.vector_load %arg10[%get3A_586, %get3A_587] {strides = array<i32>} : memref<48x64xf32, #tpu.memory_space<vmem>>, vector<16xf32>,
        %max3A_589 = arith.maximumf %get3A_585, %get3A_588 : vector<16xf32>
        %swap3A_590 = arith.index_cast %scan3A_564 : i32 to index
        %swap3A_591 = arith.constant 32 : index
        %swap3A_592 = tpu.vector_load %arg11[%swap3A_590, %swap3A_591] {strides = array<i32>} : memref<48x64xf32, #tpu.memory_space<vmem>>, vector<16xf32>,
        tpu.vector_store %arg11[%swap3A_590, %swap3A_591], %max3A_589 {strides = array<i32>} : memref<48x64xf32, #tpu.memory_space<vmem>>, vector<16xf32>,
        %get3A_593 = arith.index_cast %scan3A_564 : i32 to index
        %get3A_594 = arith.constant 48 : index
        %get3A_595 = tpu.vector_load %arg9[%get3A_593, %get3A_594] {strides = array<i32>} : memref<48x64xf32, #tpu.memory_space<vmem>>, vector<16xf32>,
        %get3A_596 = arith.index_cast %scan3A_564 : i32 to index
        %get3A_597 = arith.constant 48 : index
        %get3A_598 = tpu.vector_load %arg10[%get3A_596, %get3A_597] {strides = array<i32>} : memref<48x64xf32, #tpu.memory_space<vmem>>, vector<16xf32>,
        %max3A_599 = arith.maximumf %get3A_595, %get3A_598 : vector<16xf32>
        %swap3A_600 = arith.index_cast %scan3A_564 : i32 to index
        %swap3A_601 = arith.constant 48 : index
        %swap3A_602 = tpu.vector_load %arg11[%swap3A_600, %swap3A_601] {strides = array<i32>} : memref<48x64xf32, #tpu.memory_space<vmem>>, vector<16xf32>,
        tpu.vector_store %arg11[%swap3A_600, %swap3A_601], %max3A_599 {strides = array<i32>} : memref<48x64xf32, #tpu.memory_space<vmem>>, vector<16xf32>,
      }
      %scan3A_539 = arith.constant 48 : i32
      "tpu.region"() ({
        %run_scoped3A = tpu.sem_alloc : memref<!tpu.dma_semaphore, #tpu.memory_space<semaphore_mem>>
        %dma_start3A_564 = arith.constant 0 : i32
        %dma_start3A_565 = arith.constant 0 : i32
        %dma_start3A_566 = tpu.memref_slice %arg11[%dma_start3A_564, %dma_start3A_565] : memref<48x64xf32, #tpu.memory_space<vmem>> -> memref<48x64xf32, #tpu.memory_space<vmem>>
        %dma_start3A_567 = arith.constant 48 : i32
        %dma_start3A_568 = arith.constant 0 : i32
        %dma_start3A_569 = tpu.memref_slice %arg8[%dma_start3A_567, %dma_start3A_568] : memref<262x64xf32, #tpu.memory_space<hbm>> -> memref<48x64xf32, #tpu.memory_space<hbm>>
        %dma_start3A_570 = arith.constant 48 : i32
        %dma_start3A_571 = arith.constant 0 : i32
        %dma_start3A_572 = tpu.memref_slice %arg8[%dma_start3A_570, %dma_start3A_571] : memref<262x64xf32, #tpu.memory_space<hbm>> -> memref<48x64xf32, #tpu.memory_space<hbm>>
        %dma_start3A_573 = arith.constant 0 : i32
        %dma_start3A_574 = arith.constant 0 : i32
        %dma_start3A_575 = tpu.memref_slice %arg11[%dma_start3A_573, %dma_start3A_574] : memref<48x64xf32, #tpu.memory_space<vmem>> -> memref<48x64xf32, #tpu.memory_space<vmem>>
        tpu.enqueue_dma source(%dma_start3A_575 : memref<48x64xf32, #tpu.memory_space<vmem>>) target(%dma_start3A_572 : memref<48x64xf32, #tpu.memory_space<hbm>>) target_semaphore(%run_scoped3A : memref<!tpu.dma_semaphore, #tpu.memory_space<semaphore_mem>>)
        %dma_wait3A_576 = arith.constant 0 : i32
        %dma_wait3A_577 = arith.constant 0 : i32
        %dma_wait3A_578 = tpu.memref_slice %arg11[%dma_wait3A_576, %dma_wait3A_577] : memref<48x64xf32, #tpu.memory_space<vmem>> -> memref<48x64xf32, #tpu.memory_space<vmem>>
        %dma_wait3A_579 = arith.constant 48 : i32
        %dma_wait3A_580 = arith.constant 0 : i32
        %dma_wait3A_581 = tpu.memref_slice %arg8[%dma_wait3A_579, %dma_wait3A_580] : memref<262x64xf32, #tpu.memory_space<hbm>> -> memref<48x64xf32, #tpu.memory_space<hbm>>
        %dma_wait3A_582 = arith.constant 48 : i32
        %dma_wait3A_583 = arith.constant 0 : i32
        %dma_wait3A_584 = tpu.memref_slice %arg8[%dma_wait3A_582, %dma_wait3A_583] : memref<262x64xf32, #tpu.memory_space<hbm>> -> memref<48x64xf32, #tpu.memory_space<hbm>>
        %dma_wait3A_585 = arith.constant 0 : i32
        %dma_wait3A_586 = arith.constant 0 : i32
        %dma_wait3A_587 = tpu.memref_slice %arg11[%dma_wait3A_585, %dma_wait3A_586] : memref<48x64xf32, #tpu.memory_space<vmem>> -> memref<48x64xf32, #tpu.memory_space<vmem>>
        tpu.wait_dma2 semaphore(%run_scoped3A : memref<!tpu.dma_semaphore, #tpu.memory_space<semaphore_mem>>) src(%dma_wait3A_587 : memref<48x64xf32, #tpu.memory_space<vmem>>) dst(%dma_wait3A_584 : memref<48x64xf32, #tpu.memory_space<hbm>>)
        tpu.yield
      }) : () -> ()
      "tpu.region"() ({
        %run_scoped3A = tpu.sem_alloc : memref<!tpu.dma_semaphore, #tpu.memory_space<semaphore_mem>>
        %dma_start3A_564 = arith.constant 0 : i32
        %dma_start3A_565 = arith.constant 0 : i32
        %dma_start3A_566 = tpu.memref_slice %arg9[%dma_start3A_564, %dma_start3A_565] : memref<48x64xf32, #tpu.memory_space<vmem>> -> memref<48x64xf32, #tpu.memory_space<vmem>>
        %dma_start3A_567 = arith.constant 96 : i32
        %dma_start3A_568 = arith.constant 0 : i32
        %dma_start3A_569 = tpu.memref_slice %arg4[%dma_start3A_567, %dma_start3A_568] : memref<262x64xf32, #tpu.memory_space<hbm>> -> memref<48x64xf32, #tpu.memory_space<hbm>>
        %dma_start3A_570 = arith.constant 0 : i32
        %dma_start3A_571 = arith.constant 0 : i32
        %dma_start3A_572 = tpu.memref_slice %arg9[%dma_start3A_570, %dma_start3A_571] : memref<48x64xf32, #tpu.memory_space<vmem>> -> memref<48x64xf32, #tpu.memory_space<vmem>>
        %dma_start3A_573 = arith.constant 96 : i32
        %dma_start3A_574 = arith.constant 0 : i32
        %dma_start3A_575 = tpu.memref_slice %arg4[%dma_start3A_573, %dma_start3A_574] : memref<262x64xf32, #tpu.memory_space<hbm>> -> memref<48x64xf32, #tpu.memory_space<hbm>>
        tpu.enqueue_dma source(%dma_start3A_575 : memref<48x64xf32, #tpu.memory_space<hbm>>) target(%dma_start3A_572 : memref<48x64xf32, #tpu.memory_space<vmem>>) target_semaphore(%run_scoped3A : memref<!tpu.dma_semaphore, #tpu.memory_space<semaphore_mem>>)
        %dma_wait3A_576 = arith.constant 0 : i32
        %dma_wait3A_577 = arith.constant 0 : i32
        %dma_wait3A_578 = tpu.memref_slice %arg9[%dma_wait3A_576, %dma_wait3A_577] : memref<48x64xf32, #tpu.memory_space<vmem>> -> memref<48x64xf32, #tpu.memory_space<vmem>>
        %dma_wait3A_579 = arith.constant 96 : i32
        %dma_wait3A_580 = arith.constant 0 : i32
        %dma_wait3A_581 = tpu.memref_slice %arg4[%dma_wait3A_579, %dma_wait3A_580] : memref<262x64xf32, #tpu.memory_space<hbm>> -> memref<48x64xf32, #tpu.memory_space<hbm>>
        %dma_wait3A_582 = arith.constant 0 : i32
        %dma_wait3A_583 = arith.constant 0 : i32
        %dma_wait3A_584 = tpu.memref_slice %arg9[%dma_wait3A_582, %dma_wait3A_583] : memref<48x64xf32, #tpu.memory_space<vmem>> -> memref<48x64xf32, #tpu.memory_space<vmem>>
        %dma_wait3A_585 = arith.constant 96 : i32
        %dma_wait3A_586 = arith.constant 0 : i32
        %dma_wait3A_587 = tpu.memref_slice %arg4[%dma_wait3A_585, %dma_wait3A_586] : memref<262x64xf32, #tpu.memory_space<hbm>> -> memref<48x64xf32, #tpu.memory_space<hbm>>
        tpu.wait_dma2 semaphore(%run_scoped3A : memref<!tpu.dma_semaphore, #tpu.memory_space<semaphore_mem>>) src(%dma_wait3A_587 : memref<48x64xf32, #tpu.memory_space<hbm>>) dst(%dma_wait3A_584 : memref<48x64xf32, #tpu.memory_space<vmem>>)
        tpu.yield
      }) : () -> ()
      "tpu.region"() ({
        %run_scoped3A = tpu.sem_alloc : memref<!tpu.dma_semaphore, #tpu.memory_space<semaphore_mem>>
        %dma_start3A_564 = arith.constant 0 : i32
        %dma_start3A_565 = arith.constant 0 : i32
        %dma_start3A_566 = tpu.memref_slice %arg10[%dma_start3A_564, %dma_start3A_565] : memref<48x64xf32, #tpu.memory_space<vmem>> -> memref<48x64xf32, #tpu.memory_space<vmem>>
        %dma_start3A_567 = arith.constant 96 : i32
        %dma_start3A_568 = arith.constant 0 : i32
        %dma_start3A_569 = tpu.memref_slice %arg5[%dma_start3A_567, %dma_start3A_568] : memref<262x64xf32, #tpu.memory_space<hbm>> -> memref<48x64xf32, #tpu.memory_space<hbm>>
        %dma_start3A_570 = arith.constant 0 : i32
        %dma_start3A_571 = arith.constant 0 : i32
        %dma_start3A_572 = tpu.memref_slice %arg10[%dma_start3A_570, %dma_start3A_571] : memref<48x64xf32, #tpu.memory_space<vmem>> -> memref<48x64xf32, #tpu.memory_space<vmem>>
        %dma_start3A_573 = arith.constant 96 : i32
        %dma_start3A_574 = arith.constant 0 : i32
        %dma_start3A_575 = tpu.memref_slice %arg5[%dma_start3A_573, %dma_start3A_574] : memref<262x64xf32, #tpu.memory_space<hbm>> -> memref<48x64xf32, #tpu.memory_space<hbm>>
        tpu.enqueue_dma source(%dma_start3A_575 : memref<48x64xf32, #tpu.memory_space<hbm>>) target(%dma_start3A_572 : memref<48x64xf32, #tpu.memory_space<vmem>>) target_semaphore(%run_scoped3A : memref<!tpu.dma_semaphore, #tpu.memory_space<semaphore_mem>>)
        %dma_wait3A_576 = arith.constant 0 : i32
        %dma_wait3A_577 = arith.constant 0 : i32
        %dma_wait3A_578 = tpu.memref_slice %arg10[%dma_wait3A_576, %dma_wait3A_577] : memref<48x64xf32, #tpu.memory_space<vmem>> -> memref<48x64xf32, #tpu.memory_space<vmem>>
        %dma_wait3A_579 = arith.constant 96 : i32
        %dma_wait3A_580 = arith.constant 0 : i32
        %dma_wait3A_581 = tpu.memref_slice %arg5[%dma_wait3A_579, %dma_wait3A_580] : memref<262x64xf32, #tpu.memory_space<hbm>> -> memref<48x64xf32, #tpu.memory_space<hbm>>
        %dma_wait3A_582 = arith.constant 0 : i32
        %dma_wait3A_583 = arith.constant 0 : i32
        %dma_wait3A_584 = tpu.memref_slice %arg10[%dma_wait3A_582, %dma_wait3A_583] : memref<48x64xf32, #tpu.memory_space<vmem>> -> memref<48x64xf32, #tpu.memory_space<vmem>>
        %dma_wait3A_585 = arith.constant 96 : i32
        %dma_wait3A_586 = arith.constant 0 : i32
        %dma_wait3A_587 = tpu.memref_slice %arg5[%dma_wait3A_585, %dma_wait3A_586] : memref<262x64xf32, #tpu.memory_space<hbm>> -> memref<48x64xf32, #tpu.memory_space<hbm>>
        tpu.wait_dma2 semaphore(%run_scoped3A : memref<!tpu.dma_semaphore, #tpu.memory_space<semaphore_mem>>) src(%dma_wait3A_587 : memref<48x64xf32, #tpu.memory_space<hbm>>) dst(%dma_wait3A_584 : memref<48x64xf32, #tpu.memory_space<vmem>>)
        tpu.yield
      }) : () -> ()
      %scan3A_540 = arith.constant 0 : i32
      %scan3A_541 = arith.constant 0 : i32
      %scan3A_542 = arith.constant 48 : i32
      %scan3A_543 = arith.addi %scan3A_541, %scan3A_542 : i32
      %scan3A_544 = arith.constant 1 : i32
      scf.for %scan3A_564 = %scan3A_541 to %scan3A_543 step %scan3A_544  : i32 {
        %get3A = arith.index_cast %scan3A_564 : i32 to index
        %get3A_565 = arith.constant 0 : index
        %get3A_566 = tpu.vector_load %arg9[%get3A, %get3A_565] {strides = array<i32>} : memref<48x64xf32, #tpu.memory_space<vmem>>, vector<16xf32>,
        %get3A_567 = arith.index_cast %scan3A_564 : i32 to index
        %get3A_568 = arith.constant 0 : index
        %get3A_569 = tpu.vector_load %arg10[%get3A_567, %get3A_568] {strides = array<i32>} : memref<48x64xf32, #tpu.memory_space<vmem>>, vector<16xf32>,
        %max3A = arith.maximumf %get3A_566, %get3A_569 : vector<16xf32>
        %swap3A_570 = arith.index_cast %scan3A_564 : i32 to index
        %swap3A_571 = arith.constant 0 : index
        %swap3A_572 = tpu.vector_load %arg11[%swap3A_570, %swap3A_571] {strides = array<i32>} : memref<48x64xf32, #tpu.memory_space<vmem>>, vector<16xf32>,
        tpu.vector_store %arg11[%swap3A_570, %swap3A_571], %max3A {strides = array<i32>} : memref<48x64xf32, #tpu.memory_space<vmem>>, vector<16xf32>,
        %get3A_573 = arith.index_cast %scan3A_564 : i32 to index
        %get3A_574 = arith.constant 16 : index
        %get3A_575 = tpu.vector_load %arg9[%get3A_573, %get3A_574] {strides = array<i32>} : memref<48x64xf32, #tpu.memory_space<vmem>>, vector<16xf32>,
        %get3A_576 = arith.index_cast %scan3A_564 : i32 to index
        %get3A_577 = arith.constant 16 : index
        %get3A_578 = tpu.vector_load %arg10[%get3A_576, %get3A_577] {strides = array<i32>} : memref<48x64xf32, #tpu.memory_space<vmem>>, vector<16xf32>,
        %max3A_579 = arith.maximumf %get3A_575, %get3A_578 : vector<16xf32>
        %swap3A_580 = arith.index_cast %scan3A_564 : i32 to index
        %swap3A_581 = arith.constant 16 : index
        %swap3A_582 = tpu.vector_load %arg11[%swap3A_580, %swap3A_581] {strides = array<i32>} : memref<48x64xf32, #tpu.memory_space<vmem>>, vector<16xf32>,
        tpu.vector_store %arg11[%swap3A_580, %swap3A_581], %max3A_579 {strides = array<i32>} : memref<48x64xf32, #tpu.memory_space<vmem>>, vector<16xf32>,
        %get3A_583 = arith.index_cast %scan3A_564 : i32 to index
        %get3A_584 = arith.constant 32 : index
        %get3A_585 = tpu.vector_load %arg9[%get3A_583, %get3A_584] {strides = array<i32>} : memref<48x64xf32, #tpu.memory_space<vmem>>, vector<16xf32>,
        %get3A_586 = arith.index_cast %scan3A_564 : i32 to index
        %get3A_587 = arith.constant 32 : index
        %get3A_588 = tpu.vector_load %arg10[%get3A_586, %get3A_587] {strides = array<i32>} : memref<48x64xf32, #tpu.memory_space<vmem>>, vector<16xf32>,
        %max3A_589 = arith.maximumf %get3A_585, %get3A_588 : vector<16xf32>
        %swap3A_590 = arith.index_cast %scan3A_564 : i32 to index
        %swap3A_591 = arith.constant 32 : index
        %swap3A_592 = tpu.vector_load %arg11[%swap3A_590, %swap3A_591] {strides = array<i32>} : memref<48x64xf32, #tpu.memory_space<vmem>>, vector<16xf32>,
        tpu.vector_store %arg11[%swap3A_590, %swap3A_591], %max3A_589 {strides = array<i32>} : memref<48x64xf32, #tpu.memory_space<vmem>>, vector<16xf32>,
        %get3A_593 = arith.index_cast %scan3A_564 : i32 to index
        %get3A_594 = arith.constant 48 : index
        %get3A_595 = tpu.vector_load %arg9[%get3A_593, %get3A_594] {strides = array<i32>} : memref<48x64xf32, #tpu.memory_space<vmem>>, vector<16xf32>,
        %get3A_596 = arith.index_cast %scan3A_564 : i32 to index
        %get3A_597 = arith.constant 48 : index
        %get3A_598 = tpu.vector_load %arg10[%get3A_596, %get3A_597] {strides = array<i32>} : memref<48x64xf32, #tpu.memory_space<vmem>>, vector<16xf32>,
        %max3A_599 = arith.maximumf %get3A_595, %get3A_598 : vector<16xf32>
        %swap3A_600 = arith.index_cast %scan3A_564 : i32 to index
        %swap3A_601 = arith.constant 48 : index
        %swap3A_602 = tpu.vector_load %arg11[%swap3A_600, %swap3A_601] {strides = array<i32>} : memref<48x64xf32, #tpu.memory_space<vmem>>, vector<16xf32>,
        tpu.vector_store %arg11[%swap3A_600, %swap3A_601], %max3A_599 {strides = array<i32>} : memref<48x64xf32, #tpu.memory_space<vmem>>, vector<16xf32>,
      }
      %scan3A_545 = arith.constant 48 : i32
      "tpu.region"() ({
        %run_scoped3A = tpu.sem_alloc : memref<!tpu.dma_semaphore, #tpu.memory_space<semaphore_mem>>
        %dma_start3A_564 = arith.constant 0 : i32
        %dma_start3A_565 = arith.constant 0 : i32
        %dma_start3A_566 = tpu.memref_slice %arg11[%dma_start3A_564, %dma_start3A_565] : memref<48x64xf32, #tpu.memory_space<vmem>> -> memref<48x64xf32, #tpu.memory_space<vmem>>
        %dma_start3A_567 = arith.constant 96 : i32
        %dma_start3A_568 = arith.constant 0 : i32
        %dma_start3A_569 = tpu.memref_slice %arg8[%dma_start3A_567, %dma_start3A_568] : memref<262x64xf32, #tpu.memory_space<hbm>> -> memref<48x64xf32, #tpu.memory_space<hbm>>
        %dma_start3A_570 = arith.constant 96 : i32
        %dma_start3A_571 = arith.constant 0 : i32
        %dma_start3A_572 = tpu.memref_slice %arg8[%dma_start3A_570, %dma_start3A_571] : memref<262x64xf32, #tpu.memory_space<hbm>> -> memref<48x64xf32, #tpu.memory_space<hbm>>
        %dma_start3A_573 = arith.constant 0 : i32
        %dma_start3A_574 = arith.constant 0 : i32
        %dma_start3A_575 = tpu.memref_slice %arg11[%dma_start3A_573, %dma_start3A_574] : memref<48x64xf32, #tpu.memory_space<vmem>> -> memref<48x64xf32, #tpu.memory_space<vmem>>
        tpu.enqueue_dma source(%dma_start3A_575 : memref<48x64xf32, #tpu.memory_space<vmem>>) target(%dma_start3A_572 : memref<48x64xf32, #tpu.memory_space<hbm>>) target_semaphore(%run_scoped3A : memref<!tpu.dma_semaphore, #tpu.memory_space<semaphore_mem>>)
        %dma_wait3A_576 = arith.constant 0 : i32
        %dma_wait3A_577 = arith.constant 0 : i32
        %dma_wait3A_578 = tpu.memref_slice %arg11[%dma_wait3A_576, %dma_wait3A_577] : memref<48x64xf32, #tpu.memory_space<vmem>> -> memref<48x64xf32, #tpu.memory_space<vmem>>
        %dma_wait3A_579 = arith.constant 96 : i32
        %dma_wait3A_580 = arith.constant 0 : i32
        %dma_wait3A_581 = tpu.memref_slice %arg8[%dma_wait3A_579, %dma_wait3A_580] : memref<262x64xf32, #tpu.memory_space<hbm>> -> memref<48x64xf32, #tpu.memory_space<hbm>>
        %dma_wait3A_582 = arith.constant 96 : i32
        %dma_wait3A_583 = arith.constant 0 : i32
        %dma_wait3A_584 = tpu.memref_slice %arg8[%dma_wait3A_582, %dma_wait3A_583] : memref<262x64xf32, #tpu.memory_space<hbm>> -> memref<48x64xf32, #tpu.memory_space<hbm>>
        %dma_wait3A_585 = arith.constant 0 : i32
        %dma_wait3A_586 = arith.constant 0 : i32
        %dma_wait3A_587 = tpu.memref_slice %arg11[%dma_wait3A_585, %dma_wait3A_586] : memref<48x64xf32, #tpu.memory_space<vmem>> -> memref<48x64xf32, #tpu.memory_space<vmem>>
        tpu.wait_dma2 semaphore(%run_scoped3A : memref<!tpu.dma_semaphore, #tpu.memory_space<semaphore_mem>>) src(%dma_wait3A_587 : memref<48x64xf32, #tpu.memory_space<vmem>>) dst(%dma_wait3A_584 : memref<48x64xf32, #tpu.memory_space<hbm>>)
        tpu.yield
      }) : () -> ()
      "tpu.region"() ({
        %run_scoped3A = tpu.sem_alloc : memref<!tpu.dma_semaphore, #tpu.memory_space<semaphore_mem>>
        %dma_start3A_564 = arith.constant 0 : i32
        %dma_start3A_565 = arith.constant 0 : i32
        %dma_start3A_566 = tpu.memref_slice %arg9[%dma_start3A_564, %dma_start3A_565] : memref<48x64xf32, #tpu.memory_space<vmem>> -> memref<48x64xf32, #tpu.memory_space<vmem>>
        %dma_start3A_567 = arith.constant 144 : i32
        %dma_start3A_568 = arith.constant 0 : i32
        %dma_start3A_569 = tpu.memref_slice %arg4[%dma_start3A_567, %dma_start3A_568] : memref<262x64xf32, #tpu.memory_space<hbm>> -> memref<48x64xf32, #tpu.memory_space<hbm>>
        %dma_start3A_570 = arith.constant 0 : i32
        %dma_start3A_571 = arith.constant 0 : i32
        %dma_start3A_572 = tpu.memref_slice %arg9[%dma_start3A_570, %dma_start3A_571] : memref<48x64xf32, #tpu.memory_space<vmem>> -> memref<48x64xf32, #tpu.memory_space<vmem>>
        %dma_start3A_573 = arith.constant 144 : i32
        %dma_start3A_574 = arith.constant 0 : i32
        %dma_start3A_575 = tpu.memref_slice %arg4[%dma_start3A_573, %dma_start3A_574] : memref<262x64xf32, #tpu.memory_space<hbm>> -> memref<48x64xf32, #tpu.memory_space<hbm>>
        tpu.enqueue_dma source(%dma_start3A_575 : memref<48x64xf32, #tpu.memory_space<hbm>>) target(%dma_start3A_572 : memref<48x64xf32, #tpu.memory_space<vmem>>) target_semaphore(%run_scoped3A : memref<!tpu.dma_semaphore, #tpu.memory_space<semaphore_mem>>)
        %dma_wait3A_576 = arith.constant 0 : i32
        %dma_wait3A_577 = arith.constant 0 : i32
        %dma_wait3A_578 = tpu.memref_slice %arg9[%dma_wait3A_576, %dma_wait3A_577] : memref<48x64xf32, #tpu.memory_space<vmem>> -> memref<48x64xf32, #tpu.memory_space<vmem>>
        %dma_wait3A_579 = arith.constant 144 : i32
        %dma_wait3A_580 = arith.constant 0 : i32
        %dma_wait3A_581 = tpu.memref_slice %arg4[%dma_wait3A_579, %dma_wait3A_580] : memref<262x64xf32, #tpu.memory_space<hbm>> -> memref<48x64xf32, #tpu.memory_space<hbm>>
        %dma_wait3A_582 = arith.constant 0 : i32
        %dma_wait3A_583 = arith.constant 0 : i32
        %dma_wait3A_584 = tpu.memref_slice %arg9[%dma_wait3A_582, %dma_wait3A_583] : memref<48x64xf32, #tpu.memory_space<vmem>> -> memref<48x64xf32, #tpu.memory_space<vmem>>
        %dma_wait3A_585 = arith.constant 144 : i32
        %dma_wait3A_586 = arith.constant 0 : i32
        %dma_wait3A_587 = tpu.memref_slice %arg4[%dma_wait3A_585, %dma_wait3A_586] : memref<262x64xf32, #tpu.memory_space<hbm>> -> memref<48x64xf32, #tpu.memory_space<hbm>>
        tpu.wait_dma2 semaphore(%run_scoped3A : memref<!tpu.dma_semaphore, #tpu.memory_space<semaphore_mem>>) src(%dma_wait3A_587 : memref<48x64xf32, #tpu.memory_space<hbm>>) dst(%dma_wait3A_584 : memref<48x64xf32, #tpu.memory_space<vmem>>)
        tpu.yield
      }) : () -> ()
      "tpu.region"() ({
        %run_scoped3A = tpu.sem_alloc : memref<!tpu.dma_semaphore, #tpu.memory_space<semaphore_mem>>
        %dma_start3A_564 = arith.constant 0 : i32
        %dma_start3A_565 = arith.constant 0 : i32
        %dma_start3A_566 = tpu.memref_slice %arg10[%dma_start3A_564, %dma_start3A_565] : memref<48x64xf32, #tpu.memory_space<vmem>> -> memref<48x64xf32, #tpu.memory_space<vmem>>
        %dma_start3A_567 = arith.constant 144 : i32
        %dma_start3A_568 = arith.constant 0 : i32
        %dma_start3A_569 = tpu.memref_slice %arg5[%dma_start3A_567, %dma_start3A_568] : memref<262x64xf32, #tpu.memory_space<hbm>> -> memref<48x64xf32, #tpu.memory_space<hbm>>
        %dma_start3A_570 = arith.constant 0 : i32
        %dma_start3A_571 = arith.constant 0 : i32
        %dma_start3A_572 = tpu.memref_slice %arg10[%dma_start3A_570, %dma_start3A_571] : memref<48x64xf32, #tpu.memory_space<vmem>> -> memref<48x64xf32, #tpu.memory_space<vmem>>
        %dma_start3A_573 = arith.constant 144 : i32
        %dma_start3A_574 = arith.constant 0 : i32
        %dma_start3A_575 = tpu.memref_slice %arg5[%dma_start3A_573, %dma_start3A_574] : memref<262x64xf32, #tpu.memory_space<hbm>> -> memref<48x64xf32, #tpu.memory_space<hbm>>
        tpu.enqueue_dma source(%dma_start3A_575 : memref<48x64xf32, #tpu.memory_space<hbm>>) target(%dma_start3A_572 : memref<48x64xf32, #tpu.memory_space<vmem>>) target_semaphore(%run_scoped3A : memref<!tpu.dma_semaphore, #tpu.memory_space<semaphore_mem>>)
        %dma_wait3A_576 = arith.constant 0 : i32
        %dma_wait3A_577 = arith.constant 0 : i32
        %dma_wait3A_578 = tpu.memref_slice %arg10[%dma_wait3A_576, %dma_wait3A_577] : memref<48x64xf32, #tpu.memory_space<vmem>> -> memref<48x64xf32, #tpu.memory_space<vmem>>
        %dma_wait3A_579 = arith.constant 144 : i32
        %dma_wait3A_580 = arith.constant 0 : i32
        %dma_wait3A_581 = tpu.memref_slice %arg5[%dma_wait3A_579, %dma_wait3A_580] : memref<262x64xf32, #tpu.memory_space<hbm>> -> memref<48x64xf32, #tpu.memory_space<hbm>>
        %dma_wait3A_582 = arith.constant 0 : i32
        %dma_wait3A_583 = arith.constant 0 : i32
        %dma_wait3A_584 = tpu.memref_slice %arg10[%dma_wait3A_582, %dma_wait3A_583] : memref<48x64xf32, #tpu.memory_space<vmem>> -> memref<48x64xf32, #tpu.memory_space<vmem>>
        %dma_wait3A_585 = arith.constant 144 : i32
        %dma_wait3A_586 = arith.constant 0 : i32
        %dma_wait3A_587 = tpu.memref_slice %arg5[%dma_wait3A_585, %dma_wait3A_586] : memref<262x64xf32, #tpu.memory_space<hbm>> -> memref<48x64xf32, #tpu.memory_space<hbm>>
        tpu.wait_dma2 semaphore(%run_scoped3A : memref<!tpu.dma_semaphore, #tpu.memory_space<semaphore_mem>>) src(%dma_wait3A_587 : memref<48x64xf32, #tpu.memory_space<hbm>>) dst(%dma_wait3A_584 : memref<48x64xf32, #tpu.memory_space<vmem>>)
        tpu.yield
      }) : () -> ()
      %scan3A_546 = arith.constant 0 : i32
      %scan3A_547 = arith.constant 0 : i32
      %scan3A_548 = arith.constant 48 : i32
      %scan3A_549 = arith.addi %scan3A_547, %scan3A_548 : i32
      %scan3A_550 = arith.constant 1 : i32
      scf.for %scan3A_564 = %scan3A_547 to %scan3A_549 step %scan3A_550  : i32 {
        %get3A = arith.index_cast %scan3A_564 : i32 to index
        %get3A_565 = arith.constant 0 : index
        %get3A_566 = tpu.vector_load %arg9[%get3A, %get3A_565] {strides = array<i32>} : memref<48x64xf32, #tpu.memory_space<vmem>>, vector<16xf32>,
        %get3A_567 = arith.index_cast %scan3A_564 : i32 to index
        %get3A_568 = arith.constant 0 : index
        %get3A_569 = tpu.vector_load %arg10[%get3A_567, %get3A_568] {strides = array<i32>} : memref<48x64xf32, #tpu.memory_space<vmem>>, vector<16xf32>,
        %max3A = arith.maximumf %get3A_566, %get3A_569 : vector<16xf32>
        %swap3A_570 = arith.index_cast %scan3A_564 : i32 to index
        %swap3A_571 = arith.constant 0 : index
        %swap3A_572 = tpu.vector_load %arg11[%swap3A_570, %swap3A_571] {strides = array<i32>} : memref<48x64xf32, #tpu.memory_space<vmem>>, vector<16xf32>,
        tpu.vector_store %arg11[%swap3A_570, %swap3A_571], %max3A {strides = array<i32>} : memref<48x64xf32, #tpu.memory_space<vmem>>, vector<16xf32>,
        %get3A_573 = arith.index_cast %scan3A_564 : i32 to index
        %get3A_574 = arith.constant 16 : index
        %get3A_575 = tpu.vector_load %arg9[%get3A_573, %get3A_574] {strides = array<i32>} : memref<48x64xf32, #tpu.memory_space<vmem>>, vector<16xf32>,
        %get3A_576 = arith.index_cast %scan3A_564 : i32 to index
        %get3A_577 = arith.constant 16 : index
        %get3A_578 = tpu.vector_load %arg10[%get3A_576, %get3A_577] {strides = array<i32>} : memref<48x64xf32, #tpu.memory_space<vmem>>, vector<16xf32>,
        %max3A_579 = arith.maximumf %get3A_575, %get3A_578 : vector<16xf32>
        %swap3A_580 = arith.index_cast %scan3A_564 : i32 to index
        %swap3A_581 = arith.constant 16 : index
        %swap3A_582 = tpu.vector_load %arg11[%swap3A_580, %swap3A_581] {strides = array<i32>} : memref<48x64xf32, #tpu.memory_space<vmem>>, vector<16xf32>,
        tpu.vector_store %arg11[%swap3A_580, %swap3A_581], %max3A_579 {strides = array<i32>} : memref<48x64xf32, #tpu.memory_space<vmem>>, vector<16xf32>,
        %get3A_583 = arith.index_cast %scan3A_564 : i32 to index
        %get3A_584 = arith.constant 32 : index
        %get3A_585 = tpu.vector_load %arg9[%get3A_583, %get3A_584] {strides = array<i32>} : memref<48x64xf32, #tpu.memory_space<vmem>>, vector<16xf32>,
        %get3A_586 = arith.index_cast %scan3A_564 : i32 to index
        %get3A_587 = arith.constant 32 : index
        %get3A_588 = tpu.vector_load %arg10[%get3A_586, %get3A_587] {strides = array<i32>} : memref<48x64xf32, #tpu.memory_space<vmem>>, vector<16xf32>,
        %max3A_589 = arith.maximumf %get3A_585, %get3A_588 : vector<16xf32>
        %swap3A_590 = arith.index_cast %scan3A_564 : i32 to index
        %swap3A_591 = arith.constant 32 : index
        %swap3A_592 = tpu.vector_load %arg11[%swap3A_590, %swap3A_591] {strides = array<i32>} : memref<48x64xf32, #tpu.memory_space<vmem>>, vector<16xf32>,
        tpu.vector_store %arg11[%swap3A_590, %swap3A_591], %max3A_589 {strides = array<i32>} : memref<48x64xf32, #tpu.memory_space<vmem>>, vector<16xf32>,
        %get3A_593 = arith.index_cast %scan3A_564 : i32 to index
        %get3A_594 = arith.constant 48 : index
        %get3A_595 = tpu.vector_load %arg9[%get3A_593, %get3A_594] {strides = array<i32>} : memref<48x64xf32, #tpu.memory_space<vmem>>, vector<16xf32>,
        %get3A_596 = arith.index_cast %scan3A_564 : i32 to index
        %get3A_597 = arith.constant 48 : index
        %get3A_598 = tpu.vector_load %arg10[%get3A_596, %get3A_597] {strides = array<i32>} : memref<48x64xf32, #tpu.memory_space<vmem>>, vector<16xf32>,
        %max3A_599 = arith.maximumf %get3A_595, %get3A_598 : vector<16xf32>
        %swap3A_600 = arith.index_cast %scan3A_564 : i32 to index
        %swap3A_601 = arith.constant 48 : index
        %swap3A_602 = tpu.vector_load %arg11[%swap3A_600, %swap3A_601] {strides = array<i32>} : memref<48x64xf32, #tpu.memory_space<vmem>>, vector<16xf32>,
        tpu.vector_store %arg11[%swap3A_600, %swap3A_601], %max3A_599 {strides = array<i32>} : memref<48x64xf32, #tpu.memory_space<vmem>>, vector<16xf32>,
      }
      %scan3A_551 = arith.constant 48 : i32
      "tpu.region"() ({
        %run_scoped3A = tpu.sem_alloc : memref<!tpu.dma_semaphore, #tpu.memory_space<semaphore_mem>>
        %dma_start3A_564 = arith.constant 0 : i32
        %dma_start3A_565 = arith.constant 0 : i32
        %dma_start3A_566 = tpu.memref_slice %arg11[%dma_start3A_564, %dma_start3A_565] : memref<48x64xf32, #tpu.memory_space<vmem>> -> memref<48x64xf32, #tpu.memory_space<vmem>>
        %dma_start3A_567 = arith.constant 144 : i32
        %dma_start3A_568 = arith.constant 0 : i32
        %dma_start3A_569 = tpu.memref_slice %arg8[%dma_start3A_567, %dma_start3A_568] : memref<262x64xf32, #tpu.memory_space<hbm>> -> memref<48x64xf32, #tpu.memory_space<hbm>>
        %dma_start3A_570 = arith.constant 144 : i32
        %dma_start3A_571 = arith.constant 0 : i32
        %dma_start3A_572 = tpu.memref_slice %arg8[%dma_start3A_570, %dma_start3A_571] : memref<262x64xf32, #tpu.memory_space<hbm>> -> memref<48x64xf32, #tpu.memory_space<hbm>>
        %dma_start3A_573 = arith.constant 0 : i32
        %dma_start3A_574 = arith.constant 0 : i32
        %dma_start3A_575 = tpu.memref_slice %arg11[%dma_start3A_573, %dma_start3A_574] : memref<48x64xf32, #tpu.memory_space<vmem>> -> memref<48x64xf32, #tpu.memory_space<vmem>>
        tpu.enqueue_dma source(%dma_start3A_575 : memref<48x64xf32, #tpu.memory_space<vmem>>) target(%dma_start3A_572 : memref<48x64xf32, #tpu.memory_space<hbm>>) target_semaphore(%run_scoped3A : memref<!tpu.dma_semaphore, #tpu.memory_space<semaphore_mem>>)
        %dma_wait3A_576 = arith.constant 0 : i32
        %dma_wait3A_577 = arith.constant 0 : i32
        %dma_wait3A_578 = tpu.memref_slice %arg11[%dma_wait3A_576, %dma_wait3A_577] : memref<48x64xf32, #tpu.memory_space<vmem>> -> memref<48x64xf32, #tpu.memory_space<vmem>>
        %dma_wait3A_579 = arith.constant 144 : i32
        %dma_wait3A_580 = arith.constant 0 : i32
        %dma_wait3A_581 = tpu.memref_slice %arg8[%dma_wait3A_579, %dma_wait3A_580] : memref<262x64xf32, #tpu.memory_space<hbm>> -> memref<48x64xf32, #tpu.memory_space<hbm>>
        %dma_wait3A_582 = arith.constant 144 : i32
        %dma_wait3A_583 = arith.constant 0 : i32
        %dma_wait3A_584 = tpu.memref_slice %arg8[%dma_wait3A_582, %dma_wait3A_583] : memref<262x64xf32, #tpu.memory_space<hbm>> -> memref<48x64xf32, #tpu.memory_space<hbm>>
        %dma_wait3A_585 = arith.constant 0 : i32
        %dma_wait3A_586 = arith.constant 0 : i32
        %dma_wait3A_587 = tpu.memref_slice %arg11[%dma_wait3A_585, %dma_wait3A_586] : memref<48x64xf32, #tpu.memory_space<vmem>> -> memref<48x64xf32, #tpu.memory_space<vmem>>
        tpu.wait_dma2 semaphore(%run_scoped3A : memref<!tpu.dma_semaphore, #tpu.memory_space<semaphore_mem>>) src(%dma_wait3A_587 : memref<48x64xf32, #tpu.memory_space<vmem>>) dst(%dma_wait3A_584 : memref<48x64xf32, #tpu.memory_space<hbm>>)
        tpu.yield
      }) : () -> ()
      "tpu.region"() ({
        %run_scoped3A = tpu.sem_alloc : memref<!tpu.dma_semaphore, #tpu.memory_space<semaphore_mem>>
        %dma_start3A_564 = arith.constant 0 : i32
        %dma_start3A_565 = arith.constant 0 : i32
        %dma_start3A_566 = tpu.memref_slice %arg9[%dma_start3A_564, %dma_start3A_565] : memref<48x64xf32, #tpu.memory_space<vmem>> -> memref<48x64xf32, #tpu.memory_space<vmem>>
        %dma_start3A_567 = arith.constant 192 : i32
        %dma_start3A_568 = arith.constant 0 : i32
        %dma_start3A_569 = tpu.memref_slice %arg4[%dma_start3A_567, %dma_start3A_568] : memref<262x64xf32, #tpu.memory_space<hbm>> -> memref<48x64xf32, #tpu.memory_space<hbm>>
        %dma_start3A_570 = arith.constant 0 : i32
        %dma_start3A_571 = arith.constant 0 : i32
        %dma_start3A_572 = tpu.memref_slice %arg9[%dma_start3A_570, %dma_start3A_571] : memref<48x64xf32, #tpu.memory_space<vmem>> -> memref<48x64xf32, #tpu.memory_space<vmem>>
        %dma_start3A_573 = arith.constant 192 : i32
        %dma_start3A_574 = arith.constant 0 : i32
        %dma_start3A_575 = tpu.memref_slice %arg4[%dma_start3A_573, %dma_start3A_574] : memref<262x64xf32, #tpu.memory_space<hbm>> -> memref<48x64xf32, #tpu.memory_space<hbm>>
        tpu.enqueue_dma source(%dma_start3A_575 : memref<48x64xf32, #tpu.memory_space<hbm>>) target(%dma_start3A_572 : memref<48x64xf32, #tpu.memory_space<vmem>>) target_semaphore(%run_scoped3A : memref<!tpu.dma_semaphore, #tpu.memory_space<semaphore_mem>>)
        %dma_wait3A_576 = arith.constant 0 : i32
        %dma_wait3A_577 = arith.constant 0 : i32
        %dma_wait3A_578 = tpu.memref_slice %arg9[%dma_wait3A_576, %dma_wait3A_577] : memref<48x64xf32, #tpu.memory_space<vmem>> -> memref<48x64xf32, #tpu.memory_space<vmem>>
        %dma_wait3A_579 = arith.constant 192 : i32
        %dma_wait3A_580 = arith.constant 0 : i32
        %dma_wait3A_581 = tpu.memref_slice %arg4[%dma_wait3A_579, %dma_wait3A_580] : memref<262x64xf32, #tpu.memory_space<hbm>> -> memref<48x64xf32, #tpu.memory_space<hbm>>
        %dma_wait3A_582 = arith.constant 0 : i32
        %dma_wait3A_583 = arith.constant 0 : i32
        %dma_wait3A_584 = tpu.memref_slice %arg9[%dma_wait3A_582, %dma_wait3A_583] : memref<48x64xf32, #tpu.memory_space<vmem>> -> memref<48x64xf32, #tpu.memory_space<vmem>>
        %dma_wait3A_585 = arith.constant 192 : i32
        %dma_wait3A_586 = arith.constant 0 : i32
        %dma_wait3A_587 = tpu.memref_slice %arg4[%dma_wait3A_585, %dma_wait3A_586] : memref<262x64xf32, #tpu.memory_space<hbm>> -> memref<48x64xf32, #tpu.memory_space<hbm>>
        tpu.wait_dma2 semaphore(%run_scoped3A : memref<!tpu.dma_semaphore, #tpu.memory_space<semaphore_mem>>) src(%dma_wait3A_587 : memref<48x64xf32, #tpu.memory_space<hbm>>) dst(%dma_wait3A_584 : memref<48x64xf32, #tpu.memory_space<vmem>>)
        tpu.yield
      }) : () -> ()
      "tpu.region"() ({
        %run_scoped3A = tpu.sem_alloc : memref<!tpu.dma_semaphore, #tpu.memory_space<semaphore_mem>>
        %dma_start3A_564 = arith.constant 0 : i32
        %dma_start3A_565 = arith.constant 0 : i32
        %dma_start3A_566 = tpu.memref_slice %arg10[%dma_start3A_564, %dma_start3A_565] : memref<48x64xf32, #tpu.memory_space<vmem>> -> memref<48x64xf32, #tpu.memory_space<vmem>>
        %dma_start3A_567 = arith.constant 192 : i32
        %dma_start3A_568 = arith.constant 0 : i32
        %dma_start3A_569 = tpu.memref_slice %arg5[%dma_start3A_567, %dma_start3A_568] : memref<262x64xf32, #tpu.memory_space<hbm>> -> memref<48x64xf32, #tpu.memory_space<hbm>>
        %dma_start3A_570 = arith.constant 0 : i32
        %dma_start3A_571 = arith.constant 0 : i32
        %dma_start3A_572 = tpu.memref_slice %arg10[%dma_start3A_570, %dma_start3A_571] : memref<48x64xf32, #tpu.memory_space<vmem>> -> memref<48x64xf32, #tpu.memory_space<vmem>>
        %dma_start3A_573 = arith.constant 192 : i32
        %dma_start3A_574 = arith.constant 0 : i32
        %dma_start3A_575 = tpu.memref_slice %arg5[%dma_start3A_573, %dma_start3A_574] : memref<262x64xf32, #tpu.memory_space<hbm>> -> memref<48x64xf32, #tpu.memory_space<hbm>>
        tpu.enqueue_dma source(%dma_start3A_575 : memref<48x64xf32, #tpu.memory_space<hbm>>) target(%dma_start3A_572 : memref<48x64xf32, #tpu.memory_space<vmem>>) target_semaphore(%run_scoped3A : memref<!tpu.dma_semaphore, #tpu.memory_space<semaphore_mem>>)
        %dma_wait3A_576 = arith.constant 0 : i32
        %dma_wait3A_577 = arith.constant 0 : i32
        %dma_wait3A_578 = tpu.memref_slice %arg10[%dma_wait3A_576, %dma_wait3A_577] : memref<48x64xf32, #tpu.memory_space<vmem>> -> memref<48x64xf32, #tpu.memory_space<vmem>>
        %dma_wait3A_579 = arith.constant 192 : i32
        %dma_wait3A_580 = arith.constant 0 : i32
        %dma_wait3A_581 = tpu.memref_slice %arg5[%dma_wait3A_579, %dma_wait3A_580] : memref<262x64xf32, #tpu.memory_space<hbm>> -> memref<48x64xf32, #tpu.memory_space<hbm>>
        %dma_wait3A_582 = arith.constant 0 : i32
        %dma_wait3A_583 = arith.constant 0 : i32
        %dma_wait3A_584 = tpu.memref_slice %arg10[%dma_wait3A_582, %dma_wait3A_583] : memref<48x64xf32, #tpu.memory_space<vmem>> -> memref<48x64xf32, #tpu.memory_space<vmem>>
        %dma_wait3A_585 = arith.constant 192 : i32
        %dma_wait3A_586 = arith.constant 0 : i32
        %dma_wait3A_587 = tpu.memref_slice %arg5[%dma_wait3A_585, %dma_wait3A_586] : memref<262x64xf32, #tpu.memory_space<hbm>> -> memref<48x64xf32, #tpu.memory_space<hbm>>
        tpu.wait_dma2 semaphore(%run_scoped3A : memref<!tpu.dma_semaphore, #tpu.memory_space<semaphore_mem>>) src(%dma_wait3A_587 : memref<48x64xf32, #tpu.memory_space<hbm>>) dst(%dma_wait3A_584 : memref<48x64xf32, #tpu.memory_space<vmem>>)
        tpu.yield
      }) : () -> ()
      %scan3A_552 = arith.constant 0 : i32
      %scan3A_553 = arith.constant 0 : i32
      %scan3A_554 = arith.constant 48 : i32
      %scan3A_555 = arith.addi %scan3A_553, %scan3A_554 : i32
      %scan3A_556 = arith.constant 1 : i32
      scf.for %scan3A_564 = %scan3A_553 to %scan3A_555 step %scan3A_556  : i32 {
        %get3A = arith.index_cast %scan3A_564 : i32 to index
        %get3A_565 = arith.constant 0 : index
        %get3A_566 = tpu.vector_load %arg9[%get3A, %get3A_565] {strides = array<i32>} : memref<48x64xf32, #tpu.memory_space<vmem>>, vector<16xf32>,
        %get3A_567 = arith.index_cast %scan3A_564 : i32 to index
        %get3A_568 = arith.constant 0 : index
        %get3A_569 = tpu.vector_load %arg10[%get3A_567, %get3A_568] {strides = array<i32>} : memref<48x64xf32, #tpu.memory_space<vmem>>, vector<16xf32>,
        %max3A = arith.maximumf %get3A_566, %get3A_569 : vector<16xf32>
        %swap3A_570 = arith.index_cast %scan3A_564 : i32 to index
        %swap3A_571 = arith.constant 0 : index
        %swap3A_572 = tpu.vector_load %arg11[%swap3A_570, %swap3A_571] {strides = array<i32>} : memref<48x64xf32, #tpu.memory_space<vmem>>, vector<16xf32>,
        tpu.vector_store %arg11[%swap3A_570, %swap3A_571], %max3A {strides = array<i32>} : memref<48x64xf32, #tpu.memory_space<vmem>>, vector<16xf32>,
        %get3A_573 = arith.index_cast %scan3A_564 : i32 to index
        %get3A_574 = arith.constant 16 : index
        %get3A_575 = tpu.vector_load %arg9[%get3A_573, %get3A_574] {strides = array<i32>} : memref<48x64xf32, #tpu.memory_space<vmem>>, vector<16xf32>,
        %get3A_576 = arith.index_cast %scan3A_564 : i32 to index
        %get3A_577 = arith.constant 16 : index
        %get3A_578 = tpu.vector_load %arg10[%get3A_576, %get3A_577] {strides = array<i32>} : memref<48x64xf32, #tpu.memory_space<vmem>>, vector<16xf32>,
        %max3A_579 = arith.maximumf %get3A_575, %get3A_578 : vector<16xf32>
        %swap3A_580 = arith.index_cast %scan3A_564 : i32 to index
        %swap3A_581 = arith.constant 16 : index
        %swap3A_582 = tpu.vector_load %arg11[%swap3A_580, %swap3A_581] {strides = array<i32>} : memref<48x64xf32, #tpu.memory_space<vmem>>, vector<16xf32>,
        tpu.vector_store %arg11[%swap3A_580, %swap3A_581], %max3A_579 {strides = array<i32>} : memref<48x64xf32, #tpu.memory_space<vmem>>, vector<16xf32>,
        %get3A_583 = arith.index_cast %scan3A_564 : i32 to index
        %get3A_584 = arith.constant 32 : index
        %get3A_585 = tpu.vector_load %arg9[%get3A_583, %get3A_584] {strides = array<i32>} : memref<48x64xf32, #tpu.memory_space<vmem>>, vector<16xf32>,
        %get3A_586 = arith.index_cast %scan3A_564 : i32 to index
        %get3A_587 = arith.constant 32 : index
        %get3A_588 = tpu.vector_load %arg10[%get3A_586, %get3A_587] {strides = array<i32>} : memref<48x64xf32, #tpu.memory_space<vmem>>, vector<16xf32>,
        %max3A_589 = arith.maximumf %get3A_585, %get3A_588 : vector<16xf32>
        %swap3A_590 = arith.index_cast %scan3A_564 : i32 to index
        %swap3A_591 = arith.constant 32 : index
        %swap3A_592 = tpu.vector_load %arg11[%swap3A_590, %swap3A_591] {strides = array<i32>} : memref<48x64xf32, #tpu.memory_space<vmem>>, vector<16xf32>,
        tpu.vector_store %arg11[%swap3A_590, %swap3A_591], %max3A_589 {strides = array<i32>} : memref<48x64xf32, #tpu.memory_space<vmem>>, vector<16xf32>,
        %get3A_593 = arith.index_cast %scan3A_564 : i32 to index
        %get3A_594 = arith.constant 48 : index
        %get3A_595 = tpu.vector_load %arg9[%get3A_593, %get3A_594] {strides = array<i32>} : memref<48x64xf32, #tpu.memory_space<vmem>>, vector<16xf32>,
        %get3A_596 = arith.index_cast %scan3A_564 : i32 to index
        %get3A_597 = arith.constant 48 : index
        %get3A_598 = tpu.vector_load %arg10[%get3A_596, %get3A_597] {strides = array<i32>} : memref<48x64xf32, #tpu.memory_space<vmem>>, vector<16xf32>,
        %max3A_599 = arith.maximumf %get3A_595, %get3A_598 : vector<16xf32>
        %swap3A_600 = arith.index_cast %scan3A_564 : i32 to index
        %swap3A_601 = arith.constant 48 : index
        %swap3A_602 = tpu.vector_load %arg11[%swap3A_600, %swap3A_601] {strides = array<i32>} : memref<48x64xf32, #tpu.memory_space<vmem>>, vector<16xf32>,
        tpu.vector_store %arg11[%swap3A_600, %swap3A_601], %max3A_599 {strides = array<i32>} : memref<48x64xf32, #tpu.memory_space<vmem>>, vector<16xf32>,
      }
      %scan3A_557 = arith.constant 48 : i32
      "tpu.region"() ({
        %run_scoped3A = tpu.sem_alloc : memref<!tpu.dma_semaphore, #tpu.memory_space<semaphore_mem>>
        %dma_start3A_564 = arith.constant 0 : i32
        %dma_start3A_565 = arith.constant 0 : i32
        %dma_start3A_566 = tpu.memref_slice %arg11[%dma_start3A_564, %dma_start3A_565] : memref<48x64xf32, #tpu.memory_space<vmem>> -> memref<48x64xf32, #tpu.memory_space<vmem>>
        %dma_start3A_567 = arith.constant 192 : i32
        %dma_start3A_568 = arith.constant 0 : i32
        %dma_start3A_569 = tpu.memref_slice %arg8[%dma_start3A_567, %dma_start3A_568] : memref<262x64xf32, #tpu.memory_space<hbm>> -> memref<48x64xf32, #tpu.memory_space<hbm>>
        %dma_start3A_570 = arith.constant 192 : i32
        %dma_start3A_571 = arith.constant 0 : i32
        %dma_start3A_572 = tpu.memref_slice %arg8[%dma_start3A_570, %dma_start3A_571] : memref<262x64xf32, #tpu.memory_space<hbm>> -> memref<48x64xf32, #tpu.memory_space<hbm>>
        %dma_start3A_573 = arith.constant 0 : i32
        %dma_start3A_574 = arith.constant 0 : i32
        %dma_start3A_575 = tpu.memref_slice %arg11[%dma_start3A_573, %dma_start3A_574] : memref<48x64xf32, #tpu.memory_space<vmem>> -> memref<48x64xf32, #tpu.memory_space<vmem>>
        tpu.enqueue_dma source(%dma_start3A_575 : memref<48x64xf32, #tpu.memory_space<vmem>>) target(%dma_start3A_572 : memref<48x64xf32, #tpu.memory_space<hbm>>) target_semaphore(%run_scoped3A : memref<!tpu.dma_semaphore, #tpu.memory_space<semaphore_mem>>)
        %dma_wait3A_576 = arith.constant 0 : i32
        %dma_wait3A_577 = arith.constant 0 : i32
        %dma_wait3A_578 = tpu.memref_slice %arg11[%dma_wait3A_576, %dma_wait3A_577] : memref<48x64xf32, #tpu.memory_space<vmem>> -> memref<48x64xf32, #tpu.memory_space<vmem>>
        %dma_wait3A_579 = arith.constant 192 : i32
        %dma_wait3A_580 = arith.constant 0 : i32
        %dma_wait3A_581 = tpu.memref_slice %arg8[%dma_wait3A_579, %dma_wait3A_580] : memref<262x64xf32, #tpu.memory_space<hbm>> -> memref<48x64xf32, #tpu.memory_space<hbm>>
        %dma_wait3A_582 = arith.constant 192 : i32
        %dma_wait3A_583 = arith.constant 0 : i32
        %dma_wait3A_584 = tpu.memref_slice %arg8[%dma_wait3A_582, %dma_wait3A_583] : memref<262x64xf32, #tpu.memory_space<hbm>> -> memref<48x64xf32, #tpu.memory_space<hbm>>
        %dma_wait3A_585 = arith.constant 0 : i32
        %dma_wait3A_586 = arith.constant 0 : i32
        %dma_wait3A_587 = tpu.memref_slice %arg11[%dma_wait3A_585, %dma_wait3A_586] : memref<48x64xf32, #tpu.memory_space<vmem>> -> memref<48x64xf32, #tpu.memory_space<vmem>>
        tpu.wait_dma2 semaphore(%run_scoped3A : memref<!tpu.dma_semaphore, #tpu.memory_space<semaphore_mem>>) src(%dma_wait3A_587 : memref<48x64xf32, #tpu.memory_space<vmem>>) dst(%dma_wait3A_584 : memref<48x64xf32, #tpu.memory_space<hbm>>)
        tpu.yield
      }) : () -> ()
      "tpu.region"() ({
        %run_scoped3A = tpu.sem_alloc : memref<!tpu.dma_semaphore, #tpu.memory_space<semaphore_mem>>
        %dma_start3A_564 = arith.constant 0 : i32
        %dma_start3A_565 = arith.constant 0 : i32
        %dma_start3A_566 = tpu.memref_slice %arg9[%dma_start3A_564, %dma_start3A_565] : memref<48x64xf32, #tpu.memory_space<vmem>> -> memref<22x64xf32, #tpu.memory_space<vmem>>
        %dma_start3A_567 = arith.constant 240 : i32
        %dma_start3A_568 = arith.constant 0 : i32
        %dma_start3A_569 = tpu.memref_slice %arg4[%dma_start3A_567, %dma_start3A_568] : memref<262x64xf32, #tpu.memory_space<hbm>> -> memref<22x64xf32, #tpu.memory_space<hbm>>
        %dma_start3A_570 = arith.constant 0 : i32
        %dma_start3A_571 = arith.constant 0 : i32
        %dma_start3A_572 = tpu.memref_slice %arg9[%dma_start3A_570, %dma_start3A_571] : memref<48x64xf32, #tpu.memory_space<vmem>> -> memref<22x64xf32, #tpu.memory_space<vmem>>
        %dma_start3A_573 = arith.constant 240 : i32
        %dma_start3A_574 = arith.constant 0 : i32
        %dma_start3A_575 = tpu.memref_slice %arg4[%dma_start3A_573, %dma_start3A_574] : memref<262x64xf32, #tpu.memory_space<hbm>> -> memref<22x64xf32, #tpu.memory_space<hbm>>
        tpu.enqueue_dma source(%dma_start3A_575 : memref<22x64xf32, #tpu.memory_space<hbm>>) target(%dma_start3A_572 : memref<22x64xf32, #tpu.memory_space<vmem>>) target_semaphore(%run_scoped3A : memref<!tpu.dma_semaphore, #tpu.memory_space<semaphore_mem>>)
        %dma_wait3A_576 = arith.constant 0 : i32
        %dma_wait3A_577 = arith.constant 0 : i32
        %dma_wait3A_578 = tpu.memref_slice %arg9[%dma_wait3A_576, %dma_wait3A_577] : memref<48x64xf32, #tpu.memory_space<vmem>> -> memref<22x64xf32, #tpu.memory_space<vmem>>
        %dma_wait3A_579 = arith.constant 240 : i32
        %dma_wait3A_580 = arith.constant 0 : i32
        %dma_wait3A_581 = tpu.memref_slice %arg4[%dma_wait3A_579, %dma_wait3A_580] : memref<262x64xf32, #tpu.memory_space<hbm>> -> memref<22x64xf32, #tpu.memory_space<hbm>>
        %dma_wait3A_582 = arith.constant 0 : i32
        %dma_wait3A_583 = arith.constant 0 : i32
        %dma_wait3A_584 = tpu.memref_slice %arg9[%dma_wait3A_582, %dma_wait3A_583] : memref<48x64xf32, #tpu.memory_space<vmem>> -> memref<22x64xf32, #tpu.memory_space<vmem>>
        %dma_wait3A_585 = arith.constant 240 : i32
        %dma_wait3A_586 = arith.constant 0 : i32
        %dma_wait3A_587 = tpu.memref_slice %arg4[%dma_wait3A_585, %dma_wait3A_586] : memref<262x64xf32, #tpu.memory_space<hbm>> -> memref<22x64xf32, #tpu.memory_space<hbm>>
        tpu.wait_dma2 semaphore(%run_scoped3A : memref<!tpu.dma_semaphore, #tpu.memory_space<semaphore_mem>>) src(%dma_wait3A_587 : memref<22x64xf32, #tpu.memory_space<hbm>>) dst(%dma_wait3A_584 : memref<22x64xf32, #tpu.memory_space<vmem>>)
        tpu.yield
      }) : () -> ()
      "tpu.region"() ({
        %run_scoped3A = tpu.sem_alloc : memref<!tpu.dma_semaphore, #tpu.memory_space<semaphore_mem>>
        %dma_start3A_564 = arith.constant 0 : i32
        %dma_start3A_565 = arith.constant 0 : i32
        %dma_start3A_566 = tpu.memref_slice %arg10[%dma_start3A_564, %dma_start3A_565] : memref<48x64xf32, #tpu.memory_space<vmem>> -> memref<22x64xf32, #tpu.memory_space<vmem>>
        %dma_start3A_567 = arith.constant 240 : i32
        %dma_start3A_568 = arith.constant 0 : i32
        %dma_start3A_569 = tpu.memref_slice %arg5[%dma_start3A_567, %dma_start3A_568] : memref<262x64xf32, #tpu.memory_space<hbm>> -> memref<22x64xf32, #tpu.memory_space<hbm>>
        %dma_start3A_570 = arith.constant 0 : i32
        %dma_start3A_571 = arith.constant 0 : i32
        %dma_start3A_572 = tpu.memref_slice %arg10[%dma_start3A_570, %dma_start3A_571] : memref<48x64xf32, #tpu.memory_space<vmem>> -> memref<22x64xf32, #tpu.memory_space<vmem>>
        %dma_start3A_573 = arith.constant 240 : i32
        %dma_start3A_574 = arith.constant 0 : i32
        %dma_start3A_575 = tpu.memref_slice %arg5[%dma_start3A_573, %dma_start3A_574] : memref<262x64xf32, #tpu.memory_space<hbm>> -> memref<22x64xf32, #tpu.memory_space<hbm>>
        tpu.enqueue_dma source(%dma_start3A_575 : memref<22x64xf32, #tpu.memory_space<hbm>>) target(%dma_start3A_572 : memref<22x64xf32, #tpu.memory_space<vmem>>) target_semaphore(%run_scoped3A : memref<!tpu.dma_semaphore, #tpu.memory_space<semaphore_mem>>)
        %dma_wait3A_576 = arith.constant 0 : i32
        %dma_wait3A_577 = arith.constant 0 : i32
        %dma_wait3A_578 = tpu.memref_slice %arg10[%dma_wait3A_576, %dma_wait3A_577] : memref<48x64xf32, #tpu.memory_space<vmem>> -> memref<22x64xf32, #tpu.memory_space<vmem>>
        %dma_wait3A_579 = arith.constant 240 : i32
        %dma_wait3A_580 = arith.constant 0 : i32
        %dma_wait3A_581 = tpu.memref_slice %arg5[%dma_wait3A_579, %dma_wait3A_580] : memref<262x64xf32, #tpu.memory_space<hbm>> -> memref<22x64xf32, #tpu.memory_space<hbm>>
        %dma_wait3A_582 = arith.constant 0 : i32
        %dma_wait3A_583 = arith.constant 0 : i32
        %dma_wait3A_584 = tpu.memref_slice %arg10[%dma_wait3A_582, %dma_wait3A_583] : memref<48x64xf32, #tpu.memory_space<vmem>> -> memref<22x64xf32, #tpu.memory_space<vmem>>
        %dma_wait3A_585 = arith.constant 240 : i32
        %dma_wait3A_586 = arith.constant 0 : i32
        %dma_wait3A_587 = tpu.memref_slice %arg5[%dma_wait3A_585, %dma_wait3A_586] : memref<262x64xf32, #tpu.memory_space<hbm>> -> memref<22x64xf32, #tpu.memory_space<hbm>>
        tpu.wait_dma2 semaphore(%run_scoped3A : memref<!tpu.dma_semaphore, #tpu.memory_space<semaphore_mem>>) src(%dma_wait3A_587 : memref<22x64xf32, #tpu.memory_space<hbm>>) dst(%dma_wait3A_584 : memref<22x64xf32, #tpu.memory_space<vmem>>)
        tpu.yield
      }) : () -> ()
      %scan3A_558 = arith.constant 0 : i32
      %scan3A_559 = arith.constant 0 : i32
      %scan3A_560 = arith.constant 22 : i32
      %scan3A_561 = arith.addi %scan3A_559, %scan3A_560 : i32
      %scan3A_562 = arith.constant 1 : i32
      scf.for %scan3A_564 = %scan3A_559 to %scan3A_561 step %scan3A_562  : i32 {
        %get3A = arith.index_cast %scan3A_564 : i32 to index
        %get3A_565 = arith.constant 0 : index
        %get3A_566 = tpu.vector_load %arg9[%get3A, %get3A_565] {strides = array<i32>} : memref<48x64xf32, #tpu.memory_space<vmem>>, vector<16xf32>,
        %get3A_567 = arith.index_cast %scan3A_564 : i32 to index
        %get3A_568 = arith.constant 0 : index
        %get3A_569 = tpu.vector_load %arg10[%get3A_567, %get3A_568] {strides = array<i32>} : memref<48x64xf32, #tpu.memory_space<vmem>>, vector<16xf32>,
        %max3A = arith.maximumf %get3A_566, %get3A_569 : vector<16xf32>
        %swap3A_570 = arith.index_cast %scan3A_564 : i32 to index
        %swap3A_571 = arith.constant 0 : index
        %swap3A_572 = tpu.vector_load %arg11[%swap3A_570, %swap3A_571] {strides = array<i32>} : memref<48x64xf32, #tpu.memory_space<vmem>>, vector<16xf32>,
        tpu.vector_store %arg11[%swap3A_570, %swap3A_571], %max3A {strides = array<i32>} : memref<48x64xf32, #tpu.memory_space<vmem>>, vector<16xf32>,
        %get3A_573 = arith.index_cast %scan3A_564 : i32 to index
        %get3A_574 = arith.constant 16 : index
        %get3A_575 = tpu.vector_load %arg9[%get3A_573, %get3A_574] {strides = array<i32>} : memref<48x64xf32, #tpu.memory_space<vmem>>, vector<16xf32>,
        %get3A_576 = arith.index_cast %scan3A_564 : i32 to index
        %get3A_577 = arith.constant 16 : index
        %get3A_578 = tpu.vector_load %arg10[%get3A_576, %get3A_577] {strides = array<i32>} : memref<48x64xf32, #tpu.memory_space<vmem>>, vector<16xf32>,
        %max3A_579 = arith.maximumf %get3A_575, %get3A_578 : vector<16xf32>
        %swap3A_580 = arith.index_cast %scan3A_564 : i32 to index
        %swap3A_581 = arith.constant 16 : index
        %swap3A_582 = tpu.vector_load %arg11[%swap3A_580, %swap3A_581] {strides = array<i32>} : memref<48x64xf32, #tpu.memory_space<vmem>>, vector<16xf32>,
        tpu.vector_store %arg11[%swap3A_580, %swap3A_581], %max3A_579 {strides = array<i32>} : memref<48x64xf32, #tpu.memory_space<vmem>>, vector<16xf32>,
        %get3A_583 = arith.index_cast %scan3A_564 : i32 to index
        %get3A_584 = arith.constant 32 : index
        %get3A_585 = tpu.vector_load %arg9[%get3A_583, %get3A_584] {strides = array<i32>} : memref<48x64xf32, #tpu.memory_space<vmem>>, vector<16xf32>,
        %get3A_586 = arith.index_cast %scan3A_564 : i32 to index
        %get3A_587 = arith.constant 32 : index
        %get3A_588 = tpu.vector_load %arg10[%get3A_586, %get3A_587] {strides = array<i32>} : memref<48x64xf32, #tpu.memory_space<vmem>>, vector<16xf32>,
        %max3A_589 = arith.maximumf %get3A_585, %get3A_588 : vector<16xf32>
        %swap3A_590 = arith.index_cast %scan3A_564 : i32 to index
        %swap3A_591 = arith.constant 32 : index
        %swap3A_592 = tpu.vector_load %arg11[%swap3A_590, %swap3A_591] {strides = array<i32>} : memref<48x64xf32, #tpu.memory_space<vmem>>, vector<16xf32>,
        tpu.vector_store %arg11[%swap3A_590, %swap3A_591], %max3A_589 {strides = array<i32>} : memref<48x64xf32, #tpu.memory_space<vmem>>, vector<16xf32>,
        %get3A_593 = arith.index_cast %scan3A_564 : i32 to index
        %get3A_594 = arith.constant 48 : index
        %get3A_595 = tpu.vector_load %arg9[%get3A_593, %get3A_594] {strides = array<i32>} : memref<48x64xf32, #tpu.memory_space<vmem>>, vector<16xf32>,
        %get3A_596 = arith.index_cast %scan3A_564 : i32 to index
        %get3A_597 = arith.constant 48 : index
        %get3A_598 = tpu.vector_load %arg10[%get3A_596, %get3A_597] {strides = array<i32>} : memref<48x64xf32, #tpu.memory_space<vmem>>, vector<16xf32>,
        %max3A_599 = arith.maximumf %get3A_595, %get3A_598 : vector<16xf32>
        %swap3A_600 = arith.index_cast %scan3A_564 : i32 to index
        %swap3A_601 = arith.constant 48 : index
        %swap3A_602 = tpu.vector_load %arg11[%swap3A_600, %swap3A_601] {strides = array<i32>} : memref<48x64xf32, #tpu.memory_space<vmem>>, vector<16xf32>,
        tpu.vector_store %arg11[%swap3A_600, %swap3A_601], %max3A_599 {strides = array<i32>} : memref<48x64xf32, #tpu.memory_space<vmem>>, vector<16xf32>,
      }
      %scan3A_563 = arith.constant 22 : i32
      "tpu.region"() ({
        %run_scoped3A = tpu.sem_alloc : memref<!tpu.dma_semaphore, #tpu.memory_space<semaphore_mem>>
        %dma_start3A_564 = arith.constant 0 : i32
        %dma_start3A_565 = arith.constant 0 : i32
        %dma_start3A_566 = tpu.memref_slice %arg11[%dma_start3A_564, %dma_start3A_565] : memref<48x64xf32, #tpu.memory_space<vmem>> -> memref<22x64xf32, #tpu.memory_space<vmem>>
        %dma_start3A_567 = arith.constant 240 : i32
        %dma_start3A_568 = arith.constant 0 : i32
        %dma_start3A_569 = tpu.memref_slice %arg8[%dma_start3A_567, %dma_start3A_568] : memref<262x64xf32, #tpu.memory_space<hbm>> -> memref<22x64xf32, #tpu.memory_space<hbm>>
        %dma_start3A_570 = arith.constant 240 : i32
        %dma_start3A_571 = arith.constant 0 : i32
        %dma_start3A_572 = tpu.memref_slice %arg8[%dma_start3A_570, %dma_start3A_571] : memref<262x64xf32, #tpu.memory_space<hbm>> -> memref<22x64xf32, #tpu.memory_space<hbm>>
        %dma_start3A_573 = arith.constant 0 : i32
        %dma_start3A_574 = arith.constant 0 : i32
        %dma_start3A_575 = tpu.memref_slice %arg11[%dma_start3A_573, %dma_start3A_574] : memref<48x64xf32, #tpu.memory_space<vmem>> -> memref<22x64xf32, #tpu.memory_space<vmem>>
        tpu.enqueue_dma source(%dma_start3A_575 : memref<22x64xf32, #tpu.memory_space<vmem>>) target(%dma_start3A_572 : memref<22x64xf32, #tpu.memory_space<hbm>>) target_semaphore(%run_scoped3A : memref<!tpu.dma_semaphore, #tpu.memory_space<semaphore_mem>>)
        %dma_wait3A_576 = arith.constant 0 : i32
        %dma_wait3A_577 = arith.constant 0 : i32
        %dma_wait3A_578 = tpu.memref_slice %arg11[%dma_wait3A_576, %dma_wait3A_577] : memref<48x64xf32, #tpu.memory_space<vmem>> -> memref<22x64xf32, #tpu.memory_space<vmem>>
        %dma_wait3A_579 = arith.constant 240 : i32
        %dma_wait3A_580 = arith.constant 0 : i32
        %dma_wait3A_581 = tpu.memref_slice %arg8[%dma_wait3A_579, %dma_wait3A_580] : memref<262x64xf32, #tpu.memory_space<hbm>> -> memref<22x64xf32, #tpu.memory_space<hbm>>
        %dma_wait3A_582 = arith.constant 240 : i32
        %dma_wait3A_583 = arith.constant 0 : i32
        %dma_wait3A_584 = tpu.memref_slice %arg8[%dma_wait3A_582, %dma_wait3A_583] : memref<262x64xf32, #tpu.memory_space<hbm>> -> memref<22x64xf32, #tpu.memory_space<hbm>>
        %dma_wait3A_585 = arith.constant 0 : i32
        %dma_wait3A_586 = arith.constant 0 : i32
        %dma_wait3A_587 = tpu.memref_slice %arg11[%dma_wait3A_585, %dma_wait3A_586] : memref<48x64xf32, #tpu.memory_space<vmem>> -> memref<22x64xf32, #tpu.memory_space<vmem>>
        tpu.wait_dma2 semaphore(%run_scoped3A : memref<!tpu.dma_semaphore, #tpu.memory_space<semaphore_mem>>) src(%dma_wait3A_587 : memref<22x64xf32, #tpu.memory_space<vmem>>) dst(%dma_wait3A_584 : memref<22x64xf32, #tpu.memory_space<hbm>>)
        tpu.yield
      }) : () -> ()
    } else {
    }
    %barrier3A = arith.constant 0 : index
    tpu.barrier barrier_id(%barrier3A)
    %mul3A_3 = arith.constant 128 : i32
    %mul3A_4 = arith.muli %add3A, %mul3A_3 : i32
    "tpu.region"() ({
      %run_scoped3A = tpu.sem_alloc : memref<!tpu.dma_semaphore, #tpu.memory_space<semaphore_mem>>
      %dma_start3A_528 = arith.constant 0 : i32
      %dma_start3A_529 = tpu.memref_slice %arg2[%mul3A_4, %dma_start3A_528] : memref<4096x200xi32, #tpu.memory_space<hbm>> -> memref<128x200xi32, #tpu.memory_space<hbm>>
      %dma_start3A_530 = arith.constant 0 : i32
      %dma_start3A_531 = tpu.memref_slice %arg2[%mul3A_4, %dma_start3A_530] : memref<4096x200xi32, #tpu.memory_space<hbm>> -> memref<128x200xi32, #tpu.memory_space<hbm>>
      tpu.enqueue_dma source(%dma_start3A_531 : memref<128x200xi32, #tpu.memory_space<hbm>>) target(%arg12 : memref<128x200xi32, #tpu.memory_space<vmem>>) target_semaphore(%run_scoped3A : memref<!tpu.dma_semaphore, #tpu.memory_space<semaphore_mem>>)
      %dma_wait3A_532 = arith.constant 0 : i32
      %dma_wait3A_533 = tpu.memref_slice %arg2[%mul3A_4, %dma_wait3A_532] : memref<4096x200xi32, #tpu.memory_space<hbm>> -> memref<128x200xi32, #tpu.memory_space<hbm>>
      %dma_wait3A_534 = arith.constant 0 : i32
      %dma_wait3A_535 = tpu.memref_slice %arg2[%mul3A_4, %dma_wait3A_534] : memref<4096x200xi32, #tpu.memory_space<hbm>> -> memref<128x200xi32, #tpu.memory_space<hbm>>
      tpu.wait_dma2 semaphore(%run_scoped3A : memref<!tpu.dma_semaphore, #tpu.memory_space<semaphore_mem>>) src(%dma_wait3A_535 : memref<128x200xi32, #tpu.memory_space<hbm>>) dst(%arg12 : memref<128x200xi32, #tpu.memory_space<vmem>>)
      tpu.yield
    }) : () -> ()
    %dma_start3A = arith.constant 0 : i32
    %dma_start3A_5 = arith.constant 0 : i32
    %dma_start3A_6 = arith.constant 0 : i32
    %dma_start3A_7 = arith.constant 0 : i32
    %dma_start3A_8 = arith.constant 0 : i32
    %dma_start3A_9 = tpu.memref_slice %arg13[%dma_start3A_5, %dma_start3A_7, %dma_start3A_8] : memref<2x200x128xf32, #tpu.memory_space<vmem>> -> memref<1x128x128xf32, #tpu.memory_space<vmem>>
    %dma_start3A_10 = tpu.memref_squeeze %dma_start3A_9 : memref<1x128x128xf32, #tpu.memory_space<vmem>> -> memref<128x128xf32, #tpu.memory_space<vmem>>
    %dma_start3A_11 = arith.constant 0 : i32
    %dma_start3A_12 = tpu.memref_slice %arg12[%dma_start3A, %dma_start3A_11] : memref<128x200xi32, #tpu.memory_space<vmem>> -> memref<1x128xi32, #tpu.memory_space<vmem>>
    %dma_start3A_13 = tpu.memref_squeeze %dma_start3A_12 : memref<1x128xi32, #tpu.memory_space<vmem>> -> memref<128xi32, #tpu.memory_space<vmem>>
    %dma_start3A_14 = arith.constant 0 : i32
    %dma_start3A_15 = arith.constant 0 : i32
    %dma_start3A_16 = tpu.memref_slice %arg3[%dma_start3A_14, %dma_start3A_15] : memref<262x128xf32, #tpu.memory_space<hbm>> -> memref<262x128xf32, #tpu.memory_space<hbm>>
    %dma_start3A_17 = tpu.memref_slice %arg19[%dma_start3A_6] : memref<2x!tpu.dma_semaphore, #tpu.memory_space<semaphore_mem>> -> memref<1x!tpu.dma_semaphore, #tpu.memory_space<semaphore_mem>>
    %dma_start3A_18 = tpu.memref_squeeze %dma_start3A_17 : memref<1x!tpu.dma_semaphore, #tpu.memory_space<semaphore_mem>> -> memref<!tpu.dma_semaphore, #tpu.memory_space<semaphore_mem>>
    tpu.enqueue_indirect_dma source(%dma_start3A_16 : memref<262x128xf32, #tpu.memory_space<hbm>>) target(%dma_start3A_10 : memref<128x128xf32, #tpu.memory_space<vmem>>) offsets(%dma_start3A_13 : memref<128xi32, #tpu.memory_space<vmem>>) semaphore(%dma_start3A_18 : memref<!tpu.dma_semaphore, #tpu.memory_space<semaphore_mem>>)
    %dma_start3A_19 = arith.constant 0 : i32
    %dma_start3A_20 = arith.constant 0 : i32
    %dma_start3A_21 = arith.constant 0 : i32
    %dma_start3A_22 = arith.constant 128 : i32
    %dma_start3A_23 = arith.constant 0 : i32
    %dma_start3A_24 = tpu.memref_slice %arg13[%dma_start3A_20, %dma_start3A_22, %dma_start3A_23] : memref<2x200x128xf32, #tpu.memory_space<vmem>> -> memref<1x72x128xf32, #tpu.memory_space<vmem>>
    %dma_start3A_25 = tpu.memref_squeeze %dma_start3A_24 : memref<1x72x128xf32, #tpu.memory_space<vmem>> -> memref<72x128xf32, #tpu.memory_space<vmem>>
    %dma_start3A_26 = arith.constant 128 : i32
    %dma_start3A_27 = tpu.memref_slice %arg12[%dma_start3A_19, %dma_start3A_26] : memref<128x200xi32, #tpu.memory_space<vmem>> -> memref<1x72xi32, #tpu.memory_space<vmem>>
    %dma_start3A_28 = tpu.memref_squeeze %dma_start3A_27 : memref<1x72xi32, #tpu.memory_space<vmem>> -> memref<72xi32, #tpu.memory_space<vmem>>
    %dma_start3A_29 = arith.constant 0 : i32
    %dma_start3A_30 = arith.constant 0 : i32
    %dma_start3A_31 = tpu.memref_slice %arg3[%dma_start3A_29, %dma_start3A_30] : memref<262x128xf32, #tpu.memory_space<hbm>> -> memref<262x128xf32, #tpu.memory_space<hbm>>
    %dma_start3A_32 = tpu.memref_slice %arg19[%dma_start3A_21] : memref<2x!tpu.dma_semaphore, #tpu.memory_space<semaphore_mem>> -> memref<1x!tpu.dma_semaphore, #tpu.memory_space<semaphore_mem>>
    %dma_start3A_33 = tpu.memref_squeeze %dma_start3A_32 : memref<1x!tpu.dma_semaphore, #tpu.memory_space<semaphore_mem>> -> memref<!tpu.dma_semaphore, #tpu.memory_space<semaphore_mem>>
    tpu.enqueue_indirect_dma source(%dma_start3A_31 : memref<262x128xf32, #tpu.memory_space<hbm>>) target(%dma_start3A_25 : memref<72x128xf32, #tpu.memory_space<vmem>>) offsets(%dma_start3A_28 : memref<72xi32, #tpu.memory_space<vmem>>) semaphore(%dma_start3A_33 : memref<!tpu.dma_semaphore, #tpu.memory_space<semaphore_mem>>)
    %dma_start3A_34 = arith.constant 1 : i32
    %dma_start3A_35 = arith.constant 1 : i32
    %dma_start3A_36 = arith.constant 1 : i32
    %dma_start3A_37 = arith.constant 0 : i32
    %dma_start3A_38 = arith.constant 0 : i32
    %dma_start3A_39 = tpu.memref_slice %arg13[%dma_start3A_35, %dma_start3A_37, %dma_start3A_38] : memref<2x200x128xf32, #tpu.memory_space<vmem>> -> memref<1x128x128xf32, #tpu.memory_space<vmem>>
    %dma_start3A_40 = tpu.memref_squeeze %dma_start3A_39 : memref<1x128x128xf32, #tpu.memory_space<vmem>> -> memref<128x128xf32, #tpu.memory_space<vmem>>
    %dma_start3A_41 = arith.constant 0 : i32
    %dma_start3A_42 = tpu.memref_slice %arg12[%dma_start3A_34, %dma_start3A_41] : memref<128x200xi32, #tpu.memory_space<vmem>> -> memref<1x128xi32, #tpu.memory_space<vmem>>
    %dma_start3A_43 = tpu.memref_squeeze %dma_start3A_42 : memref<1x128xi32, #tpu.memory_space<vmem>> -> memref<128xi32, #tpu.memory_space<vmem>>
    %dma_start3A_44 = arith.constant 0 : i32
    %dma_start3A_45 = arith.constant 0 : i32
    %dma_start3A_46 = tpu.memref_slice %arg3[%dma_start3A_44, %dma_start3A_45] : memref<262x128xf32, #tpu.memory_space<hbm>> -> memref<262x128xf32, #tpu.memory_space<hbm>>
    %dma_start3A_47 = tpu.memref_slice %arg19[%dma_start3A_36] : memref<2x!tpu.dma_semaphore, #tpu.memory_space<semaphore_mem>> -> memref<1x!tpu.dma_semaphore, #tpu.memory_space<semaphore_mem>>
    %dma_start3A_48 = tpu.memref_squeeze %dma_start3A_47 : memref<1x!tpu.dma_semaphore, #tpu.memory_space<semaphore_mem>> -> memref<!tpu.dma_semaphore, #tpu.memory_space<semaphore_mem>>
    tpu.enqueue_indirect_dma source(%dma_start3A_46 : memref<262x128xf32, #tpu.memory_space<hbm>>) target(%dma_start3A_40 : memref<128x128xf32, #tpu.memory_space<vmem>>) offsets(%dma_start3A_43 : memref<128xi32, #tpu.memory_space<vmem>>) semaphore(%dma_start3A_48 : memref<!tpu.dma_semaphore, #tpu.memory_space<semaphore_mem>>)
    %dma_start3A_49 = arith.constant 1 : i32
    %dma_start3A_50 = arith.constant 1 : i32
    %dma_start3A_51 = arith.constant 1 : i32
    %dma_start3A_52 = arith.constant 128 : i32
    %dma_start3A_53 = arith.constant 0 : i32
    %dma_start3A_54 = tpu.memref_slice %arg13[%dma_start3A_50, %dma_start3A_52, %dma_start3A_53] : memref<2x200x128xf32, #tpu.memory_space<vmem>> -> memref<1x72x128xf32, #tpu.memory_space<vmem>>
    %dma_start3A_55 = tpu.memref_squeeze %dma_start3A_54 : memref<1x72x128xf32, #tpu.memory_space<vmem>> -> memref<72x128xf32, #tpu.memory_space<vmem>>
    %dma_start3A_56 = arith.constant 128 : i32
    %dma_start3A_57 = tpu.memref_slice %arg12[%dma_start3A_49, %dma_start3A_56] : memref<128x200xi32, #tpu.memory_space<vmem>> -> memref<1x72xi32, #tpu.memory_space<vmem>>
    %dma_start3A_58 = tpu.memref_squeeze %dma_start3A_57 : memref<1x72xi32, #tpu.memory_space<vmem>> -> memref<72xi32, #tpu.memory_space<vmem>>
    %dma_start3A_59 = arith.constant 0 : i32
    %dma_start3A_60 = arith.constant 0 : i32
    %dma_start3A_61 = tpu.memref_slice %arg3[%dma_start3A_59, %dma_start3A_60] : memref<262x128xf32, #tpu.memory_space<hbm>> -> memref<262x128xf32, #tpu.memory_space<hbm>>
    %dma_start3A_62 = tpu.memref_slice %arg19[%dma_start3A_51] : memref<2x!tpu.dma_semaphore, #tpu.memory_space<semaphore_mem>> -> memref<1x!tpu.dma_semaphore, #tpu.memory_space<semaphore_mem>>
    %dma_start3A_63 = tpu.memref_squeeze %dma_start3A_62 : memref<1x!tpu.dma_semaphore, #tpu.memory_space<semaphore_mem>> -> memref<!tpu.dma_semaphore, #tpu.memory_space<semaphore_mem>>
    tpu.enqueue_indirect_dma source(%dma_start3A_61 : memref<262x128xf32, #tpu.memory_space<hbm>>) target(%dma_start3A_55 : memref<72x128xf32, #tpu.memory_space<vmem>>) offsets(%dma_start3A_58 : memref<72xi32, #tpu.memory_space<vmem>>) semaphore(%dma_start3A_63 : memref<!tpu.dma_semaphore, #tpu.memory_space<semaphore_mem>>)
    %scan3A = arith.constant 0 : i32
    %scan3A_64 = arith.constant 0 : i32
    %scan3A_65 = arith.constant 64 : i32
    %scan3A_66 = arith.addi %scan3A_64, %scan3A_65 : i32
    %scan3A_67 = arith.constant 1 : i32
    scf.for %scan3A_528 = %scan3A_64 to %scan3A_66 step %scan3A_67  : i32 {
      %mul3A_529 = arith.constant 2 : i32
      %mul3A_530 = arith.muli %scan3A_528, %mul3A_529 : i32
      %add3A_531 = arith.constant 0 : i32
      %add3A_532 = arith.addi %mul3A_530, %add3A_531 : i32
      %dma_wait3A_533 = arith.constant 0 : i32
      %dma_wait3A_534 = arith.constant 0 : i32
      %dma_wait3A_535 = arith.constant 0 : i32
      %dma_wait3A_536 = arith.constant 0 : i32
      %dma_wait3A_537 = tpu.memref_slice %arg13[%dma_wait3A_533, %dma_wait3A_535, %dma_wait3A_536] : memref<2x200x128xf32, #tpu.memory_space<vmem>> -> memref<1x128x128xf32, #tpu.memory_space<vmem>>
      %dma_wait3A_538 = tpu.memref_squeeze %dma_wait3A_537 : memref<1x128x128xf32, #tpu.memory_space<vmem>> -> memref<128x128xf32, #tpu.memory_space<vmem>>
      %dma_wait3A_539 = arith.constant 0 : i32
      %dma_wait3A_540 = tpu.memref_slice %arg12[%add3A_532, %dma_wait3A_539] : memref<128x200xi32, #tpu.memory_space<vmem>> -> memref<1x128xi32, #tpu.memory_space<vmem>>
      %dma_wait3A_541 = tpu.memref_squeeze %dma_wait3A_540 : memref<1x128xi32, #tpu.memory_space<vmem>> -> memref<128xi32, #tpu.memory_space<vmem>>
      %dma_wait3A_542 = arith.constant 0 : i32
      %dma_wait3A_543 = arith.constant 0 : i32
      %dma_wait3A_544 = tpu.memref_slice %arg3[%dma_wait3A_542, %dma_wait3A_543] : memref<262x128xf32, #tpu.memory_space<hbm>> -> memref<262x128xf32, #tpu.memory_space<hbm>>
      %dma_wait3A_545 = tpu.memref_slice %arg19[%dma_wait3A_534] : memref<2x!tpu.dma_semaphore, #tpu.memory_space<semaphore_mem>> -> memref<1x!tpu.dma_semaphore, #tpu.memory_space<semaphore_mem>>
      %dma_wait3A_546 = tpu.memref_squeeze %dma_wait3A_545 : memref<1x!tpu.dma_semaphore, #tpu.memory_space<semaphore_mem>> -> memref<!tpu.dma_semaphore, #tpu.memory_space<semaphore_mem>>
      tpu.wait_indirect_dma semaphore(%dma_wait3A_546 : memref<!tpu.dma_semaphore, #tpu.memory_space<semaphore_mem>>) src(%dma_wait3A_544 : memref<262x128xf32, #tpu.memory_space<hbm>>) dst(%dma_wait3A_538 : memref<128x128xf32, #tpu.memory_space<vmem>>)
      %dma_wait3A_547 = arith.constant 0 : i32
      %dma_wait3A_548 = arith.constant 0 : i32
      %dma_wait3A_549 = arith.constant 128 : i32
      %dma_wait3A_550 = arith.constant 0 : i32
      %dma_wait3A_551 = tpu.memref_slice %arg13[%dma_wait3A_547, %dma_wait3A_549, %dma_wait3A_550] : memref<2x200x128xf32, #tpu.memory_space<vmem>> -> memref<1x72x128xf32, #tpu.memory_space<vmem>>
      %dma_wait3A_552 = tpu.memref_squeeze %dma_wait3A_551 : memref<1x72x128xf32, #tpu.memory_space<vmem>> -> memref<72x128xf32, #tpu.memory_space<vmem>>
      %dma_wait3A_553 = arith.constant 128 : i32
      %dma_wait3A_554 = tpu.memref_slice %arg12[%add3A_532, %dma_wait3A_553] : memref<128x200xi32, #tpu.memory_space<vmem>> -> memref<1x72xi32, #tpu.memory_space<vmem>>
      %dma_wait3A_555 = tpu.memref_squeeze %dma_wait3A_554 : memref<1x72xi32, #tpu.memory_space<vmem>> -> memref<72xi32, #tpu.memory_space<vmem>>
      %dma_wait3A_556 = arith.constant 0 : i32
      %dma_wait3A_557 = arith.constant 0 : i32
      %dma_wait3A_558 = tpu.memref_slice %arg3[%dma_wait3A_556, %dma_wait3A_557] : memref<262x128xf32, #tpu.memory_space<hbm>> -> memref<262x128xf32, #tpu.memory_space<hbm>>
      %dma_wait3A_559 = tpu.memref_slice %arg19[%dma_wait3A_548] : memref<2x!tpu.dma_semaphore, #tpu.memory_space<semaphore_mem>> -> memref<1x!tpu.dma_semaphore, #tpu.memory_space<semaphore_mem>>
      %dma_wait3A_560 = tpu.memref_squeeze %dma_wait3A_559 : memref<1x!tpu.dma_semaphore, #tpu.memory_space<semaphore_mem>> -> memref<!tpu.dma_semaphore, #tpu.memory_space<semaphore_mem>>
      tpu.wait_indirect_dma semaphore(%dma_wait3A_560 : memref<!tpu.dma_semaphore, #tpu.memory_space<semaphore_mem>>) src(%dma_wait3A_558 : memref<262x128xf32, #tpu.memory_space<hbm>>) dst(%dma_wait3A_552 : memref<72x128xf32, #tpu.memory_space<vmem>>)
      %add3A_561 = arith.addi %mul3A_4, %add3A_532 : i32
      %dma_start3A_562 = arith.constant 0 : i32
      %dma_start3A_563 = arith.constant 0 : i32
      %dma_start3A_564 = arith.constant 0 : i32
      %dma_start3A_565 = arith.constant 0 : i32
      %dma_start3A_566 = tpu.memref_slice %arg13[%dma_start3A_562, %dma_start3A_564, %dma_start3A_565] : memref<2x200x128xf32, #tpu.memory_space<vmem>> -> memref<1x200x128xf32, #tpu.memory_space<vmem>>
      %dma_start3A_567 = tpu.memref_squeeze %dma_start3A_566 : memref<1x200x128xf32, #tpu.memory_space<vmem>> -> memref<200x128xf32, #tpu.memory_space<vmem>>
      %dma_start3A_568 = arith.constant 0 : i32
      %dma_start3A_569 = arith.constant 0 : i32
      %dma_start3A_570 = tpu.memref_slice %arg6[%add3A_561, %dma_start3A_568, %dma_start3A_569] : memref<4096x200x128xf32, #tpu.memory_space<hbm>> -> memref<1x200x128xf32, #tpu.memory_space<hbm>>
      %dma_start3A_571 = tpu.memref_squeeze %dma_start3A_570 : memref<1x200x128xf32, #tpu.memory_space<hbm>> -> memref<200x128xf32, #tpu.memory_space<hbm>>
      %dma_start3A_572 = tpu.memref_slice %arg20[%dma_start3A_563] : memref<2x!tpu.dma_semaphore, #tpu.memory_space<semaphore_mem>> -> memref<1x!tpu.dma_semaphore, #tpu.memory_space<semaphore_mem>>
      %dma_start3A_573 = tpu.memref_squeeze %dma_start3A_572 : memref<1x!tpu.dma_semaphore, #tpu.memory_space<semaphore_mem>> -> memref<!tpu.dma_semaphore, #tpu.memory_space<semaphore_mem>>
      %dma_start3A_574 = arith.constant 0 : i32
      %dma_start3A_575 = arith.constant 0 : i32
      %dma_start3A_576 = tpu.memref_slice %arg6[%add3A_561, %dma_start3A_574, %dma_start3A_575] : memref<4096x200x128xf32, #tpu.memory_space<hbm>> -> memref<1x200x128xf32, #tpu.memory_space<hbm>>
      %dma_start3A_577 = tpu.memref_squeeze %dma_start3A_576 : memref<1x200x128xf32, #tpu.memory_space<hbm>> -> memref<200x128xf32, #tpu.memory_space<hbm>>
      %dma_start3A_578 = arith.constant 0 : i32
      %dma_start3A_579 = arith.constant 0 : i32
      %dma_start3A_580 = tpu.memref_slice %arg13[%dma_start3A_562, %dma_start3A_578, %dma_start3A_579] : memref<2x200x128xf32, #tpu.memory_space<vmem>> -> memref<1x200x128xf32, #tpu.memory_space<vmem>>
      %dma_start3A_581 = tpu.memref_squeeze %dma_start3A_580 : memref<1x200x128xf32, #tpu.memory_space<vmem>> -> memref<200x128xf32, #tpu.memory_space<vmem>>
      tpu.enqueue_dma source(%dma_start3A_581 : memref<200x128xf32, #tpu.memory_space<vmem>>) target(%dma_start3A_577 : memref<200x128xf32, #tpu.memory_space<hbm>>) target_semaphore(%dma_start3A_573 : memref<!tpu.dma_semaphore, #tpu.memory_space<semaphore_mem>>)
      %lt3A_582 = arith.constant 63 : i32
      %lt3A_583 = arith.cmpi slt, %scan3A_528, %lt3A_582 : i32
      %convert_element_type3A_584 = arith.extui %lt3A_583 : i1 to i32
      %cond3A_585 = arith.constant 0 : i32
      %cond3A_586 = arith.cmpi ne, %convert_element_type3A_584, %cond3A_585 : i32
      scf.if %cond3A_586 {
        %add3A_645 = arith.addi %mul3A_4, %add3A_532 : i32
        %dma_wait3A_646 = arith.constant 0 : i32
        %dma_wait3A_647 = arith.constant 0 : i32
        %dma_wait3A_648 = arith.constant 0 : i32
        %dma_wait3A_649 = arith.constant 0 : i32
        %dma_wait3A_650 = tpu.memref_slice %arg13[%dma_wait3A_646, %dma_wait3A_648, %dma_wait3A_649] : memref<2x200x128xf32, #tpu.memory_space<vmem>> -> memref<1x200x128xf32, #tpu.memory_space<vmem>>
        %dma_wait3A_651 = tpu.memref_squeeze %dma_wait3A_650 : memref<1x200x128xf32, #tpu.memory_space<vmem>> -> memref<200x128xf32, #tpu.memory_space<vmem>>
        %dma_wait3A_652 = arith.constant 0 : i32
        %dma_wait3A_653 = arith.constant 0 : i32
        %dma_wait3A_654 = tpu.memref_slice %arg6[%add3A_645, %dma_wait3A_652, %dma_wait3A_653] : memref<4096x200x128xf32, #tpu.memory_space<hbm>> -> memref<1x200x128xf32, #tpu.memory_space<hbm>>
        %dma_wait3A_655 = tpu.memref_squeeze %dma_wait3A_654 : memref<1x200x128xf32, #tpu.memory_space<hbm>> -> memref<200x128xf32, #tpu.memory_space<hbm>>
        %dma_wait3A_656 = tpu.memref_slice %arg20[%dma_wait3A_647] : memref<2x!tpu.dma_semaphore, #tpu.memory_space<semaphore_mem>> -> memref<1x!tpu.dma_semaphore, #tpu.memory_space<semaphore_mem>>
        %dma_wait3A_657 = tpu.memref_squeeze %dma_wait3A_656 : memref<1x!tpu.dma_semaphore, #tpu.memory_space<semaphore_mem>> -> memref<!tpu.dma_semaphore, #tpu.memory_space<semaphore_mem>>
        %dma_wait3A_658 = arith.constant 0 : i32
        %dma_wait3A_659 = arith.constant 0 : i32
        %dma_wait3A_660 = tpu.memref_slice %arg6[%add3A_645, %dma_wait3A_658, %dma_wait3A_659] : memref<4096x200x128xf32, #tpu.memory_space<hbm>> -> memref<1x200x128xf32, #tpu.memory_space<hbm>>
        %dma_wait3A_661 = tpu.memref_squeeze %dma_wait3A_660 : memref<1x200x128xf32, #tpu.memory_space<hbm>> -> memref<200x128xf32, #tpu.memory_space<hbm>>
        %dma_wait3A_662 = arith.constant 0 : i32
        %dma_wait3A_663 = arith.constant 0 : i32
        %dma_wait3A_664 = tpu.memref_slice %arg13[%dma_wait3A_646, %dma_wait3A_662, %dma_wait3A_663] : memref<2x200x128xf32, #tpu.memory_space<vmem>> -> memref<1x200x128xf32, #tpu.memory_space<vmem>>
        %dma_wait3A_665 = tpu.memref_squeeze %dma_wait3A_664 : memref<1x200x128xf32, #tpu.memory_space<vmem>> -> memref<200x128xf32, #tpu.memory_space<vmem>>
        tpu.wait_dma2 semaphore(%dma_wait3A_657 : memref<!tpu.dma_semaphore, #tpu.memory_space<semaphore_mem>>) src(%dma_wait3A_665 : memref<200x128xf32, #tpu.memory_space<vmem>>) dst(%dma_wait3A_661 : memref<200x128xf32, #tpu.memory_space<hbm>>)
        %add3A_666 = arith.constant 2 : i32
        %add3A_667 = arith.addi %add3A_532, %add3A_666 : i32
        %dma_start3A_668 = arith.constant 0 : i32
        %dma_start3A_669 = arith.constant 0 : i32
        %dma_start3A_670 = arith.constant 0 : i32
        %dma_start3A_671 = arith.constant 0 : i32
        %dma_start3A_672 = tpu.memref_slice %arg13[%dma_start3A_668, %dma_start3A_670, %dma_start3A_671] : memref<2x200x128xf32, #tpu.memory_space<vmem>> -> memref<1x128x128xf32, #tpu.memory_space<vmem>>
        %dma_start3A_673 = tpu.memref_squeeze %dma_start3A_672 : memref<1x128x128xf32, #tpu.memory_space<vmem>> -> memref<128x128xf32, #tpu.memory_space<vmem>>
        %dma_start3A_674 = arith.constant 0 : i32
        %dma_start3A_675 = tpu.memref_slice %arg12[%add3A_667, %dma_start3A_674] : memref<128x200xi32, #tpu.memory_space<vmem>> -> memref<1x128xi32, #tpu.memory_space<vmem>>
        %dma_start3A_676 = tpu.memref_squeeze %dma_start3A_675 : memref<1x128xi32, #tpu.memory_space<vmem>> -> memref<128xi32, #tpu.memory_space<vmem>>
        %dma_start3A_677 = arith.constant 0 : i32
        %dma_start3A_678 = arith.constant 0 : i32
        %dma_start3A_679 = tpu.memref_slice %arg3[%dma_start3A_677, %dma_start3A_678] : memref<262x128xf32, #tpu.memory_space<hbm>> -> memref<262x128xf32, #tpu.memory_space<hbm>>
        %dma_start3A_680 = tpu.memref_slice %arg19[%dma_start3A_669] : memref<2x!tpu.dma_semaphore, #tpu.memory_space<semaphore_mem>> -> memref<1x!tpu.dma_semaphore, #tpu.memory_space<semaphore_mem>>
        %dma_start3A_681 = tpu.memref_squeeze %dma_start3A_680 : memref<1x!tpu.dma_semaphore, #tpu.memory_space<semaphore_mem>> -> memref<!tpu.dma_semaphore, #tpu.memory_space<semaphore_mem>>
        tpu.enqueue_indirect_dma source(%dma_start3A_679 : memref<262x128xf32, #tpu.memory_space<hbm>>) target(%dma_start3A_673 : memref<128x128xf32, #tpu.memory_space<vmem>>) offsets(%dma_start3A_676 : memref<128xi32, #tpu.memory_space<vmem>>) semaphore(%dma_start3A_681 : memref<!tpu.dma_semaphore, #tpu.memory_space<semaphore_mem>>)
        %dma_start3A_682 = arith.constant 0 : i32
        %dma_start3A_683 = arith.constant 0 : i32
        %dma_start3A_684 = arith.constant 128 : i32
        %dma_start3A_685 = arith.constant 0 : i32
        %dma_start3A_686 = tpu.memref_slice %arg13[%dma_start3A_682, %dma_start3A_684, %dma_start3A_685] : memref<2x200x128xf32, #tpu.memory_space<vmem>> -> memref<1x72x128xf32, #tpu.memory_space<vmem>>
        %dma_start3A_687 = tpu.memref_squeeze %dma_start3A_686 : memref<1x72x128xf32, #tpu.memory_space<vmem>> -> memref<72x128xf32, #tpu.memory_space<vmem>>
        %dma_start3A_688 = arith.constant 128 : i32
        %dma_start3A_689 = tpu.memref_slice %arg12[%add3A_667, %dma_start3A_688] : memref<128x200xi32, #tpu.memory_space<vmem>> -> memref<1x72xi32, #tpu.memory_space<vmem>>
        %dma_start3A_690 = tpu.memref_squeeze %dma_start3A_689 : memref<1x72xi32, #tpu.memory_space<vmem>> -> memref<72xi32, #tpu.memory_space<vmem>>
        %dma_start3A_691 = arith.constant 0 : i32
        %dma_start3A_692 = arith.constant 0 : i32
        %dma_start3A_693 = tpu.memref_slice %arg3[%dma_start3A_691, %dma_start3A_692] : memref<262x128xf32, #tpu.memory_space<hbm>> -> memref<262x128xf32, #tpu.memory_space<hbm>>
        %dma_start3A_694 = tpu.memref_slice %arg19[%dma_start3A_683] : memref<2x!tpu.dma_semaphore, #tpu.memory_space<semaphore_mem>> -> memref<1x!tpu.dma_semaphore, #tpu.memory_space<semaphore_mem>>
        %dma_start3A_695 = tpu.memref_squeeze %dma_start3A_694 : memref<1x!tpu.dma_semaphore, #tpu.memory_space<semaphore_mem>> -> memref<!tpu.dma_semaphore, #tpu.memory_space<semaphore_mem>>
        tpu.enqueue_indirect_dma source(%dma_start3A_693 : memref<262x128xf32, #tpu.memory_space<hbm>>) target(%dma_start3A_687 : memref<72x128xf32, #tpu.memory_space<vmem>>) offsets(%dma_start3A_690 : memref<72xi32, #tpu.memory_space<vmem>>) semaphore(%dma_start3A_695 : memref<!tpu.dma_semaphore, #tpu.memory_space<semaphore_mem>>)
      } else {
      }
      %mul3A_587 = arith.constant 2 : i32
      %mul3A_588 = arith.muli %scan3A_528, %mul3A_587 : i32
      %add3A_589 = arith.constant 1 : i32
      %add3A_590 = arith.addi %mul3A_588, %add3A_589 : i32
      %dma_wait3A_591 = arith.constant 1 : i32
      %dma_wait3A_592 = arith.constant 1 : i32
      %dma_wait3A_593 = arith.constant 0 : i32
      %dma_wait3A_594 = arith.constant 0 : i32
      %dma_wait3A_595 = tpu.memref_slice %arg13[%dma_wait3A_591, %dma_wait3A_593, %dma_wait3A_594] : memref<2x200x128xf32, #tpu.memory_space<vmem>> -> memref<1x128x128xf32, #tpu.memory_space<vmem>>
      %dma_wait3A_596 = tpu.memref_squeeze %dma_wait3A_595 : memref<1x128x128xf32, #tpu.memory_space<vmem>> -> memref<128x128xf32, #tpu.memory_space<vmem>>
      %dma_wait3A_597 = arith.constant 0 : i32
      %dma_wait3A_598 = tpu.memref_slice %arg12[%add3A_590, %dma_wait3A_597] : memref<128x200xi32, #tpu.memory_space<vmem>> -> memref<1x128xi32, #tpu.memory_space<vmem>>
      %dma_wait3A_599 = tpu.memref_squeeze %dma_wait3A_598 : memref<1x128xi32, #tpu.memory_space<vmem>> -> memref<128xi32, #tpu.memory_space<vmem>>
      %dma_wait3A_600 = arith.constant 0 : i32
      %dma_wait3A_601 = arith.constant 0 : i32
      %dma_wait3A_602 = tpu.memref_slice %arg3[%dma_wait3A_600, %dma_wait3A_601] : memref<262x128xf32, #tpu.memory_space<hbm>> -> memref<262x128xf32, #tpu.memory_space<hbm>>
      %dma_wait3A_603 = tpu.memref_slice %arg19[%dma_wait3A_592] : memref<2x!tpu.dma_semaphore, #tpu.memory_space<semaphore_mem>> -> memref<1x!tpu.dma_semaphore, #tpu.memory_space<semaphore_mem>>
      %dma_wait3A_604 = tpu.memref_squeeze %dma_wait3A_603 : memref<1x!tpu.dma_semaphore, #tpu.memory_space<semaphore_mem>> -> memref<!tpu.dma_semaphore, #tpu.memory_space<semaphore_mem>>
      tpu.wait_indirect_dma semaphore(%dma_wait3A_604 : memref<!tpu.dma_semaphore, #tpu.memory_space<semaphore_mem>>) src(%dma_wait3A_602 : memref<262x128xf32, #tpu.memory_space<hbm>>) dst(%dma_wait3A_596 : memref<128x128xf32, #tpu.memory_space<vmem>>)
      %dma_wait3A_605 = arith.constant 1 : i32
      %dma_wait3A_606 = arith.constant 1 : i32
      %dma_wait3A_607 = arith.constant 128 : i32
      %dma_wait3A_608 = arith.constant 0 : i32
      %dma_wait3A_609 = tpu.memref_slice %arg13[%dma_wait3A_605, %dma_wait3A_607, %dma_wait3A_608] : memref<2x200x128xf32, #tpu.memory_space<vmem>> -> memref<1x72x128xf32, #tpu.memory_space<vmem>>
      %dma_wait3A_610 = tpu.memref_squeeze %dma_wait3A_609 : memref<1x72x128xf32, #tpu.memory_space<vmem>> -> memref<72x128xf32, #tpu.memory_space<vmem>>
      %dma_wait3A_611 = arith.constant 128 : i32
      %dma_wait3A_612 = tpu.memref_slice %arg12[%add3A_590, %dma_wait3A_611] : memref<128x200xi32, #tpu.memory_space<vmem>> -> memref<1x72xi32, #tpu.memory_space<vmem>>
      %dma_wait3A_613 = tpu.memref_squeeze %dma_wait3A_612 : memref<1x72xi32, #tpu.memory_space<vmem>> -> memref<72xi32, #tpu.memory_space<vmem>>
      %dma_wait3A_614 = arith.constant 0 : i32
      %dma_wait3A_615 = arith.constant 0 : i32
      %dma_wait3A_616 = tpu.memref_slice %arg3[%dma_wait3A_614, %dma_wait3A_615] : memref<262x128xf32, #tpu.memory_space<hbm>> -> memref<262x128xf32, #tpu.memory_space<hbm>>
      %dma_wait3A_617 = tpu.memref_slice %arg19[%dma_wait3A_606] : memref<2x!tpu.dma_semaphore, #tpu.memory_space<semaphore_mem>> -> memref<1x!tpu.dma_semaphore, #tpu.memory_space<semaphore_mem>>
      %dma_wait3A_618 = tpu.memref_squeeze %dma_wait3A_617 : memref<1x!tpu.dma_semaphore, #tpu.memory_space<semaphore_mem>> -> memref<!tpu.dma_semaphore, #tpu.memory_space<semaphore_mem>>
      tpu.wait_indirect_dma semaphore(%dma_wait3A_618 : memref<!tpu.dma_semaphore, #tpu.memory_space<semaphore_mem>>) src(%dma_wait3A_616 : memref<262x128xf32, #tpu.memory_space<hbm>>) dst(%dma_wait3A_610 : memref<72x128xf32, #tpu.memory_space<vmem>>)
      %add3A_619 = arith.addi %mul3A_4, %add3A_590 : i32
      %dma_start3A_620 = arith.constant 1 : i32
      %dma_start3A_621 = arith.constant 1 : i32
      %dma_start3A_622 = arith.constant 0 : i32
      %dma_start3A_623 = arith.constant 0 : i32
      %dma_start3A_624 = tpu.memref_slice %arg13[%dma_start3A_620, %dma_start3A_622, %dma_start3A_623] : memref<2x200x128xf32, #tpu.memory_space<vmem>> -> memref<1x200x128xf32, #tpu.memory_space<vmem>>
      %dma_start3A_625 = tpu.memref_squeeze %dma_start3A_624 : memref<1x200x128xf32, #tpu.memory_space<vmem>> -> memref<200x128xf32, #tpu.memory_space<vmem>>
      %dma_start3A_626 = arith.constant 0 : i32
      %dma_start3A_627 = arith.constant 0 : i32
      %dma_start3A_628 = tpu.memref_slice %arg6[%add3A_619, %dma_start3A_626, %dma_start3A_627] : memref<4096x200x128xf32, #tpu.memory_space<hbm>> -> memref<1x200x128xf32, #tpu.memory_space<hbm>>
      %dma_start3A_629 = tpu.memref_squeeze %dma_start3A_628 : memref<1x200x128xf32, #tpu.memory_space<hbm>> -> memref<200x128xf32, #tpu.memory_space<hbm>>
      %dma_start3A_630 = tpu.memref_slice %arg20[%dma_start3A_621] : memref<2x!tpu.dma_semaphore, #tpu.memory_space<semaphore_mem>> -> memref<1x!tpu.dma_semaphore, #tpu.memory_space<semaphore_mem>>
      %dma_start3A_631 = tpu.memref_squeeze %dma_start3A_630 : memref<1x!tpu.dma_semaphore, #tpu.memory_space<semaphore_mem>> -> memref<!tpu.dma_semaphore, #tpu.memory_space<semaphore_mem>>
      %dma_start3A_632 = arith.constant 0 : i32
      %dma_start3A_633 = arith.constant 0 : i32
      %dma_start3A_634 = tpu.memref_slice %arg6[%add3A_619, %dma_start3A_632, %dma_start3A_633] : memref<4096x200x128xf32, #tpu.memory_space<hbm>> -> memref<1x200x128xf32, #tpu.memory_space<hbm>>
      %dma_start3A_635 = tpu.memref_squeeze %dma_start3A_634 : memref<1x200x128xf32, #tpu.memory_space<hbm>> -> memref<200x128xf32, #tpu.memory_space<hbm>>
      %dma_start3A_636 = arith.constant 0 : i32
      %dma_start3A_637 = arith.constant 0 : i32
      %dma_start3A_638 = tpu.memref_slice %arg13[%dma_start3A_620, %dma_start3A_636, %dma_start3A_637] : memref<2x200x128xf32, #tpu.memory_space<vmem>> -> memref<1x200x128xf32, #tpu.memory_space<vmem>>
      %dma_start3A_639 = tpu.memref_squeeze %dma_start3A_638 : memref<1x200x128xf32, #tpu.memory_space<vmem>> -> memref<200x128xf32, #tpu.memory_space<vmem>>
      tpu.enqueue_dma source(%dma_start3A_639 : memref<200x128xf32, #tpu.memory_space<vmem>>) target(%dma_start3A_635 : memref<200x128xf32, #tpu.memory_space<hbm>>) target_semaphore(%dma_start3A_631 : memref<!tpu.dma_semaphore, #tpu.memory_space<semaphore_mem>>)
      %lt3A_640 = arith.constant 63 : i32
      %lt3A_641 = arith.cmpi slt, %scan3A_528, %lt3A_640 : i32
      %convert_element_type3A_642 = arith.extui %lt3A_641 : i1 to i32
      %cond3A_643 = arith.constant 0 : i32
      %cond3A_644 = arith.cmpi ne, %convert_element_type3A_642, %cond3A_643 : i32
      scf.if %cond3A_644 {
        %add3A_645 = arith.addi %mul3A_4, %add3A_590 : i32
        %dma_wait3A_646 = arith.constant 1 : i32
        %dma_wait3A_647 = arith.constant 1 : i32
        %dma_wait3A_648 = arith.constant 0 : i32
        %dma_wait3A_649 = arith.constant 0 : i32
        %dma_wait3A_650 = tpu.memref_slice %arg13[%dma_wait3A_646, %dma_wait3A_648, %dma_wait3A_649] : memref<2x200x128xf32, #tpu.memory_space<vmem>> -> memref<1x200x128xf32, #tpu.memory_space<vmem>>
        %dma_wait3A_651 = tpu.memref_squeeze %dma_wait3A_650 : memref<1x200x128xf32, #tpu.memory_space<vmem>> -> memref<200x128xf32, #tpu.memory_space<vmem>>
        %dma_wait3A_652 = arith.constant 0 : i32
        %dma_wait3A_653 = arith.constant 0 : i32
        %dma_wait3A_654 = tpu.memref_slice %arg6[%add3A_645, %dma_wait3A_652, %dma_wait3A_653] : memref<4096x200x128xf32, #tpu.memory_space<hbm>> -> memref<1x200x128xf32, #tpu.memory_space<hbm>>
        %dma_wait3A_655 = tpu.memref_squeeze %dma_wait3A_654 : memref<1x200x128xf32, #tpu.memory_space<hbm>> -> memref<200x128xf32, #tpu.memory_space<hbm>>
        %dma_wait3A_656 = tpu.memref_slice %arg20[%dma_wait3A_647] : memref<2x!tpu.dma_semaphore, #tpu.memory_space<semaphore_mem>> -> memref<1x!tpu.dma_semaphore, #tpu.memory_space<semaphore_mem>>
        %dma_wait3A_657 = tpu.memref_squeeze %dma_wait3A_656 : memref<1x!tpu.dma_semaphore, #tpu.memory_space<semaphore_mem>> -> memref<!tpu.dma_semaphore, #tpu.memory_space<semaphore_mem>>
        %dma_wait3A_658 = arith.constant 0 : i32
        %dma_wait3A_659 = arith.constant 0 : i32
        %dma_wait3A_660 = tpu.memref_slice %arg6[%add3A_645, %dma_wait3A_658, %dma_wait3A_659] : memref<4096x200x128xf32, #tpu.memory_space<hbm>> -> memref<1x200x128xf32, #tpu.memory_space<hbm>>
        %dma_wait3A_661 = tpu.memref_squeeze %dma_wait3A_660 : memref<1x200x128xf32, #tpu.memory_space<hbm>> -> memref<200x128xf32, #tpu.memory_space<hbm>>
        %dma_wait3A_662 = arith.constant 0 : i32
        %dma_wait3A_663 = arith.constant 0 : i32
        %dma_wait3A_664 = tpu.memref_slice %arg13[%dma_wait3A_646, %dma_wait3A_662, %dma_wait3A_663] : memref<2x200x128xf32, #tpu.memory_space<vmem>> -> memref<1x200x128xf32, #tpu.memory_space<vmem>>
        %dma_wait3A_665 = tpu.memref_squeeze %dma_wait3A_664 : memref<1x200x128xf32, #tpu.memory_space<vmem>> -> memref<200x128xf32, #tpu.memory_space<vmem>>
        tpu.wait_dma2 semaphore(%dma_wait3A_657 : memref<!tpu.dma_semaphore, #tpu.memory_space<semaphore_mem>>) src(%dma_wait3A_665 : memref<200x128xf32, #tpu.memory_space<vmem>>) dst(%dma_wait3A_661 : memref<200x128xf32, #tpu.memory_space<hbm>>)
        %add3A_666 = arith.constant 2 : i32
        %add3A_667 = arith.addi %add3A_590, %add3A_666 : i32
        %dma_start3A_668 = arith.constant 1 : i32
        %dma_start3A_669 = arith.constant 1 : i32
        %dma_start3A_670 = arith.constant 0 : i32
        %dma_start3A_671 = arith.constant 0 : i32
        %dma_start3A_672 = tpu.memref_slice %arg13[%dma_start3A_668, %dma_start3A_670, %dma_start3A_671] : memref<2x200x128xf32, #tpu.memory_space<vmem>> -> memref<1x128x128xf32, #tpu.memory_space<vmem>>
        %dma_start3A_673 = tpu.memref_squeeze %dma_start3A_672 : memref<1x128x128xf32, #tpu.memory_space<vmem>> -> memref<128x128xf32, #tpu.memory_space<vmem>>
        %dma_start3A_674 = arith.constant 0 : i32
        %dma_start3A_675 = tpu.memref_slice %arg12[%add3A_667, %dma_start3A_674] : memref<128x200xi32, #tpu.memory_space<vmem>> -> memref<1x128xi32, #tpu.memory_space<vmem>>
        %dma_start3A_676 = tpu.memref_squeeze %dma_start3A_675 : memref<1x128xi32, #tpu.memory_space<vmem>> -> memref<128xi32, #tpu.memory_space<vmem>>
        %dma_start3A_677 = arith.constant 0 : i32
        %dma_start3A_678 = arith.constant 0 : i32
        %dma_start3A_679 = tpu.memref_slice %arg3[%dma_start3A_677, %dma_start3A_678] : memref<262x128xf32, #tpu.memory_space<hbm>> -> memref<262x128xf32, #tpu.memory_space<hbm>>
        %dma_start3A_680 = tpu.memref_slice %arg19[%dma_start3A_669] : memref<2x!tpu.dma_semaphore, #tpu.memory_space<semaphore_mem>> -> memref<1x!tpu.dma_semaphore, #tpu.memory_space<semaphore_mem>>
        %dma_start3A_681 = tpu.memref_squeeze %dma_start3A_680 : memref<1x!tpu.dma_semaphore, #tpu.memory_space<semaphore_mem>> -> memref<!tpu.dma_semaphore, #tpu.memory_space<semaphore_mem>>
        tpu.enqueue_indirect_dma source(%dma_start3A_679 : memref<262x128xf32, #tpu.memory_space<hbm>>) target(%dma_start3A_673 : memref<128x128xf32, #tpu.memory_space<vmem>>) offsets(%dma_start3A_676 : memref<128xi32, #tpu.memory_space<vmem>>) semaphore(%dma_start3A_681 : memref<!tpu.dma_semaphore, #tpu.memory_space<semaphore_mem>>)
        %dma_start3A_682 = arith.constant 1 : i32
        %dma_start3A_683 = arith.constant 1 : i32
        %dma_start3A_684 = arith.constant 128 : i32
        %dma_start3A_685 = arith.constant 0 : i32
        %dma_start3A_686 = tpu.memref_slice %arg13[%dma_start3A_682, %dma_start3A_684, %dma_start3A_685] : memref<2x200x128xf32, #tpu.memory_space<vmem>> -> memref<1x72x128xf32, #tpu.memory_space<vmem>>
        %dma_start3A_687 = tpu.memref_squeeze %dma_start3A_686 : memref<1x72x128xf32, #tpu.memory_space<vmem>> -> memref<72x128xf32, #tpu.memory_space<vmem>>
        %dma_start3A_688 = arith.constant 128 : i32
        %dma_start3A_689 = tpu.memref_slice %arg12[%add3A_667, %dma_start3A_688] : memref<128x200xi32, #tpu.memory_space<vmem>> -> memref<1x72xi32, #tpu.memory_space<vmem>>
        %dma_start3A_690 = tpu.memref_squeeze %dma_start3A_689 : memref<1x72xi32, #tpu.memory_space<vmem>> -> memref<72xi32, #tpu.memory_space<vmem>>
        %dma_start3A_691 = arith.constant 0 : i32
        %dma_start3A_692 = arith.constant 0 : i32
        %dma_start3A_693 = tpu.memref_slice %arg3[%dma_start3A_691, %dma_start3A_692] : memref<262x128xf32, #tpu.memory_space<hbm>> -> memref<262x128xf32, #tpu.memory_space<hbm>>
        %dma_start3A_694 = tpu.memref_slice %arg19[%dma_start3A_683] : memref<2x!tpu.dma_semaphore, #tpu.memory_space<semaphore_mem>> -> memref<1x!tpu.dma_semaphore, #tpu.memory_space<semaphore_mem>>
        %dma_start3A_695 = tpu.memref_squeeze %dma_start3A_694 : memref<1x!tpu.dma_semaphore, #tpu.memory_space<semaphore_mem>> -> memref<!tpu.dma_semaphore, #tpu.memory_space<semaphore_mem>>
        tpu.enqueue_indirect_dma source(%dma_start3A_693 : memref<262x128xf32, #tpu.memory_space<hbm>>) target(%dma_start3A_687 : memref<72x128xf32, #tpu.memory_space<vmem>>) offsets(%dma_start3A_690 : memref<72xi32, #tpu.memory_space<vmem>>) semaphore(%dma_start3A_695 : memref<!tpu.dma_semaphore, #tpu.memory_space<semaphore_mem>>)
      } else {
      }
    }
    %scan3A_68 = arith.constant 64 : i32
    %add3A_69 = arith.constant 126 : i32
    %add3A_70 = arith.addi %mul3A_4, %add3A_69 : i32
    %dma_wait3A = arith.constant 0 : i32
    %dma_wait3A_71 = arith.constant 0 : i32
    %dma_wait3A_72 = arith.constant 0 : i32
    %dma_wait3A_73 = arith.constant 0 : i32
    %dma_wait3A_74 = tpu.memref_slice %arg13[%dma_wait3A, %dma_wait3A_72, %dma_wait3A_73] : memref<2x200x128xf32, #tpu.memory_space<vmem>> -> memref<1x200x128xf32, #tpu.memory_space<vmem>>
    %dma_wait3A_75 = tpu.memref_squeeze %dma_wait3A_74 : memref<1x200x128xf32, #tpu.memory_space<vmem>> -> memref<200x128xf32, #tpu.memory_space<vmem>>
    %dma_wait3A_76 = arith.constant 0 : i32
    %dma_wait3A_77 = arith.constant 0 : i32
    %dma_wait3A_78 = tpu.memref_slice %arg6[%add3A_70, %dma_wait3A_76, %dma_wait3A_77] : memref<4096x200x128xf32, #tpu.memory_space<hbm>> -> memref<1x200x128xf32, #tpu.memory_space<hbm>>
    %dma_wait3A_79 = tpu.memref_squeeze %dma_wait3A_78 : memref<1x200x128xf32, #tpu.memory_space<hbm>> -> memref<200x128xf32, #tpu.memory_space<hbm>>
    %dma_wait3A_80 = tpu.memref_slice %arg20[%dma_wait3A_71] : memref<2x!tpu.dma_semaphore, #tpu.memory_space<semaphore_mem>> -> memref<1x!tpu.dma_semaphore, #tpu.memory_space<semaphore_mem>>
    %dma_wait3A_81 = tpu.memref_squeeze %dma_wait3A_80 : memref<1x!tpu.dma_semaphore, #tpu.memory_space<semaphore_mem>> -> memref<!tpu.dma_semaphore, #tpu.memory_space<semaphore_mem>>
    %dma_wait3A_82 = arith.constant 0 : i32
    %dma_wait3A_83 = arith.constant 0 : i32
    %dma_wait3A_84 = tpu.memref_slice %arg6[%add3A_70, %dma_wait3A_82, %dma_wait3A_83] : memref<4096x200x128xf32, #tpu.memory_space<hbm>> -> memref<1x200x128xf32, #tpu.memory_space<hbm>>
    %dma_wait3A_85 = tpu.memref_squeeze %dma_wait3A_84 : memref<1x200x128xf32, #tpu.memory_space<hbm>> -> memref<200x128xf32, #tpu.memory_space<hbm>>
    %dma_wait3A_86 = arith.constant 0 : i32
    %dma_wait3A_87 = arith.constant 0 : i32
    %dma_wait3A_88 = tpu.memref_slice %arg13[%dma_wait3A, %dma_wait3A_86, %dma_wait3A_87] : memref<2x200x128xf32, #tpu.memory_space<vmem>> -> memref<1x200x128xf32, #tpu.memory_space<vmem>>
    %dma_wait3A_89 = tpu.memref_squeeze %dma_wait3A_88 : memref<1x200x128xf32, #tpu.memory_space<vmem>> -> memref<200x128xf32, #tpu.memory_space<vmem>>
    tpu.wait_dma2 semaphore(%dma_wait3A_81 : memref<!tpu.dma_semaphore, #tpu.memory_space<semaphore_mem>>) src(%dma_wait3A_89 : memref<200x128xf32, #tpu.memory_space<vmem>>) dst(%dma_wait3A_85 : memref<200x128xf32, #tpu.memory_space<hbm>>)
    %add3A_90 = arith.constant 127 : i32
    %add3A_91 = arith.addi %mul3A_4, %add3A_90 : i32
    %dma_wait3A_92 = arith.constant 1 : i32
    %dma_wait3A_93 = arith.constant 1 : i32
    %dma_wait3A_94 = arith.constant 0 : i32
    %dma_wait3A_95 = arith.constant 0 : i32
    %dma_wait3A_96 = tpu.memref_slice %arg13[%dma_wait3A_92, %dma_wait3A_94, %dma_wait3A_95] : memref<2x200x128xf32, #tpu.memory_space<vmem>> -> memref<1x200x128xf32, #tpu.memory_space<vmem>>
    %dma_wait3A_97 = tpu.memref_squeeze %dma_wait3A_96 : memref<1x200x128xf32, #tpu.memory_space<vmem>> -> memref<200x128xf32, #tpu.memory_space<vmem>>
    %dma_wait3A_98 = arith.constant 0 : i32
    %dma_wait3A_99 = arith.constant 0 : i32
    %dma_wait3A_100 = tpu.memref_slice %arg6[%add3A_91, %dma_wait3A_98, %dma_wait3A_99] : memref<4096x200x128xf32, #tpu.memory_space<hbm>> -> memref<1x200x128xf32, #tpu.memory_space<hbm>>
    %dma_wait3A_101 = tpu.memref_squeeze %dma_wait3A_100 : memref<1x200x128xf32, #tpu.memory_space<hbm>> -> memref<200x128xf32, #tpu.memory_space<hbm>>
    %dma_wait3A_102 = tpu.memref_slice %arg20[%dma_wait3A_93] : memref<2x!tpu.dma_semaphore, #tpu.memory_space<semaphore_mem>> -> memref<1x!tpu.dma_semaphore, #tpu.memory_space<semaphore_mem>>
    %dma_wait3A_103 = tpu.memref_squeeze %dma_wait3A_102 : memref<1x!tpu.dma_semaphore, #tpu.memory_space<semaphore_mem>> -> memref<!tpu.dma_semaphore, #tpu.memory_space<semaphore_mem>>
    %dma_wait3A_104 = arith.constant 0 : i32
    %dma_wait3A_105 = arith.constant 0 : i32
    %dma_wait3A_106 = tpu.memref_slice %arg6[%add3A_91, %dma_wait3A_104, %dma_wait3A_105] : memref<4096x200x128xf32, #tpu.memory_space<hbm>> -> memref<1x200x128xf32, #tpu.memory_space<hbm>>
    %dma_wait3A_107 = tpu.memref_squeeze %dma_wait3A_106 : memref<1x200x128xf32, #tpu.memory_space<hbm>> -> memref<200x128xf32, #tpu.memory_space<hbm>>
    %dma_wait3A_108 = arith.constant 0 : i32
    %dma_wait3A_109 = arith.constant 0 : i32
    %dma_wait3A_110 = tpu.memref_slice %arg13[%dma_wait3A_92, %dma_wait3A_108, %dma_wait3A_109] : memref<2x200x128xf32, #tpu.memory_space<vmem>> -> memref<1x200x128xf32, #tpu.memory_space<vmem>>
    %dma_wait3A_111 = tpu.memref_squeeze %dma_wait3A_110 : memref<1x200x128xf32, #tpu.memory_space<vmem>> -> memref<200x128xf32, #tpu.memory_space<vmem>>
    tpu.wait_dma2 semaphore(%dma_wait3A_103 : memref<!tpu.dma_semaphore, #tpu.memory_space<semaphore_mem>>) src(%dma_wait3A_111 : memref<200x128xf32, #tpu.memory_space<vmem>>) dst(%dma_wait3A_107 : memref<200x128xf32, #tpu.memory_space<hbm>>)
    %iota3A = tpu.iota {dimensions = array<i32: 0>} : vector<16xi32>
    %add3A_112 = arith.constant 0 : i32
    %add3A_113 = vector.broadcast %add3A_112 : i32 to vector<16xi32>
    %add3A_114 = arith.addi %iota3A, %add3A_113 : vector<16xi32>
    %iota3A_115 = tpu.iota {dimensions = array<i32: 0>} : vector<16xi32>
    %add3A_116 = arith.constant 16 : i32
    %add3A_117 = vector.broadcast %add3A_116 : i32 to vector<16xi32>
    %add3A_118 = arith.addi %iota3A_115, %add3A_117 : vector<16xi32>
    %iota3A_119 = tpu.iota {dimensions = array<i32: 0>} : vector<16xi32>
    %add3A_120 = arith.constant 32 : i32
    %add3A_121 = vector.broadcast %add3A_120 : i32 to vector<16xi32>
    %add3A_122 = arith.addi %iota3A_119, %add3A_121 : vector<16xi32>
    %iota3A_123 = tpu.iota {dimensions = array<i32: 0>} : vector<16xi32>
    %add3A_124 = arith.constant 48 : i32
    %add3A_125 = vector.broadcast %add3A_124 : i32 to vector<16xi32>
    %add3A_126 = arith.addi %iota3A_123, %add3A_125 : vector<16xi32>
    %iota3A_127 = tpu.iota {dimensions = array<i32: 0>} : vector<16xi32>
    %add3A_128 = arith.constant 64 : i32
    %add3A_129 = vector.broadcast %add3A_128 : i32 to vector<16xi32>
    %add3A_130 = arith.addi %iota3A_127, %add3A_129 : vector<16xi32>
    %iota3A_131 = tpu.iota {dimensions = array<i32: 0>} : vector<16xi32>
    %add3A_132 = arith.constant 80 : i32
    %add3A_133 = vector.broadcast %add3A_132 : i32 to vector<16xi32>
    %add3A_134 = arith.addi %iota3A_131, %add3A_133 : vector<16xi32>
    %iota3A_135 = tpu.iota {dimensions = array<i32: 0>} : vector<16xi32>
    %add3A_136 = arith.constant 96 : i32
    %add3A_137 = vector.broadcast %add3A_136 : i32 to vector<16xi32>
    %add3A_138 = arith.addi %iota3A_135, %add3A_137 : vector<16xi32>
    %iota3A_139 = tpu.iota {dimensions = array<i32: 0>} : vector<16xi32>
    %add3A_140 = arith.constant 112 : i32
    %add3A_141 = vector.broadcast %add3A_140 : i32 to vector<16xi32>
    %add3A_142 = arith.addi %iota3A_139, %add3A_141 : vector<16xi32>
    %iota3A_143 = tpu.iota {dimensions = array<i32: 0>} : vector<16xi32>
    %add3A_144 = arith.constant 0 : i32
    %add3A_145 = vector.broadcast %add3A_144 : i32 to vector<16xi32>
    %add3A_146 = arith.addi %add3A_145, %iota3A_143 : vector<16xi32>
    %jit3A = arith.constant 8 : i32
    %div3A = vector.broadcast %jit3A : i32 to vector<16xi32>
    %div3A_147 = arith.divsi %add3A_146, %div3A : vector<16xi32>
    %sign3A = arith.constant 0 : i32
    %sign3A_148 = vector.broadcast %sign3A : i32 to vector<16xi32>
    %sign3A_149 = arith.cmpi sgt, %add3A_146, %sign3A_148 : vector<16xi32>
    %sign3A_150 = arith.extui %sign3A_149 : vector<16xi1> to vector<16xi32>
    %sign3A_151 = arith.constant 0 : i32
    %sign3A_152 = vector.broadcast %sign3A_151 : i32 to vector<16xi32>
    %sign3A_153 = arith.cmpi slt, %add3A_146, %sign3A_152 : vector<16xi32>
    %sign3A_154 = arith.extui %sign3A_153 : vector<16xi1> to vector<16xi32>
    %sign3A_155 = arith.subi %sign3A_150, %sign3A_154 : vector<16xi32>
    %sign3A_156 = arith.constant 0 : i32
    %sign3A_157 = arith.cmpi sgt, %jit3A, %sign3A_156 : i32
    %sign3A_158 = arith.extui %sign3A_157 : i1 to i32
    %sign3A_159 = arith.constant 0 : i32
    %sign3A_160 = arith.cmpi slt, %jit3A, %sign3A_159 : i32
    %sign3A_161 = arith.extui %sign3A_160 : i1 to i32
    %sign3A_162 = arith.subi %sign3A_158, %sign3A_161 : i32
    %ne3A = vector.broadcast %sign3A_162 : i32 to vector<16xi32>
    %ne3A_163 = arith.cmpi ne, %sign3A_155, %ne3A : vector<16xi32>
    %rem3A = vector.broadcast %jit3A : i32 to vector<16xi32>
    %rem3A_164 = arith.remsi %add3A_146, %rem3A : vector<16xi32>
    %ne3A_165 = arith.constant 0 : i32
    %ne3A_166 = vector.broadcast %ne3A_165 : i32 to vector<16xi32>
    %ne3A_167 = arith.cmpi ne, %rem3A_164, %ne3A_166 : vector<16xi32>
    %and3A = arith.andi %ne3A_163, %ne3A_167 : vector<16xi1>
    %sub3A = arith.constant 1 : i32
    %sub3A_168 = vector.broadcast %sub3A : i32 to vector<16xi32>
    %sub3A_169 = arith.subi %div3A_147, %sub3A_168 : vector<16xi32>
    %select_n3A = arith.select %and3A, %sub3A_169, %div3A_147 : vector<16xi1>, vector<16xi32>
    %add3A_170 = arith.constant 16 : i32
    %add3A_171 = vector.broadcast %add3A_170 : i32 to vector<16xi32>
    %add3A_172 = arith.addi %add3A_171, %iota3A_143 : vector<16xi32>
    %jit3A_173 = arith.constant 8 : i32
    %div3A_174 = vector.broadcast %jit3A_173 : i32 to vector<16xi32>
    %div3A_175 = arith.divsi %add3A_172, %div3A_174 : vector<16xi32>
    %sign3A_176 = arith.constant 0 : i32
    %sign3A_177 = vector.broadcast %sign3A_176 : i32 to vector<16xi32>
    %sign3A_178 = arith.cmpi sgt, %add3A_172, %sign3A_177 : vector<16xi32>
    %sign3A_179 = arith.extui %sign3A_178 : vector<16xi1> to vector<16xi32>
    %sign3A_180 = arith.constant 0 : i32
    %sign3A_181 = vector.broadcast %sign3A_180 : i32 to vector<16xi32>
    %sign3A_182 = arith.cmpi slt, %add3A_172, %sign3A_181 : vector<16xi32>
    %sign3A_183 = arith.extui %sign3A_182 : vector<16xi1> to vector<16xi32>
    %sign3A_184 = arith.subi %sign3A_179, %sign3A_183 : vector<16xi32>
    %sign3A_185 = arith.constant 0 : i32
    %sign3A_186 = arith.cmpi sgt, %jit3A_173, %sign3A_185 : i32
    %sign3A_187 = arith.extui %sign3A_186 : i1 to i32
    %sign3A_188 = arith.constant 0 : i32
    %sign3A_189 = arith.cmpi slt, %jit3A_173, %sign3A_188 : i32
    %sign3A_190 = arith.extui %sign3A_189 : i1 to i32
    %sign3A_191 = arith.subi %sign3A_187, %sign3A_190 : i32
    %ne3A_192 = vector.broadcast %sign3A_191 : i32 to vector<16xi32>
    %ne3A_193 = arith.cmpi ne, %sign3A_184, %ne3A_192 : vector<16xi32>
    %rem3A_194 = vector.broadcast %jit3A_173 : i32 to vector<16xi32>
    %rem3A_195 = arith.remsi %add3A_172, %rem3A_194 : vector<16xi32>
    %ne3A_196 = arith.constant 0 : i32
    %ne3A_197 = vector.broadcast %ne3A_196 : i32 to vector<16xi32>
    %ne3A_198 = arith.cmpi ne, %rem3A_195, %ne3A_197 : vector<16xi32>
    %and3A_199 = arith.andi %ne3A_193, %ne3A_198 : vector<16xi1>
    %sub3A_200 = arith.constant 1 : i32
    %sub3A_201 = vector.broadcast %sub3A_200 : i32 to vector<16xi32>
    %sub3A_202 = arith.subi %div3A_175, %sub3A_201 : vector<16xi32>
    %select_n3A_203 = arith.select %and3A_199, %sub3A_202, %div3A_175 : vector<16xi1>, vector<16xi32>
    %add3A_204 = arith.constant 32 : i32
    %add3A_205 = vector.broadcast %add3A_204 : i32 to vector<16xi32>
    %add3A_206 = arith.addi %add3A_205, %iota3A_143 : vector<16xi32>
    %jit3A_207 = arith.constant 8 : i32
    %div3A_208 = vector.broadcast %jit3A_207 : i32 to vector<16xi32>
    %div3A_209 = arith.divsi %add3A_206, %div3A_208 : vector<16xi32>
    %sign3A_210 = arith.constant 0 : i32
    %sign3A_211 = vector.broadcast %sign3A_210 : i32 to vector<16xi32>
    %sign3A_212 = arith.cmpi sgt, %add3A_206, %sign3A_211 : vector<16xi32>
    %sign3A_213 = arith.extui %sign3A_212 : vector<16xi1> to vector<16xi32>
    %sign3A_214 = arith.constant 0 : i32
    %sign3A_215 = vector.broadcast %sign3A_214 : i32 to vector<16xi32>
    %sign3A_216 = arith.cmpi slt, %add3A_206, %sign3A_215 : vector<16xi32>
    %sign3A_217 = arith.extui %sign3A_216 : vector<16xi1> to vector<16xi32>
    %sign3A_218 = arith.subi %sign3A_213, %sign3A_217 : vector<16xi32>
    %sign3A_219 = arith.constant 0 : i32
    %sign3A_220 = arith.cmpi sgt, %jit3A_207, %sign3A_219 : i32
    %sign3A_221 = arith.extui %sign3A_220 : i1 to i32
    %sign3A_222 = arith.constant 0 : i32
    %sign3A_223 = arith.cmpi slt, %jit3A_207, %sign3A_222 : i32
    %sign3A_224 = arith.extui %sign3A_223 : i1 to i32
    %sign3A_225 = arith.subi %sign3A_221, %sign3A_224 : i32
    %ne3A_226 = vector.broadcast %sign3A_225 : i32 to vector<16xi32>
    %ne3A_227 = arith.cmpi ne, %sign3A_218, %ne3A_226 : vector<16xi32>
    %rem3A_228 = vector.broadcast %jit3A_207 : i32 to vector<16xi32>
    %rem3A_229 = arith.remsi %add3A_206, %rem3A_228 : vector<16xi32>
    %ne3A_230 = arith.constant 0 : i32
    %ne3A_231 = vector.broadcast %ne3A_230 : i32 to vector<16xi32>
    %ne3A_232 = arith.cmpi ne, %rem3A_229, %ne3A_231 : vector<16xi32>
    %and3A_233 = arith.andi %ne3A_227, %ne3A_232 : vector<16xi1>
    %sub3A_234 = arith.constant 1 : i32
    %sub3A_235 = vector.broadcast %sub3A_234 : i32 to vector<16xi32>
    %sub3A_236 = arith.subi %div3A_209, %sub3A_235 : vector<16xi32>
    %select_n3A_237 = arith.select %and3A_233, %sub3A_236, %div3A_209 : vector<16xi1>, vector<16xi32>
    %add3A_238 = arith.constant 48 : i32
    %add3A_239 = vector.broadcast %add3A_238 : i32 to vector<16xi32>
    %add3A_240 = arith.addi %add3A_239, %iota3A_143 : vector<16xi32>
    %jit3A_241 = arith.constant 8 : i32
    %div3A_242 = vector.broadcast %jit3A_241 : i32 to vector<16xi32>
    %div3A_243 = arith.divsi %add3A_240, %div3A_242 : vector<16xi32>
    %sign3A_244 = arith.constant 0 : i32
    %sign3A_245 = vector.broadcast %sign3A_244 : i32 to vector<16xi32>
    %sign3A_246 = arith.cmpi sgt, %add3A_240, %sign3A_245 : vector<16xi32>
    %sign3A_247 = arith.extui %sign3A_246 : vector<16xi1> to vector<16xi32>
    %sign3A_248 = arith.constant 0 : i32
    %sign3A_249 = vector.broadcast %sign3A_248 : i32 to vector<16xi32>
    %sign3A_250 = arith.cmpi slt, %add3A_240, %sign3A_249 : vector<16xi32>
    %sign3A_251 = arith.extui %sign3A_250 : vector<16xi1> to vector<16xi32>
    %sign3A_252 = arith.subi %sign3A_247, %sign3A_251 : vector<16xi32>
    %sign3A_253 = arith.constant 0 : i32
    %sign3A_254 = arith.cmpi sgt, %jit3A_241, %sign3A_253 : i32
    %sign3A_255 = arith.extui %sign3A_254 : i1 to i32
    %sign3A_256 = arith.constant 0 : i32
    %sign3A_257 = arith.cmpi slt, %jit3A_241, %sign3A_256 : i32
    %sign3A_258 = arith.extui %sign3A_257 : i1 to i32
    %sign3A_259 = arith.subi %sign3A_255, %sign3A_258 : i32
    %ne3A_260 = vector.broadcast %sign3A_259 : i32 to vector<16xi32>
    %ne3A_261 = arith.cmpi ne, %sign3A_252, %ne3A_260 : vector<16xi32>
    %rem3A_262 = vector.broadcast %jit3A_241 : i32 to vector<16xi32>
    %rem3A_263 = arith.remsi %add3A_240, %rem3A_262 : vector<16xi32>
    %ne3A_264 = arith.constant 0 : i32
    %ne3A_265 = vector.broadcast %ne3A_264 : i32 to vector<16xi32>
    %ne3A_266 = arith.cmpi ne, %rem3A_263, %ne3A_265 : vector<16xi32>
    %and3A_267 = arith.andi %ne3A_261, %ne3A_266 : vector<16xi1>
    %sub3A_268 = arith.constant 1 : i32
    %sub3A_269 = vector.broadcast %sub3A_268 : i32 to vector<16xi32>
    %sub3A_270 = arith.subi %div3A_243, %sub3A_269 : vector<16xi32>
    %select_n3A_271 = arith.select %and3A_267, %sub3A_270, %div3A_243 : vector<16xi1>, vector<16xi32>
    %add3A_272 = arith.constant 0 : i32
    %add3A_273 = vector.broadcast %add3A_272 : i32 to vector<16xi32>
    %add3A_274 = arith.addi %add3A_273, %iota3A_143 : vector<16xi32>
    %jit3A_275 = arith.constant 8 : i32
    %eq3A_276 = arith.constant 0 : i32
    %eq3A_277 = arith.cmpi eq, %jit3A_275, %eq3A_276 : i32
    %jit3A_278 = arith.constant 1 : i32
    %select_n3A_279 = arith.select %eq3A_277, %jit3A_278, %jit3A_275 : i32
    %rem3A_280 = vector.broadcast %select_n3A_279 : i32 to vector<16xi32>
    %rem3A_281 = arith.remsi %add3A_274, %rem3A_280 : vector<16xi32>
    %ne3A_282 = arith.constant 0 : i32
    %ne3A_283 = vector.broadcast %ne3A_282 : i32 to vector<16xi32>
    %ne3A_284 = arith.cmpi ne, %rem3A_281, %ne3A_283 : vector<16xi32>
    %lt3A = arith.constant 0 : i32
    %lt3A_285 = vector.broadcast %lt3A : i32 to vector<16xi32>
    %lt3A_286 = arith.cmpi slt, %rem3A_281, %lt3A_285 : vector<16xi32>
    %lt3A_287 = arith.constant 0 : i32
    %lt3A_288 = arith.cmpi slt, %select_n3A_279, %lt3A_287 : i32
    %ne3A_289 = vector.broadcast %lt3A_288 : i1 to vector<16xi1>
    %ne3A_290 = vector.broadcast %ne3A_289 : vector<16xi1> to vector<16xi1>
    %ne3A_291 = arith.xori %lt3A_286, %ne3A_290 : vector<16xi1>
    %and3A_292 = arith.andi %ne3A_291, %ne3A_284 : vector<16xi1>
    %add3A_293 = vector.broadcast %select_n3A_279 : i32 to vector<16xi32>
    %add3A_294 = arith.addi %rem3A_281, %add3A_293 : vector<16xi32>
    %select_n3A_295 = arith.select %and3A_292, %add3A_294, %rem3A_281 : vector<16xi1>, vector<16xi32>
    %add3A_296 = arith.constant 16 : i32
    %add3A_297 = vector.broadcast %add3A_296 : i32 to vector<16xi32>
    %add3A_298 = arith.addi %add3A_297, %iota3A_143 : vector<16xi32>
    %jit3A_299 = arith.constant 8 : i32
    %eq3A_300 = arith.constant 0 : i32
    %eq3A_301 = arith.cmpi eq, %jit3A_299, %eq3A_300 : i32
    %jit3A_302 = arith.constant 1 : i32
    %select_n3A_303 = arith.select %eq3A_301, %jit3A_302, %jit3A_299 : i32
    %rem3A_304 = vector.broadcast %select_n3A_303 : i32 to vector<16xi32>
    %rem3A_305 = arith.remsi %add3A_298, %rem3A_304 : vector<16xi32>
    %ne3A_306 = arith.constant 0 : i32
    %ne3A_307 = vector.broadcast %ne3A_306 : i32 to vector<16xi32>
    %ne3A_308 = arith.cmpi ne, %rem3A_305, %ne3A_307 : vector<16xi32>
    %lt3A_309 = arith.constant 0 : i32
    %lt3A_310 = vector.broadcast %lt3A_309 : i32 to vector<16xi32>
    %lt3A_311 = arith.cmpi slt, %rem3A_305, %lt3A_310 : vector<16xi32>
    %lt3A_312 = arith.constant 0 : i32
    %lt3A_313 = arith.cmpi slt, %select_n3A_303, %lt3A_312 : i32
    %ne3A_314 = vector.broadcast %lt3A_313 : i1 to vector<16xi1>
    %ne3A_315 = vector.broadcast %ne3A_314 : vector<16xi1> to vector<16xi1>
    %ne3A_316 = arith.xori %lt3A_311, %ne3A_315 : vector<16xi1>
    %and3A_317 = arith.andi %ne3A_316, %ne3A_308 : vector<16xi1>
    %add3A_318 = vector.broadcast %select_n3A_303 : i32 to vector<16xi32>
    %add3A_319 = arith.addi %rem3A_305, %add3A_318 : vector<16xi32>
    %select_n3A_320 = arith.select %and3A_317, %add3A_319, %rem3A_305 : vector<16xi1>, vector<16xi32>
    %add3A_321 = arith.constant 32 : i32
    %add3A_322 = vector.broadcast %add3A_321 : i32 to vector<16xi32>
    %add3A_323 = arith.addi %add3A_322, %iota3A_143 : vector<16xi32>
    %jit3A_324 = arith.constant 8 : i32
    %eq3A_325 = arith.constant 0 : i32
    %eq3A_326 = arith.cmpi eq, %jit3A_324, %eq3A_325 : i32
    %jit3A_327 = arith.constant 1 : i32
    %select_n3A_328 = arith.select %eq3A_326, %jit3A_327, %jit3A_324 : i32
    %rem3A_329 = vector.broadcast %select_n3A_328 : i32 to vector<16xi32>
    %rem3A_330 = arith.remsi %add3A_323, %rem3A_329 : vector<16xi32>
    %ne3A_331 = arith.constant 0 : i32
    %ne3A_332 = vector.broadcast %ne3A_331 : i32 to vector<16xi32>
    %ne3A_333 = arith.cmpi ne, %rem3A_330, %ne3A_332 : vector<16xi32>
    %lt3A_334 = arith.constant 0 : i32
    %lt3A_335 = vector.broadcast %lt3A_334 : i32 to vector<16xi32>
    %lt3A_336 = arith.cmpi slt, %rem3A_330, %lt3A_335 : vector<16xi32>
    %lt3A_337 = arith.constant 0 : i32
    %lt3A_338 = arith.cmpi slt, %select_n3A_328, %lt3A_337 : i32
    %ne3A_339 = vector.broadcast %lt3A_338 : i1 to vector<16xi1>
    %ne3A_340 = vector.broadcast %ne3A_339 : vector<16xi1> to vector<16xi1>
    %ne3A_341 = arith.xori %lt3A_336, %ne3A_340 : vector<16xi1>
    %and3A_342 = arith.andi %ne3A_341, %ne3A_333 : vector<16xi1>
    %add3A_343 = vector.broadcast %select_n3A_328 : i32 to vector<16xi32>
    %add3A_344 = arith.addi %rem3A_330, %add3A_343 : vector<16xi32>
    %select_n3A_345 = arith.select %and3A_342, %add3A_344, %rem3A_330 : vector<16xi1>, vector<16xi32>
    %add3A_346 = arith.constant 48 : i32
    %add3A_347 = vector.broadcast %add3A_346 : i32 to vector<16xi32>
    %add3A_348 = arith.addi %add3A_347, %iota3A_143 : vector<16xi32>
    %jit3A_349 = arith.constant 8 : i32
    %eq3A_350 = arith.constant 0 : i32
    %eq3A_351 = arith.cmpi eq, %jit3A_349, %eq3A_350 : i32
    %jit3A_352 = arith.constant 1 : i32
    %select_n3A_353 = arith.select %eq3A_351, %jit3A_352, %jit3A_349 : i32
    %rem3A_354 = vector.broadcast %select_n3A_353 : i32 to vector<16xi32>
    %rem3A_355 = arith.remsi %add3A_348, %rem3A_354 : vector<16xi32>
    %ne3A_356 = arith.constant 0 : i32
    %ne3A_357 = vector.broadcast %ne3A_356 : i32 to vector<16xi32>
    %ne3A_358 = arith.cmpi ne, %rem3A_355, %ne3A_357 : vector<16xi32>
    %lt3A_359 = arith.constant 0 : i32
    %lt3A_360 = vector.broadcast %lt3A_359 : i32 to vector<16xi32>
    %lt3A_361 = arith.cmpi slt, %rem3A_355, %lt3A_360 : vector<16xi32>
    %lt3A_362 = arith.constant 0 : i32
    %lt3A_363 = arith.cmpi slt, %select_n3A_353, %lt3A_362 : i32
    %ne3A_364 = vector.broadcast %lt3A_363 : i1 to vector<16xi1>
    %ne3A_365 = vector.broadcast %ne3A_364 : vector<16xi1> to vector<16xi1>
    %ne3A_366 = arith.xori %lt3A_361, %ne3A_365 : vector<16xi1>
    %and3A_367 = arith.andi %ne3A_366, %ne3A_358 : vector<16xi1>
    %add3A_368 = vector.broadcast %select_n3A_353 : i32 to vector<16xi32>
    %add3A_369 = arith.addi %rem3A_355, %add3A_368 : vector<16xi32>
    %select_n3A_370 = arith.select %and3A_367, %add3A_369, %rem3A_355 : vector<16xi1>, vector<16xi32>
    %broadcast_in_dim3A = arith.constant 0 : i32
    %broadcast_in_dim3A_371 = vector.broadcast %broadcast_in_dim3A : i32 to vector<16xi32>
    %add3A_372 = arith.constant 0 : i32
    %add3A_373 = vector.broadcast %add3A_372 : i32 to vector<16xi32>
    %add3A_374 = arith.addi %broadcast_in_dim3A_371, %add3A_373 : vector<16xi32>
    %gather3A = tpu.vector_load_idx %arg12[%add3A_114, %add3A_374] : memref<128x200xi32, #tpu.memory_space<vmem>>[vector<16xi32>, vector<16xi32>], vector<16xi32>,
    %swap3A = arith.constant 0 : i32
    %swap3A_375 = arith.index_cast %swap3A : i32 to index
    %swap3A_376 = arith.constant 0 : index
    %swap3A_377 = tpu.vector_load %arg14[%swap3A_375, %swap3A_376] {strides = array<i32>} : memref<2x128xi32, #tpu.memory_space<vmem>>, vector<16xi32>,
    tpu.vector_store %arg14[%swap3A_375, %swap3A_376], %gather3A {strides = array<i32>} : memref<2x128xi32, #tpu.memory_space<vmem>>, vector<16xi32>,
    %gather3A_378 = tpu.vector_load_idx %arg12[%add3A_118, %add3A_374] : memref<128x200xi32, #tpu.memory_space<vmem>>[vector<16xi32>, vector<16xi32>], vector<16xi32>,
    %swap3A_379 = arith.constant 0 : i32
    %swap3A_380 = arith.index_cast %swap3A_379 : i32 to index
    %swap3A_381 = arith.constant 16 : index
    %swap3A_382 = tpu.vector_load %arg14[%swap3A_380, %swap3A_381] {strides = array<i32>} : memref<2x128xi32, #tpu.memory_space<vmem>>, vector<16xi32>,
    tpu.vector_store %arg14[%swap3A_380, %swap3A_381], %gather3A_378 {strides = array<i32>} : memref<2x128xi32, #tpu.memory_space<vmem>>, vector<16xi32>,
    %gather3A_383 = tpu.vector_load_idx %arg12[%add3A_122, %add3A_374] : memref<128x200xi32, #tpu.memory_space<vmem>>[vector<16xi32>, vector<16xi32>], vector<16xi32>,
    %swap3A_384 = arith.constant 0 : i32
    %swap3A_385 = arith.index_cast %swap3A_384 : i32 to index
    %swap3A_386 = arith.constant 32 : index
    %swap3A_387 = tpu.vector_load %arg14[%swap3A_385, %swap3A_386] {strides = array<i32>} : memref<2x128xi32, #tpu.memory_space<vmem>>, vector<16xi32>,
    tpu.vector_store %arg14[%swap3A_385, %swap3A_386], %gather3A_383 {strides = array<i32>} : memref<2x128xi32, #tpu.memory_space<vmem>>, vector<16xi32>,
    %gather3A_388 = tpu.vector_load_idx %arg12[%add3A_126, %add3A_374] : memref<128x200xi32, #tpu.memory_space<vmem>>[vector<16xi32>, vector<16xi32>], vector<16xi32>,
    %swap3A_389 = arith.constant 0 : i32
    %swap3A_390 = arith.index_cast %swap3A_389 : i32 to index
    %swap3A_391 = arith.constant 48 : index
    %swap3A_392 = tpu.vector_load %arg14[%swap3A_390, %swap3A_391] {strides = array<i32>} : memref<2x128xi32, #tpu.memory_space<vmem>>, vector<16xi32>,
    tpu.vector_store %arg14[%swap3A_390, %swap3A_391], %gather3A_388 {strides = array<i32>} : memref<2x128xi32, #tpu.memory_space<vmem>>, vector<16xi32>,
    %gather3A_393 = tpu.vector_load_idx %arg12[%add3A_130, %add3A_374] : memref<128x200xi32, #tpu.memory_space<vmem>>[vector<16xi32>, vector<16xi32>], vector<16xi32>,
    %swap3A_394 = arith.constant 0 : i32
    %swap3A_395 = arith.index_cast %swap3A_394 : i32 to index
    %swap3A_396 = arith.constant 64 : index
    %swap3A_397 = tpu.vector_load %arg14[%swap3A_395, %swap3A_396] {strides = array<i32>} : memref<2x128xi32, #tpu.memory_space<vmem>>, vector<16xi32>,
    tpu.vector_store %arg14[%swap3A_395, %swap3A_396], %gather3A_393 {strides = array<i32>} : memref<2x128xi32, #tpu.memory_space<vmem>>, vector<16xi32>,
    %gather3A_398 = tpu.vector_load_idx %arg12[%add3A_134, %add3A_374] : memref<128x200xi32, #tpu.memory_space<vmem>>[vector<16xi32>, vector<16xi32>], vector<16xi32>,
    %swap3A_399 = arith.constant 0 : i32
    %swap3A_400 = arith.index_cast %swap3A_399 : i32 to index
    %swap3A_401 = arith.constant 80 : index
    %swap3A_402 = tpu.vector_load %arg14[%swap3A_400, %swap3A_401] {strides = array<i32>} : memref<2x128xi32, #tpu.memory_space<vmem>>, vector<16xi32>,
    tpu.vector_store %arg14[%swap3A_400, %swap3A_401], %gather3A_398 {strides = array<i32>} : memref<2x128xi32, #tpu.memory_space<vmem>>, vector<16xi32>,
    %gather3A_403 = tpu.vector_load_idx %arg12[%add3A_138, %add3A_374] : memref<128x200xi32, #tpu.memory_space<vmem>>[vector<16xi32>, vector<16xi32>], vector<16xi32>,
    %swap3A_404 = arith.constant 0 : i32
    %swap3A_405 = arith.index_cast %swap3A_404 : i32 to index
    %swap3A_406 = arith.constant 96 : index
    %swap3A_407 = tpu.vector_load %arg14[%swap3A_405, %swap3A_406] {strides = array<i32>} : memref<2x128xi32, #tpu.memory_space<vmem>>, vector<16xi32>,
    tpu.vector_store %arg14[%swap3A_405, %swap3A_406], %gather3A_403 {strides = array<i32>} : memref<2x128xi32, #tpu.memory_space<vmem>>, vector<16xi32>,
    %gather3A_408 = tpu.vector_load_idx %arg12[%add3A_142, %add3A_374] : memref<128x200xi32, #tpu.memory_space<vmem>>[vector<16xi32>, vector<16xi32>], vector<16xi32>,
    %swap3A_409 = arith.constant 0 : i32
    %swap3A_410 = arith.index_cast %swap3A_409 : i32 to index
    %swap3A_411 = arith.constant 112 : index
    %swap3A_412 = tpu.vector_load %arg14[%swap3A_410, %swap3A_411] {strides = array<i32>} : memref<2x128xi32, #tpu.memory_space<vmem>>, vector<16xi32>,
    tpu.vector_store %arg14[%swap3A_410, %swap3A_411], %gather3A_408 {strides = array<i32>} : memref<2x128xi32, #tpu.memory_space<vmem>>, vector<16xi32>,
    %dma_start3A_413 = arith.constant 0 : i32
    %dma_start3A_414 = arith.constant 0 : i32
    %dma_start3A_415 = arith.constant 0 : i32
    %dma_start3A_416 = tpu.memref_slice %arg14[%dma_start3A_413, %dma_start3A_415] : memref<2x128xi32, #tpu.memory_space<vmem>> -> memref<1x128xi32, #tpu.memory_space<vmem>>
    %dma_start3A_417 = tpu.memref_squeeze %dma_start3A_416 : memref<1x128xi32, #tpu.memory_space<vmem>> -> memref<128xi32, #tpu.memory_space<vmem>>
    %dma_start3A_418 = arith.constant 0 : i32
    %dma_start3A_419 = arith.constant 0 : i32
    %dma_start3A_420 = tpu.memref_slice %arg8[%dma_start3A_418, %dma_start3A_419] : memref<262x64xf32, #tpu.memory_space<hbm>> -> memref<262x64xf32, #tpu.memory_space<hbm>>
    %dma_start3A_421 = tpu.memref_slice %arg19[%dma_start3A_414] : memref<2x!tpu.dma_semaphore, #tpu.memory_space<semaphore_mem>> -> memref<1x!tpu.dma_semaphore, #tpu.memory_space<semaphore_mem>>
    %dma_start3A_422 = tpu.memref_squeeze %dma_start3A_421 : memref<1x!tpu.dma_semaphore, #tpu.memory_space<semaphore_mem>> -> memref<!tpu.dma_semaphore, #tpu.memory_space<semaphore_mem>>
    tpu.enqueue_indirect_dma source(%dma_start3A_420 : memref<262x64xf32, #tpu.memory_space<hbm>>) target(%arg15 : memref<128x64xf32, #tpu.memory_space<vmem>>) offsets(%dma_start3A_417 : memref<128xi32, #tpu.memory_space<vmem>>) semaphore(%dma_start3A_422 : memref<!tpu.dma_semaphore, #tpu.memory_space<semaphore_mem>>)
    %broadcast_in_dim3A_423 = arith.constant 0 : i32
    %broadcast_in_dim3A_424 = vector.broadcast %broadcast_in_dim3A_423 : i32 to vector<16xi32>
    %add3A_425 = arith.constant 1 : i32
    %add3A_426 = vector.broadcast %add3A_425 : i32 to vector<16xi32>
    %add3A_427 = arith.addi %broadcast_in_dim3A_424, %add3A_426 : vector<16xi32>
    %gather3A_428 = tpu.vector_load_idx %arg12[%add3A_114, %add3A_427] : memref<128x200xi32, #tpu.memory_space<vmem>>[vector<16xi32>, vector<16xi32>], vector<16xi32>,
    %swap3A_429 = arith.constant 1 : i32
    %swap3A_430 = arith.index_cast %swap3A_429 : i32 to index
    %swap3A_431 = arith.constant 0 : index
    %swap3A_432 = tpu.vector_load %arg14[%swap3A_430, %swap3A_431] {strides = array<i32>} : memref<2x128xi32, #tpu.memory_space<vmem>>, vector<16xi32>,
    tpu.vector_store %arg14[%swap3A_430, %swap3A_431], %gather3A_428 {strides = array<i32>} : memref<2x128xi32, #tpu.memory_space<vmem>>, vector<16xi32>,
    %gather3A_433 = tpu.vector_load_idx %arg12[%add3A_118, %add3A_427] : memref<128x200xi32, #tpu.memory_space<vmem>>[vector<16xi32>, vector<16xi32>], vector<16xi32>,
    %swap3A_434 = arith.constant 1 : i32
    %swap3A_435 = arith.index_cast %swap3A_434 : i32 to index
    %swap3A_436 = arith.constant 16 : index
    %swap3A_437 = tpu.vector_load %arg14[%swap3A_435, %swap3A_436] {strides = array<i32>} : memref<2x128xi32, #tpu.memory_space<vmem>>, vector<16xi32>,
    tpu.vector_store %arg14[%swap3A_435, %swap3A_436], %gather3A_433 {strides = array<i32>} : memref<2x128xi32, #tpu.memory_space<vmem>>, vector<16xi32>,
    %gather3A_438 = tpu.vector_load_idx %arg12[%add3A_122, %add3A_427] : memref<128x200xi32, #tpu.memory_space<vmem>>[vector<16xi32>, vector<16xi32>], vector<16xi32>,
    %swap3A_439 = arith.constant 1 : i32
    %swap3A_440 = arith.index_cast %swap3A_439 : i32 to index
    %swap3A_441 = arith.constant 32 : index
    %swap3A_442 = tpu.vector_load %arg14[%swap3A_440, %swap3A_441] {strides = array<i32>} : memref<2x128xi32, #tpu.memory_space<vmem>>, vector<16xi32>,
    tpu.vector_store %arg14[%swap3A_440, %swap3A_441], %gather3A_438 {strides = array<i32>} : memref<2x128xi32, #tpu.memory_space<vmem>>, vector<16xi32>,
    %gather3A_443 = tpu.vector_load_idx %arg12[%add3A_126, %add3A_427] : memref<128x200xi32, #tpu.memory_space<vmem>>[vector<16xi32>, vector<16xi32>], vector<16xi32>,
    %swap3A_444 = arith.constant 1 : i32
    %swap3A_445 = arith.index_cast %swap3A_444 : i32 to index
    %swap3A_446 = arith.constant 48 : index
    %swap3A_447 = tpu.vector_load %arg14[%swap3A_445, %swap3A_446] {strides = array<i32>} : memref<2x128xi32, #tpu.memory_space<vmem>>, vector<16xi32>,
    tpu.vector_store %arg14[%swap3A_445, %swap3A_446], %gather3A_443 {strides = array<i32>} : memref<2x128xi32, #tpu.memory_space<vmem>>, vector<16xi32>,
    %gather3A_448 = tpu.vector_load_idx %arg12[%add3A_130, %add3A_427] : memref<128x200xi32, #tpu.memory_space<vmem>>[vector<16xi32>, vector<16xi32>], vector<16xi32>,
    %swap3A_449 = arith.constant 1 : i32
    %swap3A_450 = arith.index_cast %swap3A_449 : i32 to index
    %swap3A_451 = arith.constant 64 : index
    %swap3A_452 = tpu.vector_load %arg14[%swap3A_450, %swap3A_451] {strides = array<i32>} : memref<2x128xi32, #tpu.memory_space<vmem>>, vector<16xi32>,
    tpu.vector_store %arg14[%swap3A_450, %swap3A_451], %gather3A_448 {strides = array<i32>} : memref<2x128xi32, #tpu.memory_space<vmem>>, vector<16xi32>,
    %gather3A_453 = tpu.vector_load_idx %arg12[%add3A_134, %add3A_427] : memref<128x200xi32, #tpu.memory_space<vmem>>[vector<16xi32>, vector<16xi32>], vector<16xi32>,
    %swap3A_454 = arith.constant 1 : i32
    %swap3A_455 = arith.index_cast %swap3A_454 : i32 to index
    %swap3A_456 = arith.constant 80 : index
    %swap3A_457 = tpu.vector_load %arg14[%swap3A_455, %swap3A_456] {strides = array<i32>} : memref<2x128xi32, #tpu.memory_space<vmem>>, vector<16xi32>,
    tpu.vector_store %arg14[%swap3A_455, %swap3A_456], %gather3A_453 {strides = array<i32>} : memref<2x128xi32, #tpu.memory_space<vmem>>, vector<16xi32>,
    %gather3A_458 = tpu.vector_load_idx %arg12[%add3A_138, %add3A_427] : memref<128x200xi32, #tpu.memory_space<vmem>>[vector<16xi32>, vector<16xi32>], vector<16xi32>,
    %swap3A_459 = arith.constant 1 : i32
    %swap3A_460 = arith.index_cast %swap3A_459 : i32 to index
    %swap3A_461 = arith.constant 96 : index
    %swap3A_462 = tpu.vector_load %arg14[%swap3A_460, %swap3A_461] {strides = array<i32>} : memref<2x128xi32, #tpu.memory_space<vmem>>, vector<16xi32>,
    tpu.vector_store %arg14[%swap3A_460, %swap3A_461], %gather3A_458 {strides = array<i32>} : memref<2x128xi32, #tpu.memory_space<vmem>>, vector<16xi32>,
    %gather3A_463 = tpu.vector_load_idx %arg12[%add3A_142, %add3A_427] : memref<128x200xi32, #tpu.memory_space<vmem>>[vector<16xi32>, vector<16xi32>], vector<16xi32>,
    %swap3A_464 = arith.constant 1 : i32
    %swap3A_465 = arith.index_cast %swap3A_464 : i32 to index
    %swap3A_466 = arith.constant 112 : index
    %swap3A_467 = tpu.vector_load %arg14[%swap3A_465, %swap3A_466] {strides = array<i32>} : memref<2x128xi32, #tpu.memory_space<vmem>>, vector<16xi32>,
    tpu.vector_store %arg14[%swap3A_465, %swap3A_466], %gather3A_463 {strides = array<i32>} : memref<2x128xi32, #tpu.memory_space<vmem>>, vector<16xi32>,
    %dma_start3A_468 = arith.constant 1 : i32
    %dma_start3A_469 = arith.constant 1 : i32
    %dma_start3A_470 = arith.constant 0 : i32
    %dma_start3A_471 = tpu.memref_slice %arg14[%dma_start3A_468, %dma_start3A_470] : memref<2x128xi32, #tpu.memory_space<vmem>> -> memref<1x128xi32, #tpu.memory_space<vmem>>
    %dma_start3A_472 = tpu.memref_squeeze %dma_start3A_471 : memref<1x128xi32, #tpu.memory_space<vmem>> -> memref<128xi32, #tpu.memory_space<vmem>>
    %dma_start3A_473 = arith.constant 0 : i32
    %dma_start3A_474 = arith.constant 0 : i32
    %dma_start3A_475 = tpu.memref_slice %arg8[%dma_start3A_473, %dma_start3A_474] : memref<262x64xf32, #tpu.memory_space<hbm>> -> memref<262x64xf32, #tpu.memory_space<hbm>>
    %dma_start3A_476 = tpu.memref_slice %arg19[%dma_start3A_469] : memref<2x!tpu.dma_semaphore, #tpu.memory_space<semaphore_mem>> -> memref<1x!tpu.dma_semaphore, #tpu.memory_space<semaphore_mem>>
    %dma_start3A_477 = tpu.memref_squeeze %dma_start3A_476 : memref<1x!tpu.dma_semaphore, #tpu.memory_space<semaphore_mem>> -> memref<!tpu.dma_semaphore, #tpu.memory_space<semaphore_mem>>
    tpu.enqueue_indirect_dma source(%dma_start3A_475 : memref<262x64xf32, #tpu.memory_space<hbm>>) target(%arg16 : memref<128x64xf32, #tpu.memory_space<vmem>>) offsets(%dma_start3A_472 : memref<128xi32, #tpu.memory_space<vmem>>) semaphore(%dma_start3A_477 : memref<!tpu.dma_semaphore, #tpu.memory_space<semaphore_mem>>)
    %scan3A_478 = arith.constant 0 : i32
    %scan3A_479 = arith.constant 0 : i32
    %scan3A_480 = arith.constant 100 : i32
    %scan3A_481 = arith.addi %scan3A_479, %scan3A_480 : i32
    %scan3A_482 = arith.constant 1 : i32
    scf.for %scan3A_528 = %scan3A_479 to %scan3A_481 step %scan3A_482  : i32 {
      %mul3A_529 = arith.constant 2 : i32
      %mul3A_530 = arith.muli %scan3A_528, %mul3A_529 : i32
      %add3A_531 = arith.constant 0 : i32
      %add3A_532 = arith.addi %mul3A_530, %add3A_531 : i32
      %dma_wait3A_533 = arith.constant 0 : i32
      %dma_wait3A_534 = arith.constant 0 : i32
      %dma_wait3A_535 = arith.constant 0 : i32
      %dma_wait3A_536 = tpu.memref_slice %arg14[%dma_wait3A_533, %dma_wait3A_535] : memref<2x128xi32, #tpu.memory_space<vmem>> -> memref<1x128xi32, #tpu.memory_space<vmem>>
      %dma_wait3A_537 = tpu.memref_squeeze %dma_wait3A_536 : memref<1x128xi32, #tpu.memory_space<vmem>> -> memref<128xi32, #tpu.memory_space<vmem>>
      %dma_wait3A_538 = arith.constant 0 : i32
      %dma_wait3A_539 = arith.constant 0 : i32
      %dma_wait3A_540 = tpu.memref_slice %arg8[%dma_wait3A_538, %dma_wait3A_539] : memref<262x64xf32, #tpu.memory_space<hbm>> -> memref<262x64xf32, #tpu.memory_space<hbm>>
      %dma_wait3A_541 = tpu.memref_slice %arg19[%dma_wait3A_534] : memref<2x!tpu.dma_semaphore, #tpu.memory_space<semaphore_mem>> -> memref<1x!tpu.dma_semaphore, #tpu.memory_space<semaphore_mem>>
      %dma_wait3A_542 = tpu.memref_squeeze %dma_wait3A_541 : memref<1x!tpu.dma_semaphore, #tpu.memory_space<semaphore_mem>> -> memref<!tpu.dma_semaphore, #tpu.memory_space<semaphore_mem>>
      tpu.wait_indirect_dma semaphore(%dma_wait3A_542 : memref<!tpu.dma_semaphore, #tpu.memory_space<semaphore_mem>>) src(%dma_wait3A_540 : memref<262x64xf32, #tpu.memory_space<hbm>>) dst(%arg15 : memref<128x64xf32, #tpu.memory_space<vmem>>)
      %gt3A = arith.constant 0 : i32
      %gt3A_543 = arith.cmpi sgt, %scan3A_528, %gt3A : i32
      %convert_element_type3A_544 = arith.extui %gt3A_543 : i1 to i32
      %cond3A_545 = arith.constant 0 : i32
      %cond3A_546 = arith.cmpi ne, %convert_element_type3A_544, %cond3A_545 : i32
      scf.if %cond3A_546 {
        %sub3A_630 = arith.constant 2 : i32
        %sub3A_631 = arith.subi %add3A_532, %sub3A_630 : i32
        %dma_wait3A_632 = arith.constant 0 : i32
        %dma_wait3A_633 = arith.constant 0 : i32
        %dma_wait3A_634 = arith.constant 0 : i32
        %dma_wait3A_635 = arith.constant 0 : i32
        %dma_wait3A_636 = tpu.memref_slice %arg17[%dma_wait3A_633, %dma_wait3A_634, %dma_wait3A_635] : memref<8x8x129xf32, #tpu.memory_space<vmem>> -> memref<8x8x128xf32, #tpu.memory_space<vmem>>
        %dma_wait3A_637 = arith.constant 0 : i32
        %dma_wait3A_638 = arith.constant 0 : i32
        %dma_wait3A_639 = arith.constant 0 : i32
        %dma_wait3A_640 = tpu.memref_slice %arg7[%sub3A_631, %dma_wait3A_637, %add3A, %dma_wait3A_638, %dma_wait3A_639] : memref<200x8x32x8x128xf32, #tpu.memory_space<hbm>> -> memref<1x8x1x8x128xf32, #tpu.memory_space<hbm>>
        %dma_wait3A_641 = tpu.memref_squeeze %dma_wait3A_640 : memref<1x8x1x8x128xf32, #tpu.memory_space<hbm>> -> memref<8x8x128xf32, #tpu.memory_space<hbm>>
        %dma_wait3A_642 = tpu.memref_slice %arg20[%dma_wait3A_632] : memref<2x!tpu.dma_semaphore, #tpu.memory_space<semaphore_mem>> -> memref<1x!tpu.dma_semaphore, #tpu.memory_space<semaphore_mem>>
        %dma_wait3A_643 = tpu.memref_squeeze %dma_wait3A_642 : memref<1x!tpu.dma_semaphore, #tpu.memory_space<semaphore_mem>> -> memref<!tpu.dma_semaphore, #tpu.memory_space<semaphore_mem>>
        %dma_wait3A_644 = arith.constant 0 : i32
        %dma_wait3A_645 = arith.constant 0 : i32
        %dma_wait3A_646 = arith.constant 0 : i32
        %dma_wait3A_647 = tpu.memref_slice %arg7[%sub3A_631, %dma_wait3A_644, %add3A, %dma_wait3A_645, %dma_wait3A_646] : memref<200x8x32x8x128xf32, #tpu.memory_space<hbm>> -> memref<1x8x1x8x128xf32, #tpu.memory_space<hbm>>
        %dma_wait3A_648 = tpu.memref_squeeze %dma_wait3A_647 : memref<1x8x1x8x128xf32, #tpu.memory_space<hbm>> -> memref<8x8x128xf32, #tpu.memory_space<hbm>>
        %dma_wait3A_649 = arith.constant 0 : i32
        %dma_wait3A_650 = arith.constant 0 : i32
        %dma_wait3A_651 = arith.constant 0 : i32
        %dma_wait3A_652 = tpu.memref_slice %arg17[%dma_wait3A_649, %dma_wait3A_650, %dma_wait3A_651] : memref<8x8x129xf32, #tpu.memory_space<vmem>> -> memref<8x8x128xf32, #tpu.memory_space<vmem>>
        tpu.wait_dma2 semaphore(%dma_wait3A_643 : memref<!tpu.dma_semaphore, #tpu.memory_space<semaphore_mem>>) src(%dma_wait3A_652 : memref<8x8x128xf32, #tpu.memory_space<vmem>>) dst(%dma_wait3A_648 : memref<8x8x128xf32, #tpu.memory_space<hbm>>)
      } else {
      }
      %scan3A_547 = arith.constant 0 : i32
      %scan3A_548 = arith.constant 0 : i32
      %scan3A_549 = arith.constant 128 : i32
      %scan3A_550 = arith.addi %scan3A_548, %scan3A_549 : i32
      %scan3A_551 = arith.constant 1 : i32
      scf.for %scan3A_630 = %scan3A_548 to %scan3A_550 step %scan3A_551  : i32 {
        %broadcast_in_dim3A_631 = arith.constant 0 : i32
        %broadcast_in_dim3A_632 = vector.broadcast %broadcast_in_dim3A_631 : i32 to vector<16xi32>
        %add3A_633 = vector.broadcast %scan3A_630 : i32 to vector<16xi32>
        %add3A_634 = arith.addi %broadcast_in_dim3A_632, %add3A_633 : vector<16xi32>
        %get3A = arith.index_cast %scan3A_630 : i32 to index
        %get3A_635 = arith.constant 0 : index
        %get3A_636 = tpu.vector_load %arg15[%get3A, %get3A_635] {strides = array<i32>} : memref<128x64xf32, #tpu.memory_space<vmem>>, vector<16xf32>,
        tpu.vector_store_idx %arg17[%select_n3A, %select_n3A_295, %add3A_634], %get3A_636 : memref<8x8x129xf32, #tpu.memory_space<vmem>>[vector<16xi32>, vector<16xi32>, vector<16xi32>], vector<16xf32>,
        %get3A_637 = arith.index_cast %scan3A_630 : i32 to index
        %get3A_638 = arith.constant 16 : index
        %get3A_639 = tpu.vector_load %arg15[%get3A_637, %get3A_638] {strides = array<i32>} : memref<128x64xf32, #tpu.memory_space<vmem>>, vector<16xf32>,
        tpu.vector_store_idx %arg17[%select_n3A_203, %select_n3A_320, %add3A_634], %get3A_639 : memref<8x8x129xf32, #tpu.memory_space<vmem>>[vector<16xi32>, vector<16xi32>, vector<16xi32>], vector<16xf32>,
        %get3A_640 = arith.index_cast %scan3A_630 : i32 to index
        %get3A_641 = arith.constant 32 : index
        %get3A_642 = tpu.vector_load %arg15[%get3A_640, %get3A_641] {strides = array<i32>} : memref<128x64xf32, #tpu.memory_space<vmem>>, vector<16xf32>,
        tpu.vector_store_idx %arg17[%select_n3A_237, %select_n3A_345, %add3A_634], %get3A_642 : memref<8x8x129xf32, #tpu.memory_space<vmem>>[vector<16xi32>, vector<16xi32>, vector<16xi32>], vector<16xf32>,
        %get3A_643 = arith.index_cast %scan3A_630 : i32 to index
        %get3A_644 = arith.constant 48 : index
        %get3A_645 = tpu.vector_load %arg15[%get3A_643, %get3A_644] {strides = array<i32>} : memref<128x64xf32, #tpu.memory_space<vmem>>, vector<16xf32>,
        tpu.vector_store_idx %arg17[%select_n3A_271, %select_n3A_370, %add3A_634], %get3A_645 : memref<8x8x129xf32, #tpu.memory_space<vmem>>[vector<16xi32>, vector<16xi32>, vector<16xi32>], vector<16xf32>,
      }
      %scan3A_552 = arith.constant 128 : i32
      %dma_start3A_553 = arith.constant 0 : i32
      %dma_start3A_554 = arith.constant 0 : i32
      %dma_start3A_555 = arith.constant 0 : i32
      %dma_start3A_556 = arith.constant 0 : i32
      %dma_start3A_557 = tpu.memref_slice %arg17[%dma_start3A_554, %dma_start3A_555, %dma_start3A_556] : memref<8x8x129xf32, #tpu.memory_space<vmem>> -> memref<8x8x128xf32, #tpu.memory_space<vmem>>
      %dma_start3A_558 = arith.constant 0 : i32
      %dma_start3A_559 = arith.constant 0 : i32
      %dma_start3A_560 = arith.constant 0 : i32
      %dma_start3A_561 = tpu.memref_slice %arg7[%add3A_532, %dma_start3A_558, %add3A, %dma_start3A_559, %dma_start3A_560] : memref<200x8x32x8x128xf32, #tpu.memory_space<hbm>> -> memref<1x8x1x8x128xf32, #tpu.memory_space<hbm>>
      %dma_start3A_562 = tpu.memref_squeeze %dma_start3A_561 : memref<1x8x1x8x128xf32, #tpu.memory_space<hbm>> -> memref<8x8x128xf32, #tpu.memory_space<hbm>>
      %dma_start3A_563 = tpu.memref_slice %arg20[%dma_start3A_553] : memref<2x!tpu.dma_semaphore, #tpu.memory_space<semaphore_mem>> -> memref<1x!tpu.dma_semaphore, #tpu.memory_space<semaphore_mem>>
      %dma_start3A_564 = tpu.memref_squeeze %dma_start3A_563 : memref<1x!tpu.dma_semaphore, #tpu.memory_space<semaphore_mem>> -> memref<!tpu.dma_semaphore, #tpu.memory_space<semaphore_mem>>
      %dma_start3A_565 = arith.constant 0 : i32
      %dma_start3A_566 = arith.constant 0 : i32
      %dma_start3A_567 = arith.constant 0 : i32
      %dma_start3A_568 = tpu.memref_slice %arg7[%add3A_532, %dma_start3A_565, %add3A, %dma_start3A_566, %dma_start3A_567] : memref<200x8x32x8x128xf32, #tpu.memory_space<hbm>> -> memref<1x8x1x8x128xf32, #tpu.memory_space<hbm>>
      %dma_start3A_569 = tpu.memref_squeeze %dma_start3A_568 : memref<1x8x1x8x128xf32, #tpu.memory_space<hbm>> -> memref<8x8x128xf32, #tpu.memory_space<hbm>>
      %dma_start3A_570 = arith.constant 0 : i32
      %dma_start3A_571 = arith.constant 0 : i32
      %dma_start3A_572 = arith.constant 0 : i32
      %dma_start3A_573 = tpu.memref_slice %arg17[%dma_start3A_570, %dma_start3A_571, %dma_start3A_572] : memref<8x8x129xf32, #tpu.memory_space<vmem>> -> memref<8x8x128xf32, #tpu.memory_space<vmem>>
      tpu.enqueue_dma source(%dma_start3A_573 : memref<8x8x128xf32, #tpu.memory_space<vmem>>) target(%dma_start3A_569 : memref<8x8x128xf32, #tpu.memory_space<hbm>>) target_semaphore(%dma_start3A_564 : memref<!tpu.dma_semaphore, #tpu.memory_space<semaphore_mem>>)
      %lt3A_574 = arith.constant 99 : i32
      %lt3A_575 = arith.cmpi slt, %scan3A_528, %lt3A_574 : i32
      %convert_element_type3A_576 = arith.extui %lt3A_575 : i1 to i32
      %cond3A_577 = arith.constant 0 : i32
      %cond3A_578 = arith.cmpi ne, %convert_element_type3A_576, %cond3A_577 : i32
      scf.if %cond3A_578 {
        %add3A_630 = arith.constant 2 : i32
        %add3A_631 = arith.addi %add3A_532, %add3A_630 : i32
        %broadcast_in_dim3A_632 = arith.constant 0 : i32
        %broadcast_in_dim3A_633 = vector.broadcast %broadcast_in_dim3A_632 : i32 to vector<16xi32>
        %add3A_634 = vector.broadcast %add3A_631 : i32 to vector<16xi32>
        %add3A_635 = arith.addi %broadcast_in_dim3A_633, %add3A_634 : vector<16xi32>
        %gather3A_636 = tpu.vector_load_idx %arg12[%add3A_114, %add3A_635] : memref<128x200xi32, #tpu.memory_space<vmem>>[vector<16xi32>, vector<16xi32>], vector<16xi32>,
        %swap3A_637 = arith.constant 0 : i32
        %swap3A_638 = arith.index_cast %swap3A_637 : i32 to index
        %swap3A_639 = arith.constant 0 : index
        %swap3A_640 = tpu.vector_load %arg14[%swap3A_638, %swap3A_639] {strides = array<i32>} : memref<2x128xi32, #tpu.memory_space<vmem>>, vector<16xi32>,
        tpu.vector_store %arg14[%swap3A_638, %swap3A_639], %gather3A_636 {strides = array<i32>} : memref<2x128xi32, #tpu.memory_space<vmem>>, vector<16xi32>,
        %gather3A_641 = tpu.vector_load_idx %arg12[%add3A_118, %add3A_635] : memref<128x200xi32, #tpu.memory_space<vmem>>[vector<16xi32>, vector<16xi32>], vector<16xi32>,
        %swap3A_642 = arith.constant 0 : i32
        %swap3A_643 = arith.index_cast %swap3A_642 : i32 to index
        %swap3A_644 = arith.constant 16 : index
        %swap3A_645 = tpu.vector_load %arg14[%swap3A_643, %swap3A_644] {strides = array<i32>} : memref<2x128xi32, #tpu.memory_space<vmem>>, vector<16xi32>,
        tpu.vector_store %arg14[%swap3A_643, %swap3A_644], %gather3A_641 {strides = array<i32>} : memref<2x128xi32, #tpu.memory_space<vmem>>, vector<16xi32>,
        %gather3A_646 = tpu.vector_load_idx %arg12[%add3A_122, %add3A_635] : memref<128x200xi32, #tpu.memory_space<vmem>>[vector<16xi32>, vector<16xi32>], vector<16xi32>,
        %swap3A_647 = arith.constant 0 : i32
        %swap3A_648 = arith.index_cast %swap3A_647 : i32 to index
        %swap3A_649 = arith.constant 32 : index
        %swap3A_650 = tpu.vector_load %arg14[%swap3A_648, %swap3A_649] {strides = array<i32>} : memref<2x128xi32, #tpu.memory_space<vmem>>, vector<16xi32>,
        tpu.vector_store %arg14[%swap3A_648, %swap3A_649], %gather3A_646 {strides = array<i32>} : memref<2x128xi32, #tpu.memory_space<vmem>>, vector<16xi32>,
        %gather3A_651 = tpu.vector_load_idx %arg12[%add3A_126, %add3A_635] : memref<128x200xi32, #tpu.memory_space<vmem>>[vector<16xi32>, vector<16xi32>], vector<16xi32>,
        %swap3A_652 = arith.constant 0 : i32
        %swap3A_653 = arith.index_cast %swap3A_652 : i32 to index
        %swap3A_654 = arith.constant 48 : index
        %swap3A_655 = tpu.vector_load %arg14[%swap3A_653, %swap3A_654] {strides = array<i32>} : memref<2x128xi32, #tpu.memory_space<vmem>>, vector<16xi32>,
        tpu.vector_store %arg14[%swap3A_653, %swap3A_654], %gather3A_651 {strides = array<i32>} : memref<2x128xi32, #tpu.memory_space<vmem>>, vector<16xi32>,
        %gather3A_656 = tpu.vector_load_idx %arg12[%add3A_130, %add3A_635] : memref<128x200xi32, #tpu.memory_space<vmem>>[vector<16xi32>, vector<16xi32>], vector<16xi32>,
        %swap3A_657 = arith.constant 0 : i32
        %swap3A_658 = arith.index_cast %swap3A_657 : i32 to index
        %swap3A_659 = arith.constant 64 : index
        %swap3A_660 = tpu.vector_load %arg14[%swap3A_658, %swap3A_659] {strides = array<i32>} : memref<2x128xi32, #tpu.memory_space<vmem>>, vector<16xi32>,
        tpu.vector_store %arg14[%swap3A_658, %swap3A_659], %gather3A_656 {strides = array<i32>} : memref<2x128xi32, #tpu.memory_space<vmem>>, vector<16xi32>,
        %gather3A_661 = tpu.vector_load_idx %arg12[%add3A_134, %add3A_635] : memref<128x200xi32, #tpu.memory_space<vmem>>[vector<16xi32>, vector<16xi32>], vector<16xi32>,
        %swap3A_662 = arith.constant 0 : i32
        %swap3A_663 = arith.index_cast %swap3A_662 : i32 to index
        %swap3A_664 = arith.constant 80 : index
        %swap3A_665 = tpu.vector_load %arg14[%swap3A_663, %swap3A_664] {strides = array<i32>} : memref<2x128xi32, #tpu.memory_space<vmem>>, vector<16xi32>,
        tpu.vector_store %arg14[%swap3A_663, %swap3A_664], %gather3A_661 {strides = array<i32>} : memref<2x128xi32, #tpu.memory_space<vmem>>, vector<16xi32>,
        %gather3A_666 = tpu.vector_load_idx %arg12[%add3A_138, %add3A_635] : memref<128x200xi32, #tpu.memory_space<vmem>>[vector<16xi32>, vector<16xi32>], vector<16xi32>,
        %swap3A_667 = arith.constant 0 : i32
        %swap3A_668 = arith.index_cast %swap3A_667 : i32 to index
        %swap3A_669 = arith.constant 96 : index
        %swap3A_670 = tpu.vector_load %arg14[%swap3A_668, %swap3A_669] {strides = array<i32>} : memref<2x128xi32, #tpu.memory_space<vmem>>, vector<16xi32>,
        tpu.vector_store %arg14[%swap3A_668, %swap3A_669], %gather3A_666 {strides = array<i32>} : memref<2x128xi32, #tpu.memory_space<vmem>>, vector<16xi32>,
        %gather3A_671 = tpu.vector_load_idx %arg12[%add3A_142, %add3A_635] : memref<128x200xi32, #tpu.memory_space<vmem>>[vector<16xi32>, vector<16xi32>], vector<16xi32>,
        %swap3A_672 = arith.constant 0 : i32
        %swap3A_673 = arith.index_cast %swap3A_672 : i32 to index
        %swap3A_674 = arith.constant 112 : index
        %swap3A_675 = tpu.vector_load %arg14[%swap3A_673, %swap3A_674] {strides = array<i32>} : memref<2x128xi32, #tpu.memory_space<vmem>>, vector<16xi32>,
        tpu.vector_store %arg14[%swap3A_673, %swap3A_674], %gather3A_671 {strides = array<i32>} : memref<2x128xi32, #tpu.memory_space<vmem>>, vector<16xi32>,
        %dma_start3A_676 = arith.constant 0 : i32
        %dma_start3A_677 = arith.constant 0 : i32
        %dma_start3A_678 = arith.constant 0 : i32
        %dma_start3A_679 = tpu.memref_slice %arg14[%dma_start3A_676, %dma_start3A_678] : memref<2x128xi32, #tpu.memory_space<vmem>> -> memref<1x128xi32, #tpu.memory_space<vmem>>
        %dma_start3A_680 = tpu.memref_squeeze %dma_start3A_679 : memref<1x128xi32, #tpu.memory_space<vmem>> -> memref<128xi32, #tpu.memory_space<vmem>>
        %dma_start3A_681 = arith.constant 0 : i32
        %dma_start3A_682 = arith.constant 0 : i32
        %dma_start3A_683 = tpu.memref_slice %arg8[%dma_start3A_681, %dma_start3A_682] : memref<262x64xf32, #tpu.memory_space<hbm>> -> memref<262x64xf32, #tpu.memory_space<hbm>>
        %dma_start3A_684 = tpu.memref_slice %arg19[%dma_start3A_677] : memref<2x!tpu.dma_semaphore, #tpu.memory_space<semaphore_mem>> -> memref<1x!tpu.dma_semaphore, #tpu.memory_space<semaphore_mem>>
        %dma_start3A_685 = tpu.memref_squeeze %dma_start3A_684 : memref<1x!tpu.dma_semaphore, #tpu.memory_space<semaphore_mem>> -> memref<!tpu.dma_semaphore, #tpu.memory_space<semaphore_mem>>
        tpu.enqueue_indirect_dma source(%dma_start3A_683 : memref<262x64xf32, #tpu.memory_space<hbm>>) target(%arg15 : memref<128x64xf32, #tpu.memory_space<vmem>>) offsets(%dma_start3A_680 : memref<128xi32, #tpu.memory_space<vmem>>) semaphore(%dma_start3A_685 : memref<!tpu.dma_semaphore, #tpu.memory_space<semaphore_mem>>)
      } else {
      }
      %mul3A_579 = arith.constant 2 : i32
      %mul3A_580 = arith.muli %scan3A_528, %mul3A_579 : i32
      %add3A_581 = arith.constant 1 : i32
      %add3A_582 = arith.addi %mul3A_580, %add3A_581 : i32
      %dma_wait3A_583 = arith.constant 1 : i32
      %dma_wait3A_584 = arith.constant 1 : i32
      %dma_wait3A_585 = arith.constant 0 : i32
      %dma_wait3A_586 = tpu.memref_slice %arg14[%dma_wait3A_583, %dma_wait3A_585] : memref<2x128xi32, #tpu.memory_space<vmem>> -> memref<1x128xi32, #tpu.memory_space<vmem>>
      %dma_wait3A_587 = tpu.memref_squeeze %dma_wait3A_586 : memref<1x128xi32, #tpu.memory_space<vmem>> -> memref<128xi32, #tpu.memory_space<vmem>>
      %dma_wait3A_588 = arith.constant 0 : i32
      %dma_wait3A_589 = arith.constant 0 : i32
      %dma_wait3A_590 = tpu.memref_slice %arg8[%dma_wait3A_588, %dma_wait3A_589] : memref<262x64xf32, #tpu.memory_space<hbm>> -> memref<262x64xf32, #tpu.memory_space<hbm>>
      %dma_wait3A_591 = tpu.memref_slice %arg19[%dma_wait3A_584] : memref<2x!tpu.dma_semaphore, #tpu.memory_space<semaphore_mem>> -> memref<1x!tpu.dma_semaphore, #tpu.memory_space<semaphore_mem>>
      %dma_wait3A_592 = tpu.memref_squeeze %dma_wait3A_591 : memref<1x!tpu.dma_semaphore, #tpu.memory_space<semaphore_mem>> -> memref<!tpu.dma_semaphore, #tpu.memory_space<semaphore_mem>>
      tpu.wait_indirect_dma semaphore(%dma_wait3A_592 : memref<!tpu.dma_semaphore, #tpu.memory_space<semaphore_mem>>) src(%dma_wait3A_590 : memref<262x64xf32, #tpu.memory_space<hbm>>) dst(%arg16 : memref<128x64xf32, #tpu.memory_space<vmem>>)
      %gt3A_593 = arith.constant 0 : i32
      %gt3A_594 = arith.cmpi sgt, %scan3A_528, %gt3A_593 : i32
      %convert_element_type3A_595 = arith.extui %gt3A_594 : i1 to i32
      %cond3A_596 = arith.constant 0 : i32
      %cond3A_597 = arith.cmpi ne, %convert_element_type3A_595, %cond3A_596 : i32
      scf.if %cond3A_597 {
        %sub3A_630 = arith.constant 2 : i32
        %sub3A_631 = arith.subi %add3A_582, %sub3A_630 : i32
        %dma_wait3A_632 = arith.constant 1 : i32
        %dma_wait3A_633 = arith.constant 0 : i32
        %dma_wait3A_634 = arith.constant 0 : i32
        %dma_wait3A_635 = arith.constant 0 : i32
        %dma_wait3A_636 = tpu.memref_slice %arg18[%dma_wait3A_633, %dma_wait3A_634, %dma_wait3A_635] : memref<8x8x129xf32, #tpu.memory_space<vmem>> -> memref<8x8x128xf32, #tpu.memory_space<vmem>>
        %dma_wait3A_637 = arith.constant 0 : i32
        %dma_wait3A_638 = arith.constant 0 : i32
        %dma_wait3A_639 = arith.constant 0 : i32
        %dma_wait3A_640 = tpu.memref_slice %arg7[%sub3A_631, %dma_wait3A_637, %add3A, %dma_wait3A_638, %dma_wait3A_639] : memref<200x8x32x8x128xf32, #tpu.memory_space<hbm>> -> memref<1x8x1x8x128xf32, #tpu.memory_space<hbm>>
        %dma_wait3A_641 = tpu.memref_squeeze %dma_wait3A_640 : memref<1x8x1x8x128xf32, #tpu.memory_space<hbm>> -> memref<8x8x128xf32, #tpu.memory_space<hbm>>
        %dma_wait3A_642 = tpu.memref_slice %arg20[%dma_wait3A_632] : memref<2x!tpu.dma_semaphore, #tpu.memory_space<semaphore_mem>> -> memref<1x!tpu.dma_semaphore, #tpu.memory_space<semaphore_mem>>
        %dma_wait3A_643 = tpu.memref_squeeze %dma_wait3A_642 : memref<1x!tpu.dma_semaphore, #tpu.memory_space<semaphore_mem>> -> memref<!tpu.dma_semaphore, #tpu.memory_space<semaphore_mem>>
        %dma_wait3A_644 = arith.constant 0 : i32
        %dma_wait3A_645 = arith.constant 0 : i32
        %dma_wait3A_646 = arith.constant 0 : i32
        %dma_wait3A_647 = tpu.memref_slice %arg7[%sub3A_631, %dma_wait3A_644, %add3A, %dma_wait3A_645, %dma_wait3A_646] : memref<200x8x32x8x128xf32, #tpu.memory_space<hbm>> -> memref<1x8x1x8x128xf32, #tpu.memory_space<hbm>>
        %dma_wait3A_648 = tpu.memref_squeeze %dma_wait3A_647 : memref<1x8x1x8x128xf32, #tpu.memory_space<hbm>> -> memref<8x8x128xf32, #tpu.memory_space<hbm>>
        %dma_wait3A_649 = arith.constant 0 : i32
        %dma_wait3A_650 = arith.constant 0 : i32
        %dma_wait3A_651 = arith.constant 0 : i32
        %dma_wait3A_652 = tpu.memref_slice %arg18[%dma_wait3A_649, %dma_wait3A_650, %dma_wait3A_651] : memref<8x8x129xf32, #tpu.memory_space<vmem>> -> memref<8x8x128xf32, #tpu.memory_space<vmem>>
        tpu.wait_dma2 semaphore(%dma_wait3A_643 : memref<!tpu.dma_semaphore, #tpu.memory_space<semaphore_mem>>) src(%dma_wait3A_652 : memref<8x8x128xf32, #tpu.memory_space<vmem>>) dst(%dma_wait3A_648 : memref<8x8x128xf32, #tpu.memory_space<hbm>>)
      } else {
      }
      %scan3A_598 = arith.constant 0 : i32
      %scan3A_599 = arith.constant 0 : i32
      %scan3A_600 = arith.constant 128 : i32
      %scan3A_601 = arith.addi %scan3A_599, %scan3A_600 : i32
      %scan3A_602 = arith.constant 1 : i32
      scf.for %scan3A_630 = %scan3A_599 to %scan3A_601 step %scan3A_602  : i32 {
        %broadcast_in_dim3A_631 = arith.constant 0 : i32
        %broadcast_in_dim3A_632 = vector.broadcast %broadcast_in_dim3A_631 : i32 to vector<16xi32>
        %add3A_633 = vector.broadcast %scan3A_630 : i32 to vector<16xi32>
        %add3A_634 = arith.addi %broadcast_in_dim3A_632, %add3A_633 : vector<16xi32>
        %get3A = arith.index_cast %scan3A_630 : i32 to index
        %get3A_635 = arith.constant 0 : index
        %get3A_636 = tpu.vector_load %arg16[%get3A, %get3A_635] {strides = array<i32>} : memref<128x64xf32, #tpu.memory_space<vmem>>, vector<16xf32>,
        tpu.vector_store_idx %arg18[%select_n3A, %select_n3A_295, %add3A_634], %get3A_636 : memref<8x8x129xf32, #tpu.memory_space<vmem>>[vector<16xi32>, vector<16xi32>, vector<16xi32>], vector<16xf32>,
        %get3A_637 = arith.index_cast %scan3A_630 : i32 to index
        %get3A_638 = arith.constant 16 : index
        %get3A_639 = tpu.vector_load %arg16[%get3A_637, %get3A_638] {strides = array<i32>} : memref<128x64xf32, #tpu.memory_space<vmem>>, vector<16xf32>,
        tpu.vector_store_idx %arg18[%select_n3A_203, %select_n3A_320, %add3A_634], %get3A_639 : memref<8x8x129xf32, #tpu.memory_space<vmem>>[vector<16xi32>, vector<16xi32>, vector<16xi32>], vector<16xf32>,
        %get3A_640 = arith.index_cast %scan3A_630 : i32 to index
        %get3A_641 = arith.constant 32 : index
        %get3A_642 = tpu.vector_load %arg16[%get3A_640, %get3A_641] {strides = array<i32>} : memref<128x64xf32, #tpu.memory_space<vmem>>, vector<16xf32>,
        tpu.vector_store_idx %arg18[%select_n3A_237, %select_n3A_345, %add3A_634], %get3A_642 : memref<8x8x129xf32, #tpu.memory_space<vmem>>[vector<16xi32>, vector<16xi32>, vector<16xi32>], vector<16xf32>,
        %get3A_643 = arith.index_cast %scan3A_630 : i32 to index
        %get3A_644 = arith.constant 48 : index
        %get3A_645 = tpu.vector_load %arg16[%get3A_643, %get3A_644] {strides = array<i32>} : memref<128x64xf32, #tpu.memory_space<vmem>>, vector<16xf32>,
        tpu.vector_store_idx %arg18[%select_n3A_271, %select_n3A_370, %add3A_634], %get3A_645 : memref<8x8x129xf32, #tpu.memory_space<vmem>>[vector<16xi32>, vector<16xi32>, vector<16xi32>], vector<16xf32>,
      }
      %scan3A_603 = arith.constant 128 : i32
      %dma_start3A_604 = arith.constant 1 : i32
      %dma_start3A_605 = arith.constant 0 : i32
      %dma_start3A_606 = arith.constant 0 : i32
      %dma_start3A_607 = arith.constant 0 : i32
      %dma_start3A_608 = tpu.memref_slice %arg18[%dma_start3A_605, %dma_start3A_606, %dma_start3A_607] : memref<8x8x129xf32, #tpu.memory_space<vmem>> -> memref<8x8x128xf32, #tpu.memory_space<vmem>>
      %dma_start3A_609 = arith.constant 0 : i32
      %dma_start3A_610 = arith.constant 0 : i32
      %dma_start3A_611 = arith.constant 0 : i32
      %dma_start3A_612 = tpu.memref_slice %arg7[%add3A_582, %dma_start3A_609, %add3A, %dma_start3A_610, %dma_start3A_611] : memref<200x8x32x8x128xf32, #tpu.memory_space<hbm>> -> memref<1x8x1x8x128xf32, #tpu.memory_space<hbm>>
      %dma_start3A_613 = tpu.memref_squeeze %dma_start3A_612 : memref<1x8x1x8x128xf32, #tpu.memory_space<hbm>> -> memref<8x8x128xf32, #tpu.memory_space<hbm>>
      %dma_start3A_614 = tpu.memref_slice %arg20[%dma_start3A_604] : memref<2x!tpu.dma_semaphore, #tpu.memory_space<semaphore_mem>> -> memref<1x!tpu.dma_semaphore, #tpu.memory_space<semaphore_mem>>
      %dma_start3A_615 = tpu.memref_squeeze %dma_start3A_614 : memref<1x!tpu.dma_semaphore, #tpu.memory_space<semaphore_mem>> -> memref<!tpu.dma_semaphore, #tpu.memory_space<semaphore_mem>>
      %dma_start3A_616 = arith.constant 0 : i32
      %dma_start3A_617 = arith.constant 0 : i32
      %dma_start3A_618 = arith.constant 0 : i32
      %dma_start3A_619 = tpu.memref_slice %arg7[%add3A_582, %dma_start3A_616, %add3A, %dma_start3A_617, %dma_start3A_618] : memref<200x8x32x8x128xf32, #tpu.memory_space<hbm>> -> memref<1x8x1x8x128xf32, #tpu.memory_space<hbm>>
      %dma_start3A_620 = tpu.memref_squeeze %dma_start3A_619 : memref<1x8x1x8x128xf32, #tpu.memory_space<hbm>> -> memref<8x8x128xf32, #tpu.memory_space<hbm>>
      %dma_start3A_621 = arith.constant 0 : i32
      %dma_start3A_622 = arith.constant 0 : i32
      %dma_start3A_623 = arith.constant 0 : i32
      %dma_start3A_624 = tpu.memref_slice %arg18[%dma_start3A_621, %dma_start3A_622, %dma_start3A_623] : memref<8x8x129xf32, #tpu.memory_space<vmem>> -> memref<8x8x128xf32, #tpu.memory_space<vmem>>
      tpu.enqueue_dma source(%dma_start3A_624 : memref<8x8x128xf32, #tpu.memory_space<vmem>>) target(%dma_start3A_620 : memref<8x8x128xf32, #tpu.memory_space<hbm>>) target_semaphore(%dma_start3A_615 : memref<!tpu.dma_semaphore, #tpu.memory_space<semaphore_mem>>)
      %lt3A_625 = arith.constant 99 : i32
      %lt3A_626 = arith.cmpi slt, %scan3A_528, %lt3A_625 : i32
      %convert_element_type3A_627 = arith.extui %lt3A_626 : i1 to i32
      %cond3A_628 = arith.constant 0 : i32
      %cond3A_629 = arith.cmpi ne, %convert_element_type3A_627, %cond3A_628 : i32
      scf.if %cond3A_629 {
        %add3A_630 = arith.constant 2 : i32
        %add3A_631 = arith.addi %add3A_582, %add3A_630 : i32
        %broadcast_in_dim3A_632 = arith.constant 0 : i32
        %broadcast_in_dim3A_633 = vector.broadcast %broadcast_in_dim3A_632 : i32 to vector<16xi32>
        %add3A_634 = vector.broadcast %add3A_631 : i32 to vector<16xi32>
        %add3A_635 = arith.addi %broadcast_in_dim3A_633, %add3A_634 : vector<16xi32>
        %gather3A_636 = tpu.vector_load_idx %arg12[%add3A_114, %add3A_635] : memref<128x200xi32, #tpu.memory_space<vmem>>[vector<16xi32>, vector<16xi32>], vector<16xi32>,
        %swap3A_637 = arith.constant 1 : i32
        %swap3A_638 = arith.index_cast %swap3A_637 : i32 to index
        %swap3A_639 = arith.constant 0 : index
        %swap3A_640 = tpu.vector_load %arg14[%swap3A_638, %swap3A_639] {strides = array<i32>} : memref<2x128xi32, #tpu.memory_space<vmem>>, vector<16xi32>,
        tpu.vector_store %arg14[%swap3A_638, %swap3A_639], %gather3A_636 {strides = array<i32>} : memref<2x128xi32, #tpu.memory_space<vmem>>, vector<16xi32>,
        %gather3A_641 = tpu.vector_load_idx %arg12[%add3A_118, %add3A_635] : memref<128x200xi32, #tpu.memory_space<vmem>>[vector<16xi32>, vector<16xi32>], vector<16xi32>,
        %swap3A_642 = arith.constant 1 : i32
        %swap3A_643 = arith.index_cast %swap3A_642 : i32 to index
        %swap3A_644 = arith.constant 16 : index
        %swap3A_645 = tpu.vector_load %arg14[%swap3A_643, %swap3A_644] {strides = array<i32>} : memref<2x128xi32, #tpu.memory_space<vmem>>, vector<16xi32>,
        tpu.vector_store %arg14[%swap3A_643, %swap3A_644], %gather3A_641 {strides = array<i32>} : memref<2x128xi32, #tpu.memory_space<vmem>>, vector<16xi32>,
        %gather3A_646 = tpu.vector_load_idx %arg12[%add3A_122, %add3A_635] : memref<128x200xi32, #tpu.memory_space<vmem>>[vector<16xi32>, vector<16xi32>], vector<16xi32>,
        %swap3A_647 = arith.constant 1 : i32
        %swap3A_648 = arith.index_cast %swap3A_647 : i32 to index
        %swap3A_649 = arith.constant 32 : index
        %swap3A_650 = tpu.vector_load %arg14[%swap3A_648, %swap3A_649] {strides = array<i32>} : memref<2x128xi32, #tpu.memory_space<vmem>>, vector<16xi32>,
        tpu.vector_store %arg14[%swap3A_648, %swap3A_649], %gather3A_646 {strides = array<i32>} : memref<2x128xi32, #tpu.memory_space<vmem>>, vector<16xi32>,
        %gather3A_651 = tpu.vector_load_idx %arg12[%add3A_126, %add3A_635] : memref<128x200xi32, #tpu.memory_space<vmem>>[vector<16xi32>, vector<16xi32>], vector<16xi32>,
        %swap3A_652 = arith.constant 1 : i32
        %swap3A_653 = arith.index_cast %swap3A_652 : i32 to index
        %swap3A_654 = arith.constant 48 : index
        %swap3A_655 = tpu.vector_load %arg14[%swap3A_653, %swap3A_654] {strides = array<i32>} : memref<2x128xi32, #tpu.memory_space<vmem>>, vector<16xi32>,
        tpu.vector_store %arg14[%swap3A_653, %swap3A_654], %gather3A_651 {strides = array<i32>} : memref<2x128xi32, #tpu.memory_space<vmem>>, vector<16xi32>,
        %gather3A_656 = tpu.vector_load_idx %arg12[%add3A_130, %add3A_635] : memref<128x200xi32, #tpu.memory_space<vmem>>[vector<16xi32>, vector<16xi32>], vector<16xi32>,
        %swap3A_657 = arith.constant 1 : i32
        %swap3A_658 = arith.index_cast %swap3A_657 : i32 to index
        %swap3A_659 = arith.constant 64 : index
        %swap3A_660 = tpu.vector_load %arg14[%swap3A_658, %swap3A_659] {strides = array<i32>} : memref<2x128xi32, #tpu.memory_space<vmem>>, vector<16xi32>,
        tpu.vector_store %arg14[%swap3A_658, %swap3A_659], %gather3A_656 {strides = array<i32>} : memref<2x128xi32, #tpu.memory_space<vmem>>, vector<16xi32>,
        %gather3A_661 = tpu.vector_load_idx %arg12[%add3A_134, %add3A_635] : memref<128x200xi32, #tpu.memory_space<vmem>>[vector<16xi32>, vector<16xi32>], vector<16xi32>,
        %swap3A_662 = arith.constant 1 : i32
        %swap3A_663 = arith.index_cast %swap3A_662 : i32 to index
        %swap3A_664 = arith.constant 80 : index
        %swap3A_665 = tpu.vector_load %arg14[%swap3A_663, %swap3A_664] {strides = array<i32>} : memref<2x128xi32, #tpu.memory_space<vmem>>, vector<16xi32>,
        tpu.vector_store %arg14[%swap3A_663, %swap3A_664], %gather3A_661 {strides = array<i32>} : memref<2x128xi32, #tpu.memory_space<vmem>>, vector<16xi32>,
        %gather3A_666 = tpu.vector_load_idx %arg12[%add3A_138, %add3A_635] : memref<128x200xi32, #tpu.memory_space<vmem>>[vector<16xi32>, vector<16xi32>], vector<16xi32>,
        %swap3A_667 = arith.constant 1 : i32
        %swap3A_668 = arith.index_cast %swap3A_667 : i32 to index
        %swap3A_669 = arith.constant 96 : index
        %swap3A_670 = tpu.vector_load %arg14[%swap3A_668, %swap3A_669] {strides = array<i32>} : memref<2x128xi32, #tpu.memory_space<vmem>>, vector<16xi32>,
        tpu.vector_store %arg14[%swap3A_668, %swap3A_669], %gather3A_666 {strides = array<i32>} : memref<2x128xi32, #tpu.memory_space<vmem>>, vector<16xi32>,
        %gather3A_671 = tpu.vector_load_idx %arg12[%add3A_142, %add3A_635] : memref<128x200xi32, #tpu.memory_space<vmem>>[vector<16xi32>, vector<16xi32>], vector<16xi32>,
        %swap3A_672 = arith.constant 1 : i32
        %swap3A_673 = arith.index_cast %swap3A_672 : i32 to index
        %swap3A_674 = arith.constant 112 : index
        %swap3A_675 = tpu.vector_load %arg14[%swap3A_673, %swap3A_674] {strides = array<i32>} : memref<2x128xi32, #tpu.memory_space<vmem>>, vector<16xi32>,
        tpu.vector_store %arg14[%swap3A_673, %swap3A_674], %gather3A_671 {strides = array<i32>} : memref<2x128xi32, #tpu.memory_space<vmem>>, vector<16xi32>,
        %dma_start3A_676 = arith.constant 1 : i32
        %dma_start3A_677 = arith.constant 1 : i32
        %dma_start3A_678 = arith.constant 0 : i32
        %dma_start3A_679 = tpu.memref_slice %arg14[%dma_start3A_676, %dma_start3A_678] : memref<2x128xi32, #tpu.memory_space<vmem>> -> memref<1x128xi32, #tpu.memory_space<vmem>>
        %dma_start3A_680 = tpu.memref_squeeze %dma_start3A_679 : memref<1x128xi32, #tpu.memory_space<vmem>> -> memref<128xi32, #tpu.memory_space<vmem>>
        %dma_start3A_681 = arith.constant 0 : i32
        %dma_start3A_682 = arith.constant 0 : i32
        %dma_start3A_683 = tpu.memref_slice %arg8[%dma_start3A_681, %dma_start3A_682] : memref<262x64xf32, #tpu.memory_space<hbm>> -> memref<262x64xf32, #tpu.memory_space<hbm>>
        %dma_start3A_684 = tpu.memref_slice %arg19[%dma_start3A_677] : memref<2x!tpu.dma_semaphore, #tpu.memory_space<semaphore_mem>> -> memref<1x!tpu.dma_semaphore, #tpu.memory_space<semaphore_mem>>
        %dma_start3A_685 = tpu.memref_squeeze %dma_start3A_684 : memref<1x!tpu.dma_semaphore, #tpu.memory_space<semaphore_mem>> -> memref<!tpu.dma_semaphore, #tpu.memory_space<semaphore_mem>>
        tpu.enqueue_indirect_dma source(%dma_start3A_683 : memref<262x64xf32, #tpu.memory_space<hbm>>) target(%arg16 : memref<128x64xf32, #tpu.memory_space<vmem>>) offsets(%dma_start3A_680 : memref<128xi32, #tpu.memory_space<vmem>>) semaphore(%dma_start3A_685 : memref<!tpu.dma_semaphore, #tpu.memory_space<semaphore_mem>>)
      } else {
      }
    }
    %scan3A_483 = arith.constant 100 : i32
    %dma_wait3A_484 = arith.constant 198 : i32
    %dma_wait3A_485 = arith.constant 0 : i32
    %dma_wait3A_486 = arith.constant 0 : i32
    %dma_wait3A_487 = arith.constant 0 : i32
    %dma_wait3A_488 = arith.constant 0 : i32
    %dma_wait3A_489 = tpu.memref_slice %arg17[%dma_wait3A_486, %dma_wait3A_487, %dma_wait3A_488] : memref<8x8x129xf32, #tpu.memory_space<vmem>> -> memref<8x8x128xf32, #tpu.memory_space<vmem>>
    %dma_wait3A_490 = arith.constant 0 : i32
    %dma_wait3A_491 = arith.constant 0 : i32
    %dma_wait3A_492 = arith.constant 0 : i32
    %dma_wait3A_493 = tpu.memref_slice %arg7[%dma_wait3A_484, %dma_wait3A_490, %add3A, %dma_wait3A_491, %dma_wait3A_492] : memref<200x8x32x8x128xf32, #tpu.memory_space<hbm>> -> memref<1x8x1x8x128xf32, #tpu.memory_space<hbm>>
    %dma_wait3A_494 = tpu.memref_squeeze %dma_wait3A_493 : memref<1x8x1x8x128xf32, #tpu.memory_space<hbm>> -> memref<8x8x128xf32, #tpu.memory_space<hbm>>
    %dma_wait3A_495 = tpu.memref_slice %arg20[%dma_wait3A_485] : memref<2x!tpu.dma_semaphore, #tpu.memory_space<semaphore_mem>> -> memref<1x!tpu.dma_semaphore, #tpu.memory_space<semaphore_mem>>
    %dma_wait3A_496 = tpu.memref_squeeze %dma_wait3A_495 : memref<1x!tpu.dma_semaphore, #tpu.memory_space<semaphore_mem>> -> memref<!tpu.dma_semaphore, #tpu.memory_space<semaphore_mem>>
    %dma_wait3A_497 = arith.constant 0 : i32
    %dma_wait3A_498 = arith.constant 0 : i32
    %dma_wait3A_499 = arith.constant 0 : i32
    %dma_wait3A_500 = tpu.memref_slice %arg7[%dma_wait3A_484, %dma_wait3A_497, %add3A, %dma_wait3A_498, %dma_wait3A_499] : memref<200x8x32x8x128xf32, #tpu.memory_space<hbm>> -> memref<1x8x1x8x128xf32, #tpu.memory_space<hbm>>
    %dma_wait3A_501 = tpu.memref_squeeze %dma_wait3A_500 : memref<1x8x1x8x128xf32, #tpu.memory_space<hbm>> -> memref<8x8x128xf32, #tpu.memory_space<hbm>>
    %dma_wait3A_502 = arith.constant 0 : i32
    %dma_wait3A_503 = arith.constant 0 : i32
    %dma_wait3A_504 = arith.constant 0 : i32
    %dma_wait3A_505 = tpu.memref_slice %arg17[%dma_wait3A_502, %dma_wait3A_503, %dma_wait3A_504] : memref<8x8x129xf32, #tpu.memory_space<vmem>> -> memref<8x8x128xf32, #tpu.memory_space<vmem>>
    tpu.wait_dma2 semaphore(%dma_wait3A_496 : memref<!tpu.dma_semaphore, #tpu.memory_space<semaphore_mem>>) src(%dma_wait3A_505 : memref<8x8x128xf32, #tpu.memory_space<vmem>>) dst(%dma_wait3A_501 : memref<8x8x128xf32, #tpu.memory_space<hbm>>)
    %dma_wait3A_506 = arith.constant 199 : i32
    %dma_wait3A_507 = arith.constant 1 : i32
    %dma_wait3A_508 = arith.constant 0 : i32
    %dma_wait3A_509 = arith.constant 0 : i32
    %dma_wait3A_510 = arith.constant 0 : i32
    %dma_wait3A_511 = tpu.memref_slice %arg18[%dma_wait3A_508, %dma_wait3A_509, %dma_wait3A_510] : memref<8x8x129xf32, #tpu.memory_space<vmem>> -> memref<8x8x128xf32, #tpu.memory_space<vmem>>
    %dma_wait3A_512 = arith.constant 0 : i32
    %dma_wait3A_513 = arith.constant 0 : i32
    %dma_wait3A_514 = arith.constant 0 : i32
    %dma_wait3A_515 = tpu.memref_slice %arg7[%dma_wait3A_506, %dma_wait3A_512, %add3A, %dma_wait3A_513, %dma_wait3A_514] : memref<200x8x32x8x128xf32, #tpu.memory_space<hbm>> -> memref<1x8x1x8x128xf32, #tpu.memory_space<hbm>>
    %dma_wait3A_516 = tpu.memref_squeeze %dma_wait3A_515 : memref<1x8x1x8x128xf32, #tpu.memory_space<hbm>> -> memref<8x8x128xf32, #tpu.memory_space<hbm>>
    %dma_wait3A_517 = tpu.memref_slice %arg20[%dma_wait3A_507] : memref<2x!tpu.dma_semaphore, #tpu.memory_space<semaphore_mem>> -> memref<1x!tpu.dma_semaphore, #tpu.memory_space<semaphore_mem>>
    %dma_wait3A_518 = tpu.memref_squeeze %dma_wait3A_517 : memref<1x!tpu.dma_semaphore, #tpu.memory_space<semaphore_mem>> -> memref<!tpu.dma_semaphore, #tpu.memory_space<semaphore_mem>>
    %dma_wait3A_519 = arith.constant 0 : i32
    %dma_wait3A_520 = arith.constant 0 : i32
    %dma_wait3A_521 = arith.constant 0 : i32
    %dma_wait3A_522 = tpu.memref_slice %arg7[%dma_wait3A_506, %dma_wait3A_519, %add3A, %dma_wait3A_520, %dma_wait3A_521] : memref<200x8x32x8x128xf32, #tpu.memory_space<hbm>> -> memref<1x8x1x8x128xf32, #tpu.memory_space<hbm>>
    %dma_wait3A_523 = tpu.memref_squeeze %dma_wait3A_522 : memref<1x8x1x8x128xf32, #tpu.memory_space<hbm>> -> memref<8x8x128xf32, #tpu.memory_space<hbm>>
    %dma_wait3A_524 = arith.constant 0 : i32
    %dma_wait3A_525 = arith.constant 0 : i32
    %dma_wait3A_526 = arith.constant 0 : i32
    %dma_wait3A_527 = tpu.memref_slice %arg18[%dma_wait3A_524, %dma_wait3A_525, %dma_wait3A_526] : memref<8x8x129xf32, #tpu.memory_space<vmem>> -> memref<8x8x128xf32, #tpu.memory_space<vmem>>
    tpu.wait_dma2 semaphore(%dma_wait3A_518 : memref<!tpu.dma_semaphore, #tpu.memory_space<semaphore_mem>>) src(%dma_wait3A_527 : memref<8x8x128xf32, #tpu.memory_space<vmem>>) dst(%dma_wait3A_523 : memref<8x8x128xf32, #tpu.memory_space<hbm>>)
    return
  }
}

</mosaic_0001>

<sc_bundles>
// kernel: kernel.3.cloned.1.call-start
scs
__scs_entry_jumppad:
0x0: {  	(pc) =	sbr.rel $0x88, $3  }
0x1: {  	(tag) =	ssettag $0x0;
	lr =	simm.s32 $0x1  }
0x2: {  	[smem:$0x3F9F] =	sst lr;
	_ =	strace $0xD0000000  }
0x3: {  	_ = 	snop  }
0x4: {  	_ = 	snop  }
0x5: {  	_ = 	snop  }
0x6: {  	_ = 	snop  }
0x7: {  	_ = 	snop  }
__scs_overlays_trampoline_lowered:
0x8: {  	[smem:$0x3FAE] =	sst s0  }
0x9: {  	[smem:$0x3FAF] =	sst s1  }
0xa: {  	[smem:$0x3FB0] =	sst s2  }
0xb: {  	[smem:$0x3FB1] =	sst s3  }
0xc: {  	[smem:$0x3FB2] =	sst s4  }
0xd: {  	[smem:$0x3FB3] =	sst s5  }
0xe: {  	[smem:$0x3FB4] =	sst s6  }
0xf: {  	[smem:$0x3FB5] =	sst s7  }
0x10: {  	[smem:$0x3FB6] =	sst s8  }
0x11: {  	[smem:$0x3FB7] =	sst s9;
	s0 =	simm.s32 @!p0 $0x0  }
0x12: {  	s1 =	sld [smem:$0x3F9D];
	s0 =	simm.s32 @p0 $0x1  }
0x13: {  	[smem:$0x3FB8] =	sst s0;
	s0 =	simm.s32 @!p1 $0x0  }
0x14: {  	s2 =	sld [smem:$0x3F9C];
	s0 =	simm.s32 @p1 $0x1  }
0x15: {  	[smem:$0x3FB9] =	sst s0;
	s0 =	simm.s32 @!p2 $0x0  }
0x16: {  	s3 =	sld [smem:$0x3FDB];
	s0 =	simm.s32 @p2 $0x1  }
0x17: {  	s4 =	simm.s32 $0x1BF5;
	[smem:$0x3FBB] =	sst s0  }
0x18: {  	s0 =	sld [smem:$0x3F9E];
	_ =	swait.ge [sflag:s4], $0x0  }
0x19: {  	s7 =	sld [smem:$0x3F9F]  }
0x1a: {  	s8 =	sadd.s32 $0xFFFFE003, lr  }
0x1b: {  	s9 =	sadd.s32 $0xFFFFFEF7, lr;
	s5 =	simm.s32 $0xFFFFFFFF;
	p2 =	slt.u32 s8, $0xFFFFF086  }
0x1c: {  	p1 =	slt.u32 s9, $0xF7A;
	s5 =	simm.s32 @!p2 $0x0  }
0x1d: {  	s5 =	simm.s32 @p1 $0x1;
	p0 =	seq.s32 s7, s2  }
0x1e: {  	s7 =	smul.u32 @!p0 $0xF7A, s2;
	p2 =	seq.s32 @!p0 s5, $0x0  }
0x1f: {  	s9 =	smul.u32 $0xF7A, s1;
	s8 =	simm.s32 @!p0 $0x1BF5;
	p2 =	por !p2, p0  }
0x20: {  	[sflag:s8] =	ssyncset.s32 @!p0 $0xFFFFF086;
	s6 =	sadd.s32 @!p0 s3, s7;
	s7 =	simm.s32 @!p0 $0x108  }
0x21: {  	s3 =	sadd.s32 s3, s9;
	s6 =	sadd.s32 @!p0 $0x88, s6;
	s7 =	simm.s32 @p2 $0x1082  }
0x22: {  	[simem:s7], [sflag:s8] =	dma.local @!p0 [hbm:s6], $0xF7A  }
0x23: {  	s9 =	sor.u32 $0xD0000000, s2;
	s6 =	simm.s32 $0x108;
	_ =	swait.ge @!p0 [sflag:s8], $0x0  }
0x24: {  	s3 =	sadd.s32 $0x88, s3;
	s6 =	simm.s32 @!p1 $0x1082;
	[sflag:s4] =	ssyncset.s32 $0xFFFFF086  }
0x25: {  	[simem:s6], [sflag:s4] =	dma.local [hbm:s3], $0xF7A  }
0x26: {  	[smem:$0x3F9F] =	sst s1;
	(tag) =	ssettag s2;
	_ =	strace s9  }
0x27: {  	s1 =	sld [smem:$0x3FAF]  }
0x28: {  	s2 =	sld [smem:$0x3FB0]  }
0x29: {  	s4 =	sld [smem:$0x3FB2]  }
0x2a: {  	p0 =	seq.s32 s5, $0x0;
	s5 =	sld [smem:$0x3FB3]  }
0x2b: {  	s6 =	sld [smem:$0x3FB4]  }
0x2c: {  	s7 =	sld [smem:$0x3FB5]  }
0x2d: {  	s3 =	simm.s32 $0x108;
	s8 =	sld [smem:$0x3FB6]  }
0x2e: {  	s3 =	simm.s32 @!p0 $0x1082;
	s9 =	sld [smem:$0x3FB7]  }
0x2f: {  	lr =	sadd.s32 s0, s3;
	s0 =	sld [smem:$0x3FAE]  }
0x30: {  	s3 =	sld [smem:$0x3FB1]  }
0x31: {  	[smem:$0x3FBA] =	sst s10  }
0x32: {  	s10 =	sld [smem:$0x3FB8];
	_ =	sdelay $0x3  }
0x33: {  	p0 =	seq.s32 s10, $0x1;
	s10 =	sld [smem:$0x3FBA];
	_ =	sdelay $0x3  }
0x34: {  	[smem:$0x3FBA] =	sst s10  }
0x35: {  	s10 =	sld [smem:$0x3FB9];
	_ =	sdelay $0x3  }
0x36: {  	p1 =	seq.s32 s10, $0x1;
	s10 =	sld [smem:$0x3FBA];
	_ =	sdelay $0x3  }
0x37: {  	[smem:$0x3FBA] =	sst s10  }
0x38: {  	s10 =	sld [smem:$0x3FBB]  }
0x39: {  	_ = 	snop;
	(pc) =	sbr.ind lr, $3  }
0x3a: {  	_ = 	snop  }
0x3b: {  	_ = 	snop  }
0x3c: {  	p2 =	seq.s32 s10, $0x1;
	s10 =	sld [smem:$0x3FBA]  }
0x3d: {  	_ =	shalt  }
0x3e: {  	_ =	shalt  }
0x3f: {  	_ =	shalt  }
0x40: {  	_ =	shalt  }
0x41: {  	_ =	shalt  }
0x42: {  	_ =	shalt  }
0x43: {  	_ =	shalt  }
0x44: {  	_ =	shalt  }
0x45: {  	_ =	shalt  }
0x46: {  	_ =	shalt  }
0x47: {  	_ =	shalt  }
0x48: {  	_ =	shalt  }
0x49: {  	_ =	shalt  }
0x4a: {  	_ =	shalt  }
0x4b: {  	_ =	shalt  }
0x4c: {  	_ =	shalt  }
0x4d: {  	_ =	shalt  }
0x4e: {  	_ =	shalt  }
0x4f: {  	_ =	shalt  }
0x50: {  	_ =	shalt  }
0x51: {  	_ =	shalt  }
0x52: {  	_ =	shalt  }
0x53: {  	_ =	shalt  }
0x54: {  	_ =	shalt  }
0x55: {  	_ =	shalt  }
0x56: {  	_ =	shalt  }
0x57: {  	_ =	shalt  }
0x58: {  	_ =	shalt  }
0x59: {  	_ =	shalt  }
0x5a: {  	_ =	shalt  }
0x5b: {  	_ =	shalt  }
0x5c: {  	_ =	shalt  }
0x5d: {  	_ =	shalt  }
0x5e: {  	_ =	shalt  }
0x5f: {  	_ =	shalt  }
0x60: {  	_ =	shalt  }
0x61: {  	_ =	shalt  }
0x62: {  	_ =	shalt  }
0x63: {  	_ =	shalt  }
0x64: {  	_ =	shalt  }
0x65: {  	_ =	shalt  }
0x66: {  	_ =	shalt  }
0x67: {  	_ =	shalt  }
0x68: {  	_ =	shalt  }
0x69: {  	_ =	shalt  }
0x6a: {  	_ =	shalt  }
0x6b: {  	_ =	shalt  }
0x6c: {  	_ =	shalt  }
0x6d: {  	_ =	shalt  }
0x6e: {  	_ =	shalt  }
0x6f: {  	_ =	shalt  }
0x70: {  	_ =	shalt  }
0x71: {  	_ =	shalt  }
0x72: {  	_ =	shalt  }
0x73: {  	_ =	shalt  }
0x74: {  	_ =	shalt  }
0x75: {  	_ =	shalt  }
0x76: {  	_ =	shalt  }
0x77: {  	_ =	shalt  }
0x78: {  	_ =	shalt  }
0x79: {  	_ =	shalt  }
0x7a: {  	_ =	shalt  }
0x7b: {  	_ =	shalt  }
0x7c: {  	_ =	shalt  }
0x7d: {  	_ =	shalt  }
0x7e: {  	_ =	shalt  }
0x7f: {  	_ =	shalt  }
0x80: {  	_ =	shalt  }
0x81: {  	_ =	shalt  }
0x82: {  	_ =	shalt  }
0x83: {  	_ =	shalt  }
0x84: {  	_ =	shalt  }
0x85: {  	_ =	shalt  }
0x86: {  	_ =	shalt  }
0x87: {  	_ =	shalt  }
.Lfunc_end0:
.L_simem_size_0:
called_computation_lowered:
.L_overlay_start_0:
0x88: {  	s2 =	sld [smem:$0x3FD9]  }
0x89: {  	s3 =	sld [smem:$0x3FFE];
	_ =	sdelay $0x1  }
0x8a: {  	s1 =	srdreg.scid  }
0x8b: {  	s0 =	sand.u32 $0x1, s1  }
0x8c: {  	s14 =	sshll.u32 s0, $0xA;
	s2 =	sadd.s32 s3, s2  }
0x8d: {  	s2 =	sadd.s32 s2, s14  }
0x8e: {  	[smem:$0x3FC6] =	sst s2  }
0x8f: {  	_ = 	snop  }
0x90: {  	s2 =	sld [smem:$0x3FD0];
	_ =	sdelay $0x2  }
0x91: {  	s4 =	simm.s32 $0xA;
	s5 =	simm.s32 $0x10;
	s15 =	sld [smem:$0x3FC8]  }
0x92: {  	[smem:s5], [sflag:s4] =	dma.local [hbm:s2], $0x1  }
0x93: {  	_ =	swait.eq [sflag:s4], $0x1  }
0x94: {  	[sflag:s4] =	ssyncset.done $0x0  }
0x95: {  	s16 =	sld [smem:$0x10];
	[sflag:s4] =	ssyncadd.s32 $0xFFFFFFFF  }
0x96: {  	s17 =	sld [smem:$0x11];
	(tm) =	ssettm $0x1  }
0x97: {  	s18 =	sld [smem:$0x3FFB];
	_ =	sdelay $0x3  }
0x98: {  	_ =	strace s18  }
0x99: {  	s5 =	sld [smem:$0x3FFC];
	_ =	sdelay $0x3  }
0x9a: {  	_ =	strace s5  }
0x9b: {  	s5 =	sld [smem:$0x3FFD];
	_ =	sdelay $0x3  }
0x9c: {  	_ =	strace s5  }
0x9d: {  	_ =	strace $0x8FFFFFFF  }
0x9e: {  	s19 =	sld [smem:$0x3FDB];
	_ =	sdelay $0x1  }
0x9f: {  	s6 =	simm.s32 $_scs_section_size  }
0xa0: {  	s7 =	simm.s32 $_size__tile_overlayer_lowered;
	s8 =	simm.s32 $_tile_overlayer_lowered  }
0xa1: {  	s22 =	simm.s32 $0x1BFF;
	s21 =	sshll.u32 s8, $0x1;
	s5 =	sadd.s32 s6, s19  }
0xa2: {  	s9 =	simm.s32 $0x0;
	s20 =	sshll.u32 s7, $0x1;
	s7 =	sadd.s32 s21, s5  }
0xa3: {  	[timem:s9], [sflag:s22] =	dma.local [hbm:s7], s20  }
0xa4: {  	_ =	swait.ge [sflag:s22], s20  }
0xa5: {  	s6 =	ssub.s32 $0x0, s20;
	[sflag:s22] =	ssyncset.done $0x0  }
0xa6: {  	[sflag:s22] =	ssyncadd.s32 s6;
	_ =	sdelay $0x1  }
0xa7: {  	s23 =	simm.s32 $0x1B8B  }
0xa8: {  	_ =	swait.ge [sflag:s23], $0x1  }
0xa9: {  	[sflag:s23] =	ssyncset.done $0x0  }
0xaa: {  	s25 =	simm.s32 $0x1B8E;
	s24 =	sld [smem:$0x3FFE];
	[sflag:s23] =	ssyncadd.s32 $0xFFFFFFFF  }
0xab: {  	s26 =	simm.s32 $execute0_lowered;
	[smem:$0x3FD2] =	sst s25  }
0xac: {  	s7 =	sshll.u32 s26, $0x1;
	_ =	strace $0x80000046;
	[dreg:$0x1] =	wrdreg $0xFFFFFFFF  }
0xad: {  	s28 =	simm.s32 $_size_execute0_lowered;
	s5 =	sadd.s32 s5, s7;
	[dreg:$0x0] =	wrdreg $0x0  }
0xae: {  	s7 =	sshll.u32 s28, $0x1;
	[dreg:$0x2] =	wrdreg s5  }
0xaf: {  	[dreg:$0x3] =	wrdreg s7  }
0xb0: {  	[dreg:$0x4] =	wrdreg $0xC0  }
0xb1: {  	_ =	task [dreg:s9], $0x5FFFF  }
0xb2: {  	[dreg:$0x1] =	wrdreg $0xFFFFFFFF  }
0xb3: {  	[dreg:$0x0] =	wrdreg $0x60  }
0xb4: {  	[dreg:$0x2] =	wrdreg s24  }
0xb5: {  	[dreg:$0x3] =	wrdreg s15  }
0xb6: {  	[dreg:$0x4] =	wrdreg s16  }
0xb7: {  	[dreg:$0x5] =	wrdreg s17  }
0xb8: {  	[dreg:$0x6] =	wrdreg $0x9  }
0xb9: {  	_ =	task.clear_ibuf [dreg:s9], $0x7FFFF;
	_ =	strace $0x90000046  }
0xba: {  	s29 =	simm.s32 $0x9;
	_ =	strace $0x80000048  }
0xbb: {  	_ =	swait.ge [sflag:s29], $0x1  }
0xbc: {  	[sflag:s29] =	ssyncadd.s32 $0xFFFFFFFF  }
0xbd: {  	_ =	strace $0x90000048  }
0xbe: {  	_ =	sfence  }
0xbf: {  	s30 =	sld [smem:$0x0];
	_ =	sdelay $0x2  }
0xc0: {  	s31 =	sshll.u32 s1, $0xD;
	s1 =	sshrl.u32 s1, $0x2  }
0xc1: {  	s3 =	sand.u32 $0x4000, s31;
	s1 =	sadd.s32 s1, s30  }
0xc2: {  	s0 =	sor.u32 s3, s0;
	s1 =	sshll.u32 s1, $0x11  }
0xc3: {  	s0 =	sor.u32 s1, s0  }
0xc4: {  	s0 =	sadd.s32 $0x8F2B, s0  }
0xc5: {  	[sflag:s0] =	ssyncadd.remote.s32 $0x1  }
0xc6: {  	_ =	sfence.sel $0xFFFF  }
0xc7: {  	[dreg:$0x0] =	wrdreg $0xFFFFFFFF;
	(pc) =	sbr.abs _section_cstart, $3  }
0xc8: {  	[dreg:$0x1] =	wrdreg $0xFFFFFFFF  }
0xc9: {  	_ =	task.clear_ibuf [dreg:s9], $0x2FFFF;
	_ =	strace $0x9FFFFFFF  }
0xca: {  	(tm) =	ssettm $0x7FFFFFFF  }
0xcb: {  	_ =	shalt  }
tec
execute0_lowered:
.L_overlay_start_1:
0x0: {  	(tag) =	ssettag $0x1  }
0x1: {  	s1 =	rddreg [dreg:$0x0]  }
0x2: {  	s0 =	rddreg [dreg:$0x1]  }
0x3: {  	s2 =	srdreg.scid;
	s4 =	stileid.u32  }
0x4: {  	s5 =	rddreg [dreg:$0x2];
	s7 =	sand.u32 $0x1, s2;
	s3 =	sshll.u32 s4, $0x1  }
0x5: {  	s2 =	rddreg [dreg:$0x3];
	s8 =	sor.u32 s7, s3;
	s3 =	simm.s32 $0x0  }
0x6: {  	s31 =	sadd.s32 $0x1200, s1;
	[smem:$0x7FF] =	sst s3  }
0x7: {  	s11 =	sadd.s32 $0x800, s1;
	_ =	strace $0x80000047;
	[dreg:$0x5] =	wrdreg s31  }
0x8: {  	s12 =	sadd.s32 $0x1380, s1;
	[dreg:$0x6] =	wrdreg s11  }
0x9: {  	s13 =	sadd.s32 $0x980, s1;
	[dreg:$0x7] =	wrdreg s12  }
0xa: {  	s14 =	sadd.s32 $0x1AD80, s1;
	[dreg:$0x8] =	wrdreg s13  }
0xb: {  	s15 =	sadd.s32 $0x1500, s1;
	s16 =	sadd.s32 $0xB00, s1;
	[dreg:$0x9] =	wrdreg s14  }
0xc: {  	s17 =	sadd.s32 $0x1AF00, s1;
	s19 =	sadd.s32 $0xC80, s1;
	[dreg:$0xa] =	wrdreg s15  }
0xd: {  	s20 =	smul.u32 $0xC8000, s4;
	s21 =	sadd.s32 $0x1800, s1;
	[dreg:$0xb] =	wrdreg s16  }
0xe: {  	s22 =	sadd.s32 $0xE00, s1;
	s23 =	sadd.s32 $0x1B200, s1;
	[dreg:$0xc] =	wrdreg s17  }
0xf: {  	p0 =	sne.s32 s4, $0x0;
	s24 =	sadd.s32 $0x1980, s1;
	[dreg:$0xe] =	wrdreg s19  }
0x10: {  	s25 =	sadd.s32 $0xF80, s1;
	s4 =	simm.s32 $0x2400;
	[dreg:$0x10] =	wrdreg s21  }
0x11: {  	s10 =	ssub.s32 $0x2, s7;
	s7 =	smul.u32 $0x64000, s7;
	[dreg:$0x11] =	wrdreg s22  }
0x12: {  	s29 =	sadd.s32 $0x8000, s2;
	s6 =	smul.u32 $0xC80, s8;
	[dreg:$0x13] =	wrdreg s23  }
0x13: {  	s18 =	smul.u32 $0x64000, s8;
	s11 =	sshrl.u32 s10, $0x1;
	[dreg:$0x14] =	wrdreg s24  }
0x14: {  	s12 =	sadd.s32 $0x1680, s1;
	s13 =	sadd.s32 $0x1B080, s1;
	[dreg:$0x15] =	wrdreg s25  }
0x15: {  	s23 =	sshll.u32 s8, $0x7;
	s21 =	simm.s32 $0xC00;
	s24 =	simm.s32 $0x1800  }
0x16: {  	s8 =	simm.s32 $0x48;
	s14 =	simm.s32 $0x12C00;
	s15 =	simm.s32 $0x1  }
0x17: {  	s16 =	simm.s32 $0x3;
	s17 =	simm.s32 $0x2;
	s19 =	simm.s32 $0x4  }
0x18: {  	s22 =	simm.s32 $0x15080;
	s9 =	sadd.s32 s6, s1;
	[dreg:$0xd] =	wrdreg s12  }
0x19: {  	v13 =	vlaneseq.u32;
	s6 =	sadd.s32 $0x1AC00, s1;
	s10 =	ssub.s32 s10, s11;
	[dreg:$0xf] =	wrdreg s13  }
0x1a: {  	v0 =	vmul.u32 $0xC8, v13;
	s11 =	sadd.s32 s5, s18;
	s5 =	sadd.s32 s20, s5;
	s1 =	sadd.s32 $0x1B380, s1  }
0x1b: {  	v13 =	vmul.u32 $0x88, v13;
	s20 =	simm.s32 $0x5;
	s12 =	simm.s32 $0xEC00;
	s13 =	simm.s32 $0x1B300  }
0x1c: {  	v1 =	vadd.s32 $0xC80, v0;
	v2 =	vadd.s32 $0x1900, v0;
	v3 =	vadd.s32 $0x2580, v0;
	s18 =	simm.s32 $0x0;
	s5 =	sadd.s32 s7, s5;
	[dreg:$0x16] =	wrdreg s1  }
.Ltmp0:
0x1d: {  	v4 =	vadd.s32 $0x3200, v0;
	v5 =	vadd.s32 $0x3E80, v0;
	v6 =	vadd.s32 $0x4B00, v0;
	s26 =	sadd.s32 $0x1C00, s9;
	[dreg:$0x12] =	wrdreg s5;
	(pc) =	sbr.rel .LBB2_1-.Ltmp0, $4  }
0x1e: {  	v7 =	vadd.s32 $0x5780, v0;
	v8 =	vor.u32 $0x1, v0;
	v9 =	vadd.s32 $0xC81, v0;
	s28 =	smax.u32 s10, $0x1;
	s30 =	sadd.s32 $0x62700, s11;
	[dreg:$0x17] =	wrdreg s26  }
0x1f: {  	v10 =	vadd.s32 $0x1901, v0;
	v11 =	vadd.s32 $0x2581, v0;
	v12 =	vadd.s32 $0x3201, v0;
	s31 =	sadd.s32 $0x63380, s11;
	s7 =	simm.s32 $0x8800;
	[dreg:$0x18] =	wrdreg s28  }
0x20: {  	v14 =	vadd.s32 $0x3E81, v0;
	v15 =	vadd.s32 $0x4B01, v0;
	v16 =	vadd.s32 $0x5781, v0;
	s10 =	simm.s32 $0xC800;
	s9 =	simm.s32 $0x17100;
	[dreg:$0x19] =	wrdreg s30  }
0x21: {  	v17 =	vadd.s32 $0x880, v13;
	v18 =	vadd.s32 $0x1100, v13;
	v19 =	vadd.s32 $0x1980, v13;
	s11 =	simm.s32 $0x19100;
	[dreg:$0x1a] =	wrdreg s31;
	s5 =	simm.s32 $0x80  }
.LBB2_32:
0x22: {  	_ =	swait.ge [sflag:s16], $0x2000  }
0x23: {  	[sflag:s16] =	ssyncset.done $0x0  }
0x24: {  	[sflag:s16] =	ssyncadd.s32 $0xFFFFE000  }
0x25: {  	_ =	swait.ge [sflag:s19], $0x2000  }
0x26: {  	s18 =	rddreg [dreg:$0x1b]  }
0x27: {  	s1 =	rddreg [dreg:$0x18];
	s18 =	sadd.s32 $0x1, s18  }
0x28: {  	p1 =	sne.s32 s18, s1  }
.Ltmp1:
0x29: {  	_ = 	snop;
	(pc) =	sbr.rel @!p1 .LBB2_33-.Ltmp1, $3  }
0x2a: {  	_ =	sdelay $0x1  }
0x2b: {  	s20 =	simm.s32 $0x5;
	[sflag:s19] =	ssyncset.done $0x0  }
0x2c: {  	s21 =	simm.s32 $0xC00;
	s24 =	simm.s32 $0x1800;
	[sflag:s19] =	ssyncadd.s32 $0xFFFFE000  }
.LBB2_1:
.Ltmp2:
0x2d: {  	(pc) =	sbr.rel @p0 .LBB2_15-.Ltmp2, $2  }
0x2e: {  	_ =	sdelay $0x2  }
0x2f: {  	[dreg:$0x1b] =	wrdreg s18  }
0x30: {  	s1 =	simm.s32 $0x0;
	s18 =	rddreg [dreg:$0x5]  }
0x31: {  	[tilespmem:s1], [sflag:$0x5] =	stream.linear.gather [hbm4b:s18+s1], $0xC00, $0x38;
	[tilespmem:$0x1D500] =	vst v63  }
0x32: {  	_ =	swait.ge [sflag:s20], $0xC00  }
0x33: {  	[sflag:s20] =	ssyncset.done $0x0  }
0x34: {  	s31 =	rddreg [dreg:$0x6];
	[sflag:s20] =	ssyncadd.s32 $0xFFFFF400  }
0x35: {  	[tilespmem:s21], [sflag:$0x5] =	stream.linear.gather [hbm4b:s31+s1], $0xC00, $0x38;
	[tilespmem:$0x1D500] =	vst v63  }
0x36: {  	_ =	swait.ge [sflag:s20], $0xC00  }
0x37: {  	[sflag:s20] =	ssyncset.done $0x0  }
0x38: {  	s1 =	simm.s32 $0x0;
	[sflag:s20] =	ssyncadd.s32 $0xFFFFF400  }
0x39: {  	v21 =	vld [tilespmem:s1+$0x30]  }
0x3a: {  	v24 =	vld [tilespmem:s1+$0xC30]  }
0x3b: {  	v25 =	vld [tilespmem:s1+$0x0]  }
0x3c: {  	v26 =	vld [tilespmem:s1+$0xC00]  }
0x3d: {  	v22 =	vld [tilespmem:s1+$0x10]  }
0x3e: {  	v23 =	vld [tilespmem:s1+$0xC10]  }
0x3f: {  	v20 =	vld [tilespmem:s1+$0x20];
	v21 =	vmax.f32 v21, v24  }
0x40: {  	s18 =	simm.s32 $0x40;
	v24 =	vld [tilespmem:s1+$0xC20];
	[tilespmem:s1+$0x1830] =	vst v21  }
0x41: {  	s25 =	simm.s32 $0x200;
	v25 =	vmax.f32 v25, v26;
	v21 =	vld [tilespmem:s18+$0x30]  }
.LBB2_3:
0x42: {  	p1 =	sne.s32 s25, $0x2F00;
	v26 =	vld [tilespmem:s18+$0xC30];
	[tilespmem:s1+$0x1800] =	vst v25  }
0x43: {  	v25 =	vld [tilespmem:s18+$0x0];
	v22 =	vmax.f32 v22, v23  }
0x44: {  	v27 =	vld [tilespmem:s18+$0xC00];
	[tilespmem:s1+$0x1810] =	vst v22  }
.Ltmp3:
0x45: {  	v22 =	vld [tilespmem:s18+$0x10];
	v20 =	vmax.f32 v20, v24;
	(pc) =	sbr.rel @p1 .LBB2_3-.Ltmp3, $4  }
0x46: {  	v23 =	vld [tilespmem:s18+$0xC10];
	[tilespmem:s1+$0x1820] =	vst v20;
	s1 =	smov.u32 s18  }
0x47: {  	v20 =	vld [tilespmem:s1+$0x20];
	v21 =	vmax.f32 v21, v26  }
0x48: {  	s18 =	sshra.s32 s25, $0x2;
	v24 =	vld [tilespmem:s1+$0xC20];
	[tilespmem:s1+$0x1830] =	vst v21  }
0x49: {  	s25 =	sadd.s32 $0x100, s25;
	v21 =	vld [tilespmem:s18+$0x30];
	v25 =	vmax.f32 v25, v27  }
0x4a: {  	v26 =	vld [tilespmem:s18+$0xC30];
	[tilespmem:s1+$0x1800] =	vst v25  }
0x4b: {  	v25 =	vld [tilespmem:s18+$0x0];
	v22 =	vmax.f32 v22, v23  }
0x4c: {  	v23 =	vld [tilespmem:s18+$0xC00];
	[tilespmem:s1+$0x1810] =	vst v22  }
0x4d: {  	v22 =	vld [tilespmem:s18+$0x10];
	v20 =	vmax.f32 v20, v24  }
0x4e: {  	v24 =	vld [tilespmem:s18+$0xC10];
	[tilespmem:s1+$0x1820] =	vst v20  }
0x4f: {  	v20 =	vld [tilespmem:s18+$0x20]  }
0x50: {  	v27 =	vld [tilespmem:s18+$0xC20];
	_ =	sdelay $0x1  }
0x51: {  	v21 =	vmax.f32 v21, v26  }
0x52: {  	[tilespmem:s18+$0x1830] =	vst v21;
	v21 =	vmax.f32 v25, v23  }
0x53: {  	[tilespmem:s18+$0x1800] =	vst v21;
	v21 =	vmax.f32 v22, v24  }
0x54: {  	[tilespmem:s18+$0x1810] =	vst v21;
	v20 =	vmax.f32 v20, v27  }
0x55: {  	s28 =	simm.s32 $0x0;
	[tilespmem:s18+$0x1820] =	vst v20  }
0x56: {  	[hbm4b:s6+s28] =	stream.linear.scatter [tilespmem:s24], [sflag:$0x5], $0xC00, $0x38;
	[tilespmem:$0x1D500] =	vst v63  }
0x57: {  	_ =	swait.ge [sflag:s20], $0xC00  }
0x58: {  	[sflag:s20] =	ssyncset.done $0x0  }
0x59: {  	s30 =	rddreg [dreg:$0x7];
	[sflag:s20] =	ssyncadd.s32 $0xFFFFF400  }
0x5a: {  	[tilespmem:s28], [sflag:$0x5] =	stream.linear.gather [hbm4b:s30+s28], $0xC00, $0x38;
	[tilespmem:$0x1D500] =	vst v63  }
0x5b: {  	_ =	swait.ge [sflag:s20], $0xC00  }
0x5c: {  	[sflag:s20] =	ssyncset.done $0x0  }
0x5d: {  	s31 =	rddreg [dreg:$0x8];
	[sflag:s20] =	ssyncadd.s32 $0xFFFFF400  }
0x5e: {  	[tilespmem:s21], [sflag:$0x5] =	stream.linear.gather [hbm4b:s31+s28], $0xC00, $0x38;
	[tilespmem:$0x1D500] =	vst v63  }
0x5f: {  	_ =	swait.ge [sflag:s20], $0xC00  }
0x60: {  	[sflag:s20] =	ssyncset.done $0x0  }
0x61: {  	s1 =	simm.s32 $0x0;
	[sflag:s20] =	ssyncadd.s32 $0xFFFFF400  }
0x62: {  	v21 =	vld [tilespmem:s1+$0x30]  }
0x63: {  	v24 =	vld [tilespmem:s1+$0xC30]  }
0x64: {  	v25 =	vld [tilespmem:s1+$0x0]  }
0x65: {  	v26 =	vld [tilespmem:s1+$0xC00]  }
0x66: {  	v22 =	vld [tilespmem:s1+$0x10]  }
0x67: {  	v23 =	vld [tilespmem:s1+$0xC10]  }
0x68: {  	v20 =	vld [tilespmem:s1+$0x20];
	v21 =	vmax.f32 v21, v24  }
0x69: {  	s18 =	simm.s32 $0x40;
	v24 =	vld [tilespmem:s1+$0xC20];
	[tilespmem:s1+$0x1830] =	vst v21  }
0x6a: {  	s25 =	simm.s32 $0x200;
	v25 =	vmax.f32 v25, v26;
	v21 =	vld [tilespmem:s18+$0x30]  }
.LBB2_5:
0x6b: {  	p1 =	sne.s32 s25, $0x2F00;
	v26 =	vld [tilespmem:s18+$0xC30];
	[tilespmem:s1+$0x1800] =	vst v25  }
0x6c: {  	v25 =	vld [tilespmem:s18+$0x0];
	v22 =	vmax.f32 v22, v23  }
0x6d: {  	v27 =	vld [tilespmem:s18+$0xC00];
	[tilespmem:s1+$0x1810] =	vst v22  }
.Ltmp4:
0x6e: {  	v22 =	vld [tilespmem:s18+$0x10];
	v20 =	vmax.f32 v20, v24;
	(pc) =	sbr.rel @p1 .LBB2_5-.Ltmp4, $4  }
0x6f: {  	v23 =	vld [tilespmem:s18+$0xC10];
	[tilespmem:s1+$0x1820] =	vst v20;
	s1 =	smov.u32 s18  }
0x70: {  	v20 =	vld [tilespmem:s1+$0x20];
	v21 =	vmax.f32 v21, v26  }
0x71: {  	s18 =	sshra.s32 s25, $0x2;
	v24 =	vld [tilespmem:s1+$0xC20];
	[tilespmem:s1+$0x1830] =	vst v21  }
0x72: {  	s25 =	sadd.s32 $0x100, s25;
	v21 =	vld [tilespmem:s18+$0x30];
	v25 =	vmax.f32 v25, v27  }
0x73: {  	v26 =	vld [tilespmem:s18+$0xC30];
	[tilespmem:s1+$0x1800] =	vst v25  }
0x74: {  	v25 =	vld [tilespmem:s18+$0x0];
	v22 =	vmax.f32 v22, v23  }
0x75: {  	v23 =	vld [tilespmem:s18+$0xC00];
	[tilespmem:s1+$0x1810] =	vst v22  }
0x76: {  	v22 =	vld [tilespmem:s18+$0x10];
	v20 =	vmax.f32 v20, v24  }
0x77: {  	v24 =	vld [tilespmem:s18+$0xC10];
	[tilespmem:s1+$0x1820] =	vst v20  }
0x78: {  	v20 =	vld [tilespmem:s18+$0x20]  }
0x79: {  	v27 =	vld [tilespmem:s18+$0xC20];
	_ =	sdelay $0x1  }
0x7a: {  	v21 =	vmax.f32 v21, v26  }
0x7b: {  	[tilespmem:s18+$0x1830] =	vst v21;
	v21 =	vmax.f32 v25, v23  }
0x7c: {  	[tilespmem:s18+$0x1800] =	vst v21;
	v21 =	vmax.f32 v22, v24  }
0x7d: {  	[tilespmem:s18+$0x1810] =	vst v21;
	v20 =	vmax.f32 v20, v27  }
0x7e: {  	s26 =	simm.s32 $0x0;
	s28 =	rddreg [dreg:$0x9];
	[tilespmem:s18+$0x1820] =	vst v20  }
0x7f: {  	[hbm4b:s28+s26] =	stream.linear.scatter [tilespmem:s24], [sflag:$0x5], $0xC00, $0x38;
	[tilespmem:$0x1D500] =	vst v63  }
0x80: {  	_ =	swait.ge [sflag:s20], $0xC00  }
0x81: {  	[sflag:s20] =	ssyncset.done $0x0  }
0x82: {  	s30 =	rddreg [dreg:$0xa];
	[sflag:s20] =	ssyncadd.s32 $0xFFFFF400  }
0x83: {  	[tilespmem:s26], [sflag:$0x5] =	stream.linear.gather [hbm4b:s30+s26], $0xC00, $0x38;
	[tilespmem:$0x1D500] =	vst v63  }
0x84: {  	_ =	swait.ge [sflag:s20], $0xC00  }
0x85: {  	[sflag:s20] =	ssyncset.done $0x0  }
0x86: {  	s31 =	rddreg [dreg:$0xb];
	[sflag:s20] =	ssyncadd.s32 $0xFFFFF400  }
0x87: {  	[tilespmem:s21], [sflag:$0x5] =	stream.linear.gather [hbm4b:s31+s26], $0xC00, $0x38;
	[tilespmem:$0x1D500] =	vst v63  }
0x88: {  	_ =	swait.ge [sflag:s20], $0xC00  }
0x89: {  	[sflag:s20] =	ssyncset.done $0x0  }
0x8a: {  	s1 =	simm.s32 $0x0;
	[sflag:s20] =	ssyncadd.s32 $0xFFFFF400  }
0x8b: {  	v21 =	vld [tilespmem:s1+$0x30]  }
0x8c: {  	v24 =	vld [tilespmem:s1+$0xC30]  }
0x8d: {  	v25 =	vld [tilespmem:s1+$0x0]  }
0x8e: {  	v26 =	vld [tilespmem:s1+$0xC00]  }
0x8f: {  	v22 =	vld [tilespmem:s1+$0x10]  }
0x90: {  	v23 =	vld [tilespmem:s1+$0xC10]  }
0x91: {  	v20 =	vld [tilespmem:s1+$0x20];
	v21 =	vmax.f32 v21, v24  }
0x92: {  	s18 =	simm.s32 $0x40;
	v24 =	vld [tilespmem:s1+$0xC20];
	[tilespmem:s1+$0x1830] =	vst v21  }
0x93: {  	s25 =	simm.s32 $0x200;
	v25 =	vmax.f32 v25, v26;
	v21 =	vld [tilespmem:s18+$0x30]  }
.LBB2_7:
0x94: {  	p1 =	sne.s32 s25, $0x2F00;
	v26 =	vld [tilespmem:s18+$0xC30];
	[tilespmem:s1+$0x1800] =	vst v25  }
0x95: {  	v25 =	vld [tilespmem:s18+$0x0];
	v22 =	vmax.f32 v22, v23  }
0x96: {  	v27 =	vld [tilespmem:s18+$0xC00];
	[tilespmem:s1+$0x1810] =	vst v22  }
.Ltmp5:
0x97: {  	v22 =	vld [tilespmem:s18+$0x10];
	v20 =	vmax.f32 v20, v24;
	(pc) =	sbr.rel @p1 .LBB2_7-.Ltmp5, $4  }
0x98: {  	v23 =	vld [tilespmem:s18+$0xC10];
	[tilespmem:s1+$0x1820] =	vst v20;
	s1 =	smov.u32 s18  }
0x99: {  	v20 =	vld [tilespmem:s1+$0x20];
	v21 =	vmax.f32 v21, v26  }
0x9a: {  	s18 =	sshra.s32 s25, $0x2;
	v24 =	vld [tilespmem:s1+$0xC20];
	[tilespmem:s1+$0x1830] =	vst v21  }
0x9b: {  	s25 =	sadd.s32 $0x100, s25;
	v21 =	vld [tilespmem:s18+$0x30];
	v25 =	vmax.f32 v25, v27  }
0x9c: {  	v26 =	vld [tilespmem:s18+$0xC30];
	[tilespmem:s1+$0x1800] =	vst v25  }
0x9d: {  	v25 =	vld [tilespmem:s18+$0x0];
	v22 =	vmax.f32 v22, v23  }
0x9e: {  	v23 =	vld [tilespmem:s18+$0xC00];
	[tilespmem:s1+$0x1810] =	vst v22  }
0x9f: {  	v22 =	vld [tilespmem:s18+$0x10];
	v20 =	vmax.f32 v20, v24  }
0xa0: {  	v24 =	vld [tilespmem:s18+$0xC10];
	[tilespmem:s1+$0x1820] =	vst v20  }
0xa1: {  	v20 =	vld [tilespmem:s18+$0x20]  }
0xa2: {  	v27 =	vld [tilespmem:s18+$0xC20];
	_ =	sdelay $0x1  }
0xa3: {  	v21 =	vmax.f32 v21, v26  }
0xa4: {  	[tilespmem:s18+$0x1830] =	vst v21;
	v21 =	vmax.f32 v25, v23  }
0xa5: {  	[tilespmem:s18+$0x1800] =	vst v21;
	v21 =	vmax.f32 v22, v24  }
0xa6: {  	[tilespmem:s18+$0x1810] =	vst v21;
	v20 =	vmax.f32 v20, v27  }
0xa7: {  	s26 =	simm.s32 $0x0;
	s28 =	rddreg [dreg:$0xc];
	[tilespmem:s18+$0x1820] =	vst v20  }
0xa8: {  	[hbm4b:s28+s26] =	stream.linear.scatter [tilespmem:s24], [sflag:$0x5], $0xC00, $0x38;
	[tilespmem:$0x1D500] =	vst v63  }
0xa9: {  	_ =	swait.ge [sflag:s20], $0xC00  }
0xaa: {  	[sflag:s20] =	ssyncset.done $0x0  }
0xab: {  	s30 =	rddreg [dreg:$0xd];
	[sflag:s20] =	ssyncadd.s32 $0xFFFFF400  }
0xac: {  	[tilespmem:s26], [sflag:$0x5] =	stream.linear.gather [hbm4b:s30+s26], $0xC00, $0x38;
	[tilespmem:$0x1D500] =	vst v63  }
0xad: {  	_ =	swait.ge [sflag:s20], $0xC00  }
0xae: {  	[sflag:s20] =	ssyncset.done $0x0  }
0xaf: {  	s31 =	rddreg [dreg:$0xe];
	[sflag:s20] =	ssyncadd.s32 $0xFFFFF400  }
0xb0: {  	[tilespmem:s21], [sflag:$0x5] =	stream.linear.gather [hbm4b:s31+s26], $0xC00, $0x38;
	[tilespmem:$0x1D500] =	vst v63  }
0xb1: {  	_ =	swait.ge [sflag:s20], $0xC00  }
0xb2: {  	[sflag:s20] =	ssyncset.done $0x0  }
0xb3: {  	s1 =	simm.s32 $0x0;
	[sflag:s20] =	ssyncadd.s32 $0xFFFFF400  }
0xb4: {  	v21 =	vld [tilespmem:s1+$0x30]  }
0xb5: {  	v24 =	vld [tilespmem:s1+$0xC30]  }
0xb6: {  	v25 =	vld [tilespmem:s1+$0x0]  }
0xb7: {  	v26 =	vld [tilespmem:s1+$0xC00]  }
0xb8: {  	v22 =	vld [tilespmem:s1+$0x10]  }
0xb9: {  	v23 =	vld [tilespmem:s1+$0xC10]  }
0xba: {  	v20 =	vld [tilespmem:s1+$0x20];
	v21 =	vmax.f32 v21, v24  }
0xbb: {  	s18 =	simm.s32 $0x40;
	v24 =	vld [tilespmem:s1+$0xC20];
	[tilespmem:s1+$0x1830] =	vst v21  }
0xbc: {  	s25 =	simm.s32 $0x200;
	v25 =	vmax.f32 v25, v26;
	v21 =	vld [tilespmem:s18+$0x30]  }
.LBB2_9:
0xbd: {  	p1 =	sne.s32 s25, $0x2F00;
	v26 =	vld [tilespmem:s18+$0xC30];
	[tilespmem:s1+$0x1800] =	vst v25  }
0xbe: {  	v25 =	vld [tilespmem:s18+$0x0];
	v22 =	vmax.f32 v22, v23  }
0xbf: {  	v27 =	vld [tilespmem:s18+$0xC00];
	[tilespmem:s1+$0x1810] =	vst v22  }
.Ltmp6:
0xc0: {  	v22 =	vld [tilespmem:s18+$0x10];
	v20 =	vmax.f32 v20, v24;
	(pc) =	sbr.rel @p1 .LBB2_9-.Ltmp6, $4  }
0xc1: {  	v23 =	vld [tilespmem:s18+$0xC10];
	[tilespmem:s1+$0x1820] =	vst v20;
	s1 =	smov.u32 s18  }
0xc2: {  	v20 =	vld [tilespmem:s1+$0x20];
	v21 =	vmax.f32 v21, v26  }
0xc3: {  	s18 =	sshra.s32 s25, $0x2;
	v24 =	vld [tilespmem:s1+$0xC20];
	[tilespmem:s1+$0x1830] =	vst v21  }
0xc4: {  	s25 =	sadd.s32 $0x100, s25;
	v21 =	vld [tilespmem:s18+$0x30];
	v25 =	vmax.f32 v25, v27  }
0xc5: {  	v26 =	vld [tilespmem:s18+$0xC30];
	[tilespmem:s1+$0x1800] =	vst v25  }
0xc6: {  	v25 =	vld [tilespmem:s18+$0x0];
	v22 =	vmax.f32 v22, v23  }
0xc7: {  	v23 =	vld [tilespmem:s18+$0xC00];
	[tilespmem:s1+$0x1810] =	vst v22  }
0xc8: {  	v22 =	vld [tilespmem:s18+$0x10];
	v20 =	vmax.f32 v20, v24  }
0xc9: {  	v24 =	vld [tilespmem:s18+$0xC10];
	[tilespmem:s1+$0x1820] =	vst v20  }
0xca: {  	v20 =	vld [tilespmem:s18+$0x20]  }
0xcb: {  	v27 =	vld [tilespmem:s18+$0xC20];
	_ =	sdelay $0x1  }
0xcc: {  	v21 =	vmax.f32 v21, v26  }
0xcd: {  	[tilespmem:s18+$0x1830] =	vst v21;
	v21 =	vmax.f32 v25, v23  }
0xce: {  	[tilespmem:s18+$0x1800] =	vst v21;
	v21 =	vmax.f32 v22, v24  }
0xcf: {  	[tilespmem:s18+$0x1810] =	vst v21;
	v20 =	vmax.f32 v20, v27  }
0xd0: {  	s26 =	simm.s32 $0x0;
	s28 =	rddreg [dreg:$0xf];
	[tilespmem:s18+$0x1820] =	vst v20  }
0xd1: {  	[hbm4b:s28+s26] =	stream.linear.scatter [tilespmem:s24], [sflag:$0x5], $0xC00, $0x38;
	[tilespmem:$0x1D500] =	vst v63  }
0xd2: {  	_ =	swait.ge [sflag:s20], $0xC00  }
0xd3: {  	[sflag:s20] =	ssyncset.done $0x0  }
0xd4: {  	s30 =	rddreg [dreg:$0x10];
	[sflag:s20] =	ssyncadd.s32 $0xFFFFF400  }
0xd5: {  	[tilespmem:s26], [sflag:$0x5] =	stream.linear.gather [hbm4b:s30+s26], $0xC00, $0x38;
	[tilespmem:$0x1D500] =	vst v63  }
0xd6: {  	_ =	swait.ge [sflag:s20], $0xC00  }
0xd7: {  	[sflag:s20] =	ssyncset.done $0x0  }
0xd8: {  	s31 =	rddreg [dreg:$0x11];
	[sflag:s20] =	ssyncadd.s32 $0xFFFFF400  }
0xd9: {  	[tilespmem:s21], [sflag:$0x5] =	stream.linear.gather [hbm4b:s31+s26], $0xC00, $0x38;
	[tilespmem:$0x1D500] =	vst v63  }
0xda: {  	_ =	swait.ge [sflag:s20], $0xC00  }
0xdb: {  	[sflag:s20] =	ssyncset.done $0x0  }
0xdc: {  	s1 =	simm.s32 $0x0;
	[sflag:s20] =	ssyncadd.s32 $0xFFFFF400  }
0xdd: {  	v21 =	vld [tilespmem:s1+$0x30]  }
0xde: {  	v24 =	vld [tilespmem:s1+$0xC30]  }
0xdf: {  	v25 =	vld [tilespmem:s1+$0x0]  }
0xe0: {  	v26 =	vld [tilespmem:s1+$0xC00]  }
0xe1: {  	v22 =	vld [tilespmem:s1+$0x10]  }
0xe2: {  	v23 =	vld [tilespmem:s1+$0xC10]  }
0xe3: {  	v20 =	vld [tilespmem:s1+$0x20];
	v21 =	vmax.f32 v21, v24  }
0xe4: {  	s18 =	simm.s32 $0x40;
	v24 =	vld [tilespmem:s1+$0xC20];
	[tilespmem:s1+$0x1830] =	vst v21  }
0xe5: {  	s25 =	simm.s32 $0x200;
	v25 =	vmax.f32 v25, v26;
	v21 =	vld [tilespmem:s18+$0x30]  }
.LBB2_11:
0xe6: {  	p1 =	sne.s32 s25, $0x2F00;
	v26 =	vld [tilespmem:s18+$0xC30];
	[tilespmem:s1+$0x1800] =	vst v25  }
0xe7: {  	v25 =	vld [tilespmem:s18+$0x0];
	v22 =	vmax.f32 v22, v23  }
0xe8: {  	v27 =	vld [tilespmem:s18+$0xC00];
	[tilespmem:s1+$0x1810] =	vst v22  }
.Ltmp7:
0xe9: {  	v22 =	vld [tilespmem:s18+$0x10];
	v20 =	vmax.f32 v20, v24;
	(pc) =	sbr.rel @p1 .LBB2_11-.Ltmp7, $4  }
0xea: {  	v23 =	vld [tilespmem:s18+$0xC10];
	[tilespmem:s1+$0x1820] =	vst v20;
	s1 =	smov.u32 s18  }
0xeb: {  	v20 =	vld [tilespmem:s1+$0x20];
	v21 =	vmax.f32 v21, v26  }
0xec: {  	s18 =	sshra.s32 s25, $0x2;
	v24 =	vld [tilespmem:s1+$0xC20];
	[tilespmem:s1+$0x1830] =	vst v21  }
0xed: {  	s25 =	sadd.s32 $0x100, s25;
	v21 =	vld [tilespmem:s18+$0x30];
	v25 =	vmax.f32 v25, v27  }
0xee: {  	v26 =	vld [tilespmem:s18+$0xC30];
	[tilespmem:s1+$0x1800] =	vst v25  }
0xef: {  	v25 =	vld [tilespmem:s18+$0x0];
	v22 =	vmax.f32 v22, v23  }
0xf0: {  	v23 =	vld [tilespmem:s18+$0xC00];
	[tilespmem:s1+$0x1810] =	vst v22  }
0xf1: {  	v22 =	vld [tilespmem:s18+$0x10];
	v20 =	vmax.f32 v20, v24  }
0xf2: {  	v24 =	vld [tilespmem:s18+$0xC10];
	[tilespmem:s1+$0x1820] =	vst v20  }
0xf3: {  	v20 =	vld [tilespmem:s18+$0x20]  }
0xf4: {  	v27 =	vld [tilespmem:s18+$0xC20];
	_ =	sdelay $0x1  }
0xf5: {  	v21 =	vmax.f32 v21, v26  }
0xf6: {  	[tilespmem:s18+$0x1830] =	vst v21;
	v21 =	vmax.f32 v25, v23  }
0xf7: {  	[tilespmem:s18+$0x1800] =	vst v21;
	v21 =	vmax.f32 v22, v24  }
0xf8: {  	[tilespmem:s18+$0x1810] =	vst v21;
	v20 =	vmax.f32 v20, v27  }
0xf9: {  	s26 =	simm.s32 $0x0;
	s28 =	rddreg [dreg:$0x13];
	[tilespmem:s18+$0x1820] =	vst v20  }
0xfa: {  	[hbm4b:s28+s26] =	stream.linear.scatter [tilespmem:s24], [sflag:$0x5], $0xC00, $0x38;
	[tilespmem:$0x1D500] =	vst v63  }
0xfb: {  	_ =	swait.ge [sflag:s20], $0xC00  }
0xfc: {  	[sflag:s20] =	ssyncset.done $0x0  }
0xfd: {  	s30 =	rddreg [dreg:$0x14];
	[sflag:s20] =	ssyncadd.s32 $0xFFFFF400  }
0xfe: {  	[tilespmem:s26], [sflag:$0x5] =	stream.linear.gather [hbm4b:s30+s26], $0x580, $0x38;
	[tilespmem:$0x1D500] =	vst v63  }
0xff: {  	_ =	swait.ge [sflag:s20], $0x580  }
0x100: {  	[sflag:s20] =	ssyncset.done $0x0  }
0x101: {  	s31 =	rddreg [dreg:$0x15];
	[sflag:s20] =	ssyncadd.s32 $0xFFFFFA80  }
0x102: {  	[tilespmem:s21], [sflag:$0x5] =	stream.linear.gather [hbm4b:s31+s26], $0x580, $0x38;
	[tilespmem:$0x1D500] =	vst v63  }
0x103: {  	_ =	swait.ge [sflag:s20], $0x580  }
0x104: {  	[sflag:s20] =	ssyncset.done $0x0  }
0x105: {  	s1 =	simm.s32 $0x0;
	[sflag:s20] =	ssyncadd.s32 $0xFFFFFA80  }
0x106: {  	v21 =	vld [tilespmem:s1+$0x30]  }
0x107: {  	v24 =	vld [tilespmem:s1+$0xC30]  }
0x108: {  	v25 =	vld [tilespmem:s1+$0x0]  }
0x109: {  	v26 =	vld [tilespmem:s1+$0xC00]  }
0x10a: {  	v22 =	vld [tilespmem:s1+$0x10]  }
0x10b: {  	v23 =	vld [tilespmem:s1+$0xC10]  }
0x10c: {  	v20 =	vld [tilespmem:s1+$0x20];
	v21 =	vmax.f32 v21, v24  }
0x10d: {  	s18 =	simm.s32 $0x40;
	v24 =	vld [tilespmem:s1+$0xC20];
	[tilespmem:s1+$0x1830] =	vst v21  }
0x10e: {  	s25 =	simm.s32 $0x200;
	v25 =	vmax.f32 v25, v26;
	v21 =	vld [tilespmem:s18+$0x30]  }
.LBB2_13:
0x10f: {  	p1 =	sne.s32 s25, $0x1500;
	v26 =	vld [tilespmem:s18+$0xC30];
	[tilespmem:s1+$0x1800] =	vst v25  }
0x110: {  	v25 =	vld [tilespmem:s18+$0x0];
	v22 =	vmax.f32 v22, v23  }
0x111: {  	v27 =	vld [tilespmem:s18+$0xC00];
	[tilespmem:s1+$0x1810] =	vst v22  }
.Ltmp8:
0x112: {  	v22 =	vld [tilespmem:s18+$0x10];
	v20 =	vmax.f32 v20, v24;
	(pc) =	sbr.rel @p1 .LBB2_13-.Ltmp8, $4  }
0x113: {  	v23 =	vld [tilespmem:s18+$0xC10];
	[tilespmem:s1+$0x1820] =	vst v20;
	s1 =	smov.u32 s18  }
0x114: {  	v20 =	vld [tilespmem:s1+$0x20];
	v21 =	vmax.f32 v21, v26  }
0x115: {  	s18 =	sshra.s32 s25, $0x2;
	v24 =	vld [tilespmem:s1+$0xC20];
	[tilespmem:s1+$0x1830] =	vst v21  }
0x116: {  	s25 =	sadd.s32 $0x100, s25;
	v21 =	vld [tilespmem:s18+$0x30];
	v25 =	vmax.f32 v25, v27  }
0x117: {  	v26 =	vld [tilespmem:s18+$0xC30];
	[tilespmem:s1+$0x1800] =	vst v25  }
0x118: {  	v25 =	vld [tilespmem:s18+$0x0];
	v22 =	vmax.f32 v22, v23  }
0x119: {  	v60 =	vld [tilespmem:s18+$0xC00];
	[tilespmem:s1+$0x1810] =	vst v22  }
0x11a: {  	v22 =	vld [tilespmem:s18+$0x10];
	v20 =	vmax.f32 v20, v24  }
0x11b: {  	v61 =	vld [tilespmem:s18+$0xC10];
	[tilespmem:s1+$0x1820] =	vst v20  }
0x11c: {  	v20 =	vld [tilespmem:s18+$0x20]  }
0x11d: {  	v27 =	vld [tilespmem:s18+$0xC20];
	_ =	sdelay $0x1  }
0x11e: {  	v21 =	vmax.f32 v21, v26  }
0x11f: {  	[tilespmem:s18+$0x1830] =	vst v21;
	v62 =	vmax.f32 v25, v60  }
0x120: {  	[tilespmem:s18+$0x1800] =	vst v62;
	v63 =	vmax.f32 v22, v61  }
0x121: {  	[tilespmem:s18+$0x1810] =	vst v63;
	v20 =	vmax.f32 v20, v27  }
0x122: {  	s31 =	rddreg [dreg:$0x16];
	[tilespmem:s18+$0x1820] =	vst v20  }
0x123: {  	[hbm4b:s31+s3] =	stream.linear.scatter [tilespmem:s24], [sflag:$0x5], $0x580, $0x38;
	[tilespmem:$0x1D500] =	vst v63  }
0x124: {  	_ =	swait.ge [sflag:s20], $0x580  }
0x125: {  	[sflag:s20] =	ssyncset.done $0x0  }
0x126: {  	[sflag:s20] =	ssyncadd.s32 $0xFFFFFA80  }
.LBB2_15:
0x127: {  	[bflag:$0x0] =	sbarrier.arrive $0xFFFF  }
0x128: {  	s1 =	simm.s32 $0x0;
	s18 =	rddreg [dreg:$0x17]  }
0x129: {  	[tilespmem:s4], [sflag:$0x5] =	stream.linear.gather [hbm4b:s18+s1], $0x6400, $0x38;
	[tilespmem:$0x1D500] =	vst v63  }
0x12a: {  	_ =	swait.ge [sflag:s20], $0x6400  }
0x12b: {  	[sflag:s20] =	ssyncset.done $0x0  }
0x12c: {  	[sflag:s20] =	ssyncadd.s32 $0xFFFF9C00  }
0x12d: {  	[tilespmem:s7], [sflag:$0x1] =	stream.indirect.gather [hbm4b:s0+s5], $0x80, s4, s5, $0xb8;
	[tilespmem:$0x1D500] =	vst v63  }
0x12e: {  	s20 =	simm.s32 $0x2480  }
0x12f: {  	[tilespmem:s10], [sflag:$0x1] =	stream.indirect.gather [hbm4b:s0+s8], $0x80, s20, s8, $0xb8;
	[tilespmem:$0x1D500] =	vst v63  }
0x130: {  	s21 =	simm.s32 $0x24C8  }
0x131: {  	[tilespmem:s12], [sflag:$0x2] =	stream.indirect.gather [hbm4b:s0+s5], $0x80, s21, s5, $0xb8;
	[tilespmem:$0x1D500] =	vst v63  }
0x132: {  	s24 =	simm.s32 $0x2548  }
0x133: {  	[tilespmem:s14], [sflag:$0x2] =	stream.indirect.gather [hbm4b:s0+s8], $0x80, s24, s8, $0xb8;
	[tilespmem:$0x1D500] =	vst v63  }
0x134: {  	_ =	swait.ge [sflag:s15], $0x4000  }
0x135: {  	[sflag:s15] =	ssyncset.done $0x0  }
0x136: {  	[sflag:s15] =	ssyncadd.s32 $0xFFFFC000  }
0x137: {  	_ =	swait.ge [sflag:s15], $0x2400  }
0x138: {  	[sflag:s15] =	ssyncset.done $0x0  }
0x139: {  	s25 =	rddreg [dreg:$0x12];
	[sflag:s15] =	ssyncadd.s32 $0xFFFFDC00  }
0x13a: {  	[hbm4b:s25+s3] =	stream.linear.scatter [tilespmem:s7], [sflag:$0x3], $0x6400, $0x38;
	[tilespmem:$0x1D500] =	vst v63  }
0x13b: {  	_ =	swait.ge [sflag:s16], $0x6400  }
0x13c: {  	[sflag:s16] =	ssyncset.done $0x0  }
0x13d: {  	s26 =	simm.s32 $0x2590;
	[sflag:s16] =	ssyncadd.s32 $0xFFFF9C00  }
0x13e: {  	[tilespmem:s7], [sflag:$0x1] =	stream.indirect.gather [hbm4b:s0+s5], $0x80, s26, s5, $0xb8;
	[tilespmem:$0x1D500] =	vst v63  }
0x13f: {  	s28 =	simm.s32 $0x2610  }
0x140: {  	[tilespmem:s10], [sflag:$0x1] =	stream.indirect.gather [hbm4b:s0+s8], $0x80, s28, s8, $0xb8;
	[tilespmem:$0x1D500] =	vst v63  }
0x141: {  	_ =	swait.ge [sflag:s17], $0x4000  }
0x142: {  	[sflag:s17] =	ssyncset.done $0x0  }
0x143: {  	[sflag:s17] =	ssyncadd.s32 $0xFFFFC000  }
0x144: {  	_ =	swait.ge [sflag:s17], $0x2400  }
0x145: {  	[sflag:s17] =	ssyncset.done $0x0  }
0x146: {  	s30 =	sadd.s32 $0xC80, s25;
	[sflag:s17] =	ssyncadd.s32 $0xFFFFDC00  }
0x147: {  	[hbm4b:s30+s3] =	stream.linear.scatter [tilespmem:s12], [sflag:$0x4], $0x6400, $0x38;
	[tilespmem:$0x1D500] =	vst v63  }
0x148: {  	_ =	swait.ge [sflag:s19], $0x6400  }
0x149: {  	s31 =	simm.s32 $0x2658;
	s1 =	simm.s32 $0x640;
	[sflag:s19] =	ssyncset.done $0x0  }
0x14a: {  	s20 =	simm.s32 $0x26D8;
	s18 =	sadd.s32 $0x1900, s25;
	[sflag:s19] =	ssyncadd.s32 $0xFFFF9C00  }
0x14b: {  	[tilespmem:s12], [sflag:$0x2] =	stream.indirect.gather [hbm4b:s0+s5], $0x80, s31, s5, $0xb8;
	[tilespmem:$0x1D500] =	vst v63  }
.LBB2_16:
0x14c: {  	[tilespmem:s14], [sflag:$0x2] =	stream.indirect.gather [hbm4b:s0+s8], $0x80, s20, s8, $0xb8;
	[tilespmem:$0x1D500] =	vst v63  }
0x14d: {  	s20 =	smov.u32 s1  }
0x14e: {  	p1 =	sne.s32 s1, $0x18380;
	s1 =	sadd.s32 $0x640, s1;
	_ =	swait.ge [sflag:s15], $0x4000  }
0x14f: {  	[sflag:s15] =	ssyncset.done $0x0  }
0x150: {  	[sflag:s15] =	ssyncadd.s32 $0xFFFFC000  }
0x151: {  	_ =	swait.ge [sflag:s15], $0x2400  }
0x152: {  	[sflag:s15] =	ssyncset.done $0x0  }
0x153: {  	[sflag:s15] =	ssyncadd.s32 $0xFFFFDC00  }
0x154: {  	[hbm4b:s18+s3] =	stream.linear.scatter [tilespmem:s7], [sflag:$0x3], $0x6400, $0x38;
	[tilespmem:$0x1D500] =	vst v63  }
0x155: {  	_ =	swait.ge [sflag:s16], $0x6400  }
0x156: {  	s20 =	sshra.s32 s20, $0x2;
	[sflag:s16] =	ssyncset.done $0x0  }
0x157: {  	s21 =	sadd.s32 $0x2590, s20;
	[sflag:s16] =	ssyncadd.s32 $0xFFFF9C00  }
0x158: {  	[tilespmem:s7], [sflag:$0x1] =	stream.indirect.gather [hbm4b:s0+s5], $0x80, s21, s5, $0xb8;
	[tilespmem:$0x1D500] =	vst v63  }
0x159: {  	s21 =	sadd.s32 $0x2610, s20  }
0x15a: {  	[tilespmem:s10], [sflag:$0x1] =	stream.indirect.gather [hbm4b:s0+s8], $0x80, s21, s8, $0xb8;
	[tilespmem:$0x1D500] =	vst v63  }
0x15b: {  	_ =	swait.ge [sflag:s17], $0x4000  }
0x15c: {  	[sflag:s17] =	ssyncset.done $0x0  }
0x15d: {  	[sflag:s17] =	ssyncadd.s32 $0xFFFFC000  }
0x15e: {  	_ =	swait.ge [sflag:s17], $0x2400  }
0x15f: {  	[sflag:s17] =	ssyncset.done $0x0  }
0x160: {  	s21 =	sadd.s32 $0xC80, s18;
	[sflag:s17] =	ssyncadd.s32 $0xFFFFDC00  }
0x161: {  	[hbm4b:s21+s3] =	stream.linear.scatter [tilespmem:s12], [sflag:$0x4], $0x6400, $0x38;
	[tilespmem:$0x1D500] =	vst v63  }
.Ltmp9:
0x162: {  	_ =	swait.ge [sflag:s19], $0x6400;
	(pc) =	sbr.rel @p1 .LBB2_16-.Ltmp9, $4  }
0x163: {  	[sflag:s19] =	ssyncset.done $0x0  }
0x164: {  	s21 =	sadd.s32 $0x2658, s20;
	[sflag:s19] =	ssyncadd.s32 $0xFFFF9C00  }
0x165: {  	[tilespmem:s12], [sflag:$0x2] =	stream.indirect.gather [hbm4b:s0+s5], $0x80, s21, s5, $0xb8;
	[tilespmem:$0x1D500] =	vst v63  }
0x166: {  	s18 =	sadd.s32 $0x1900, s18;
	s20 =	sadd.s32 $0x26D8, s20  }
0x167: {  	[tilespmem:s14], [sflag:$0x2] =	stream.indirect.gather [hbm4b:s0+s8], $0x80, s20, s8, $0xb8;
	[tilespmem:$0x1D500] =	vst v63  }
0x168: {  	_ =	swait.ge [sflag:s15], $0x4000  }
0x169: {  	[sflag:s15] =	ssyncset.done $0x0  }
0x16a: {  	[sflag:s15] =	ssyncadd.s32 $0xFFFFC000  }
0x16b: {  	_ =	swait.ge [sflag:s15], $0x2400  }
0x16c: {  	[sflag:s15] =	ssyncset.done $0x0  }
0x16d: {  	s25 =	simm.s32 $0x0;
	s1 =	rddreg [dreg:$0x19];
	[sflag:s15] =	ssyncadd.s32 $0xFFFFDC00  }
0x16e: {  	[hbm4b:s1+s25] =	stream.linear.scatter [tilespmem:s7], [sflag:$0x3], $0x6400, $0x38;
	[tilespmem:$0x1D500] =	vst v63  }
0x16f: {  	_ =	swait.ge [sflag:s17], $0x4000  }
0x170: {  	[sflag:s17] =	ssyncset.done $0x0  }
0x171: {  	[sflag:s17] =	ssyncadd.s32 $0xFFFFC000  }
0x172: {  	_ =	swait.ge [sflag:s17], $0x2400  }
0x173: {  	[sflag:s17] =	ssyncset.done $0x0  }
0x174: {  	s30 =	rddreg [dreg:$0x1a];
	[sflag:s17] =	ssyncadd.s32 $0xFFFFDC00  }
0x175: {  	[hbm4b:s30+s25] =	stream.linear.scatter [tilespmem:s12], [sflag:$0x4], $0x6400, $0x38;
	[tilespmem:$0x1D500] =	vst v63  }
0x176: {  	_ =	swait.ge [sflag:s16], $0x6400  }
0x177: {  	[sflag:s16] =	ssyncset.done $0x0  }
0x178: {  	[sflag:s16] =	ssyncadd.s32 $0xFFFF9C00  }
0x179: {  	_ =	swait.ge [sflag:s19], $0x6400  }
0x17a: {  	[sflag:s19] =	ssyncset.done $0x0  }
0x17b: {  	[sflag:s19] =	ssyncadd.s32 $0xFFFF9C00  }
0x17c: {  	v20 =	vld.idx.msk [tilespmem:v0+s4+$0x0], $0xffff;
	_ =	sdelay $0x4  }
0x17d: {  	[tilespmem:$0x15000] =	vst v20  }
0x17e: {  	v20 =	vld.idx.msk [tilespmem:v1+s4+$0x0], $0xffff;
	_ =	sdelay $0x4  }
0x17f: {  	[tilespmem:$0x15010] =	vst v20  }
0x180: {  	v20 =	vld.idx.msk [tilespmem:v2+s4+$0x0], $0xffff;
	_ =	sdelay $0x4  }
0x181: {  	[tilespmem:$0x15020] =	vst v20  }
0x182: {  	v20 =	vld.idx.msk [tilespmem:v3+s4+$0x0], $0xffff;
	_ =	sdelay $0x4  }
0x183: {  	[tilespmem:$0x15030] =	vst v20  }
0x184: {  	v20 =	vld.idx.msk [tilespmem:v4+s4+$0x0], $0xffff;
	_ =	sdelay $0x4  }
0x185: {  	[tilespmem:$0x15040] =	vst v20  }
0x186: {  	v20 =	vld.idx.msk [tilespmem:v5+s4+$0x0], $0xffff;
	_ =	sdelay $0x4  }
0x187: {  	[tilespmem:$0x15050] =	vst v20  }
0x188: {  	v20 =	vld.idx.msk [tilespmem:v6+s4+$0x0], $0xffff;
	_ =	sdelay $0x4  }
0x189: {  	[tilespmem:$0x15060] =	vst v20  }
0x18a: {  	v20 =	vld.idx.msk [tilespmem:v7+s4+$0x0], $0xffff;
	_ =	sdelay $0x4  }
0x18b: {  	s31 =	simm.s32 $0x15000;
	s18 =	simm.s32 $0x15100;
	[tilespmem:$0x15070] =	vst v20  }
0x18c: {  	[tilespmem:s18], [sflag:$0x1] =	stream.indirect.gather [hbm4b:s6+s5], $0x40, s31, s5, $0xb8;
	[tilespmem:$0x1D500] =	vst v63  }
0x18d: {  	v20 =	vld.idx.msk [tilespmem:v8+s4+$0x0], $0xffff;
	_ =	sdelay $0x4  }
0x18e: {  	[tilespmem:$0x15080] =	vst v20  }
0x18f: {  	v20 =	vld.idx.msk [tilespmem:v9+s4+$0x0], $0xffff;
	_ =	sdelay $0x4  }
0x190: {  	[tilespmem:$0x15090] =	vst v20  }
0x191: {  	v20 =	vld.idx.msk [tilespmem:v10+s4+$0x0], $0xffff;
	_ =	sdelay $0x4  }
0x192: {  	[tilespmem:$0x150A0] =	vst v20  }
0x193: {  	v20 =	vld.idx.msk [tilespmem:v11+s4+$0x0], $0xffff;
	_ =	sdelay $0x4  }
0x194: {  	[tilespmem:$0x150B0] =	vst v20  }
0x195: {  	v20 =	vld.idx.msk [tilespmem:v12+s4+$0x0], $0xffff;
	_ =	sdelay $0x4  }
0x196: {  	[tilespmem:$0x150C0] =	vst v20  }
0x197: {  	v20 =	vld.idx.msk [tilespmem:v14+s4+$0x0], $0xffff;
	_ =	sdelay $0x4  }
0x198: {  	[tilespmem:$0x150D0] =	vst v20  }
0x199: {  	v20 =	vld.idx.msk [tilespmem:v15+s4+$0x0], $0xffff;
	_ =	sdelay $0x4  }
0x19a: {  	[tilespmem:$0x150E0] =	vst v20  }
0x19b: {  	v20 =	vld.idx.msk [tilespmem:v16+s4+$0x0], $0xffff;
	_ =	sdelay $0x4  }
0x19c: {  	s26 =	simm.s32 $0x0;
	[tilespmem:$0x150F0] =	vst v20  }
0x19d: {  	[tilespmem:s9], [sflag:$0x2] =	stream.indirect.gather [hbm4b:s6+s5], $0x40, s22, s5, $0xb8;
	[tilespmem:$0x1D500] =	vst v63  }
.LBB2_18:
0x19e: {  	_ =	swait.ge [sflag:s15], $0x2000  }
0x19f: {  	p1 =	seq.s32 s26, $0x0;
	[sflag:s15] =	ssyncset.done $0x0  }
0x1a0: {  	s1 =	simm.s32 @!p1 $0x3;
	[sflag:s15] =	ssyncadd.s32 $0xFFFFE000  }
0x1a1: {  	_ =	swait.ge @!p1 [sflag:s1], $0x2000  }
0x1a2: {  	v20 =	vmov s25;
	[sflag:s1] =	ssyncset.done @!p1 $0x0  }
0x1a3: {  	v21 =	vand.u32 $0x7F, v20;
	[sflag:s1] =	ssyncadd.s32 @!p1 $0xFFFFE000;
	s1 =	simm.s32 $0x15120  }
0x1a4: {  	v22 =	vadd.s32 v13, v21;
	v20 =	vld [tilespmem:s1+$0xFFFFFFE0];
	_ =	sdelay $0x4  }
0x1a5: {  	[tilespmem:v22+s11+$0x0] =	vst.idx.msk $0xffff, v20  }
0x1a6: {  	v22 =	vadd.s32 v17, v21;
	v20 =	vld [tilespmem:s1+$0xFFFFFFF0];
	_ =	sdelay $0x4  }
0x1a7: {  	[tilespmem:v22+s11+$0x0] =	vst.idx.msk $0xffff, v20  }
0x1a8: {  	v22 =	vadd.s32 v18, v21;
	v20 =	vld [tilespmem:s1+$0x0];
	_ =	sdelay $0x4  }
0x1a9: {  	[tilespmem:v22+s11+$0x0] =	vst.idx.msk $0xffff, v20  }
0x1aa: {  	v21 =	vadd.s32 v19, v21;
	v20 =	vld [tilespmem:s1+$0x10];
	_ =	sdelay $0x2  }
0x1ab: {  	s18 =	simm.s32 $0x1  }
0x1ac: {  	s28 =	sshll.u32 s26, $0x1;
	v22 =	vmov s18;
	s18 =	simm.s32 $0x2  }
.LBB2_19:
0x1ad: {  	p2 =	sne.s32 s18, $0x7F;
	v22 =	vand.u32 $0x7F, v22;
	[tilespmem:v21+s11+$0x0] =	vst.idx.msk $0xffff, v20;
	s1 =	sadd.s32 $0x40, s1  }
0x1ae: {  	v20 =	vld [tilespmem:s1+$0xFFFFFFE0];
	v21 =	vadd.s32 v13, v22;
	_ =	sdelay $0x4  }
0x1af: {  	[tilespmem:v21+s11+$0x0] =	vst.idx.msk $0xffff, v20  }
0x1b0: {  	v21 =	vadd.s32 v17, v22;
	v20 =	vld [tilespmem:s1+$0xFFFFFFF0];
	_ =	sdelay $0x4  }
0x1b1: {  	[tilespmem:v21+s11+$0x0] =	vst.idx.msk $0xffff, v20  }
0x1b2: {  	v21 =	vadd.s32 v18, v22;
	v20 =	vld [tilespmem:s1+$0x0];
	_ =	sdelay $0x4  }
0x1b3: {  	[tilespmem:v21+s11+$0x0] =	vst.idx.msk $0xffff, v20  }
.Ltmp10:
0x1b4: {  	v21 =	vadd.s32 v19, v22;
	v20 =	vld [tilespmem:s1+$0x10];
	(pc) =	sbr.rel @p2 .LBB2_19-.Ltmp10, $2  }
0x1b5: {  	_ =	sdelay $0x2  }
0x1b6: {  	v22 =	vmov s18;
	s18 =	sadd.s32 $0x1, s18  }
0x1b7: {  	_ =	sdelay $0x3  }
0x1b8: {  	v22 =	vand.u32 $0x7F, v22;
	[tilespmem:v21+s11+$0x0] =	vst.idx.msk $0xffff, v20;
	s1 =	sadd.s32 $0x40, s1  }
0x1b9: {  	v20 =	vld [tilespmem:s1+$0xFFFFFFE0];
	v60 =	vadd.s32 v13, v22;
	_ =	sdelay $0x4  }
0x1ba: {  	[tilespmem:v60+s11+$0x0] =	vst.idx.msk $0xffff, v20  }
0x1bb: {  	v61 =	vadd.s32 v17, v22;
	v20 =	vld [tilespmem:s1+$0xFFFFFFF0];
	_ =	sdelay $0x4  }
0x1bc: {  	[tilespmem:v61+s11+$0x0] =	vst.idx.msk $0xffff, v20  }
0x1bd: {  	v62 =	vadd.s32 v18, v22;
	v20 =	vld [tilespmem:s1+$0x0];
	_ =	sdelay $0x4  }
0x1be: {  	[tilespmem:v62+s11+$0x0] =	vst.idx.msk $0xffff, v20  }
0x1bf: {  	v63 =	vadd.s32 v19, v22;
	v20 =	vld [tilespmem:s1+$0x10];
	_ =	sdelay $0x2  }
0x1c0: {  	s18 =	sshll.u32 s26, $0x10  }
0x1c1: {  	s31 =	sor.u32 s23, s18  }
0x1c2: {  	s20 =	simm.s32 $0x19100;
	s18 =	sadd.s32 s2, s31;
	[tilespmem:v63+s11+$0x0] =	vst.idx.msk $0xffff, v20  }
0x1c3: {  	[hbm4b:s18+s3] =	stream.linear.scatter [tilespmem:s20], [sflag:$0x3], $0x80, $0x38;
	[tilespmem:$0x1D500] =	vst v63  }
0x1c4: {  	s21 =	simm.s32 $0x19188;
	s20 =	sadd.s32 $0x10, s18  }
0x1c5: {  	[hbm4b:s20+s3] =	stream.linear.scatter [tilespmem:s21], [sflag:$0x3], $0x80, $0x38;
	[tilespmem:$0x1D500] =	vst v63  }
0x1c6: {  	s24 =	simm.s32 $0x19210;
	s30 =	sadd.s32 $0x20, s18  }
0x1c7: {  	[hbm4b:s30+s3] =	stream.linear.scatter [tilespmem:s24], [sflag:$0x3], $0x80, $0x38;
	[tilespmem:$0x1D500] =	vst v63  }
0x1c8: {  	s20 =	simm.s32 $0x19298;
	s21 =	sadd.s32 $0x30, s18  }
0x1c9: {  	[hbm4b:s21+s3] =	stream.linear.scatter [tilespmem:s20], [sflag:$0x3], $0x80, $0x38;
	[tilespmem:$0x1D500] =	vst v63  }
0x1ca: {  	s24 =	simm.s32 $0x19320;
	s30 =	sadd.s32 $0x40, s18  }
0x1cb: {  	[hbm4b:s30+s3] =	stream.linear.scatter [tilespmem:s24], [sflag:$0x3], $0x80, $0x38;
	[tilespmem:$0x1D500] =	vst v63  }
0x1cc: {  	s1 =	simm.s32 $0x440;
	s20 =	simm.s32 $0x193A8;
	s21 =	sadd.s32 $0x50, s18  }
0x1cd: {  	[hbm4b:s21+s3] =	stream.linear.scatter [tilespmem:s20], [sflag:$0x3], $0x80, $0x38;
	[tilespmem:$0x1D500] =	vst v63  }
0x1ce: {  	s24 =	simm.s32 $0x19430;
	s30 =	sadd.s32 $0x60, s18;
	s20 =	simm.s32 $0x194B8  }
0x1cf: {  	[hbm4b:s30+s3] =	stream.linear.scatter [tilespmem:s24], [sflag:$0x3], $0x80, $0x38;
	[tilespmem:$0x1D500] =	vst v63  }
0x1d0: {  	s21 =	sadd.s32 $0x70, s18;
	s18 =	sadd.s32 $0x1000, s18;
	s24 =	simm.s32 $0x2200  }
.LBB2_21:
0x1d1: {  	[hbm4b:s21+s3] =	stream.linear.scatter [tilespmem:s20], [sflag:$0x3], $0x80, $0x38;
	[tilespmem:$0x1D500] =	vst v63  }
0x1d2: {  	s20 =	smov.u32 s1;
	s1 =	smov.u32 s24  }
0x1d3: {  	s30 =	sadd.s32 $0x1100, s24;
	s1 =	sshra.s32 s1, $0x2;
	s21 =	sadd.s32 $0x19100, s20  }
0x1d4: {  	[hbm4b:s18+s3] =	stream.linear.scatter [tilespmem:s21], [sflag:$0x3], $0x80, $0x38;
	[tilespmem:$0x1D500] =	vst v63  }
0x1d5: {  	p2 =	sne.s32 s24, $0x7700;
	s24 =	sadd.s32 $0x10, s18;
	s21 =	sadd.s32 $0x19188, s20  }
0x1d6: {  	[hbm4b:s24+s3] =	stream.linear.scatter [tilespmem:s21], [sflag:$0x3], $0x80, $0x38;
	[tilespmem:$0x1D500] =	vst v63  }
0x1d7: {  	s21 =	sadd.s32 $0x19210, s20;
	s24 =	sadd.s32 $0x20, s18  }
0x1d8: {  	[hbm4b:s24+s3] =	stream.linear.scatter [tilespmem:s21], [sflag:$0x3], $0x80, $0x38;
	[tilespmem:$0x1D500] =	vst v63  }
0x1d9: {  	s21 =	sadd.s32 $0x19298, s20;
	s24 =	sadd.s32 $0x30, s18  }
0x1da: {  	[hbm4b:s24+s3] =	stream.linear.scatter [tilespmem:s21], [sflag:$0x3], $0x80, $0x38;
	[tilespmem:$0x1D500] =	vst v63  }
0x1db: {  	s21 =	sadd.s32 $0x19320, s20;
	s24 =	sadd.s32 $0x40, s18  }
0x1dc: {  	[hbm4b:s24+s3] =	stream.linear.scatter [tilespmem:s21], [sflag:$0x3], $0x80, $0x38;
	[tilespmem:$0x1D500] =	vst v63  }
.Ltmp11:
0x1dd: {  	s21 =	sadd.s32 $0x193A8, s20;
	s24 =	sadd.s32 $0x50, s18;
	(pc) =	sbr.rel @p2 .LBB2_21-.Ltmp11, $4  }
0x1de: {  	[hbm4b:s24+s3] =	stream.linear.scatter [tilespmem:s21], [sflag:$0x3], $0x80, $0x38;
	[tilespmem:$0x1D500] =	vst v63  }
0x1df: {  	s21 =	sadd.s32 $0x19430, s20;
	s24 =	sadd.s32 $0x60, s18;
	s20 =	sadd.s32 $0x194B8, s20  }
0x1e0: {  	[hbm4b:s24+s3] =	stream.linear.scatter [tilespmem:s21], [sflag:$0x3], $0x80, $0x38;
	[tilespmem:$0x1D500] =	vst v63  }
0x1e1: {  	s21 =	sadd.s32 $0x70, s18;
	s18 =	sadd.s32 $0x1000, s18;
	s24 =	smov.u32 s30  }
0x1e2: {  	[hbm4b:s21+s3] =	stream.linear.scatter [tilespmem:s20], [sflag:$0x3], $0x80, $0x38;
	[tilespmem:$0x1D500] =	vst v63  }
0x1e3: {  	s21 =	sadd.s32 $0x19100, s1  }
0x1e4: {  	[hbm4b:s18+s3] =	stream.linear.scatter [tilespmem:s21], [sflag:$0x3], $0x80, $0x38;
	[tilespmem:$0x1D500] =	vst v63  }
0x1e5: {  	s24 =	sadd.s32 $0x19188, s1;
	s30 =	sadd.s32 $0x10, s18  }
0x1e6: {  	[hbm4b:s30+s3] =	stream.linear.scatter [tilespmem:s24], [sflag:$0x3], $0x80, $0x38;
	[tilespmem:$0x1D500] =	vst v63  }
0x1e7: {  	s24 =	sadd.s32 $0x19210, s1;
	s30 =	sadd.s32 $0x20, s18  }
0x1e8: {  	[hbm4b:s30+s3] =	stream.linear.scatter [tilespmem:s24], [sflag:$0x3], $0x80, $0x38;
	[tilespmem:$0x1D500] =	vst v63  }
0x1e9: {  	s24 =	sadd.s32 $0x19298, s1;
	s30 =	sadd.s32 $0x30, s18  }
0x1ea: {  	[hbm4b:s30+s3] =	stream.linear.scatter [tilespmem:s24], [sflag:$0x3], $0x80, $0x38;
	[tilespmem:$0x1D500] =	vst v63  }
0x1eb: {  	s24 =	sadd.s32 $0x19320, s1;
	s30 =	sadd.s32 $0x40, s18  }
0x1ec: {  	[hbm4b:s30+s3] =	stream.linear.scatter [tilespmem:s24], [sflag:$0x3], $0x80, $0x38;
	[tilespmem:$0x1D500] =	vst v63  }
0x1ed: {  	p2 =	sne.s32 s26, $0x63;
	s24 =	sadd.s32 $0x193A8, s1;
	s30 =	sadd.s32 $0x50, s18  }
0x1ee: {  	[hbm4b:s30+s3] =	stream.linear.scatter [tilespmem:s24], [sflag:$0x3], $0x80, $0x38;
	[tilespmem:$0x1D500] =	vst v63  }
.Ltmp12:
0x1ef: {  	_ = 	snop;
	(pc) =	sbr.rel @p2 .LBB2_24-.Ltmp12, $4  }
0x1f0: {  	s24 =	sadd.s32 $0x19430, s1;
	s30 =	sadd.s32 $0x60, s18  }
0x1f1: {  	[hbm4b:s30+s3] =	stream.linear.scatter [tilespmem:s24], [sflag:$0x3], $0x80, $0x38;
	[tilespmem:$0x1D500] =	vst v63  }
0x1f2: {  	s24 =	sadd.s32 $0x194B8, s1;
	s30 =	sadd.s32 $0x70, s18  }
0x1f3: {  	[hbm4b:s30+s3] =	stream.linear.scatter [tilespmem:s24], [sflag:$0x3], $0x80, $0x38;
	[tilespmem:$0x1D500] =	vst v63  }
.Ltmp13:
0x1f4: {  	(pc) =	sbr.rel .LBB2_25-.Ltmp13, $4  }
0x1f5: {  	_ = 	snop  }
0x1f6: {  	_ =	swait.ge [sflag:s17], $0x2000  }
0x1f7: {  	[sflag:s17] =	ssyncset.done $0x0  }
0x1f8: {  	[sflag:s17] =	ssyncadd.s32 $0xFFFFE000  }
.LBB2_24:
0x1f9: {  	s1 =	sadd.s32 $0x2, s28  }
0x1fa: {  	v20 =	vmov s1  }
0x1fb: {  	v20 =	vand.u32 $0x1FE, v20  }
0x1fc: {  	v21 =	vadd.s32 v0, v20;
	_ =	sdelay $0x4  }
0x1fd: {  	v21 =	vld.idx.msk [tilespmem:v21+s4+$0x0], $0xffff  }
0x1fe: {  	v22 =	vadd.s32 v1, v20;
	_ =	sdelay $0x3  }
0x1ff: {  	[tilespmem:$0x15000] =	vst v21  }
0x200: {  	v21 =	vld.idx.msk [tilespmem:v22+s4+$0x0], $0xffff  }
0x201: {  	v59 =	vadd.s32 v2, v20;
	_ =	sdelay $0x3  }
0x202: {  	[tilespmem:$0x15010] =	vst v21  }
0x203: {  	v21 =	vld.idx.msk [tilespmem:v59+s4+$0x0], $0xffff  }
0x204: {  	v60 =	vadd.s32 v3, v20;
	_ =	sdelay $0x3  }
0x205: {  	[tilespmem:$0x15020] =	vst v21  }
0x206: {  	v21 =	vld.idx.msk [tilespmem:v60+s4+$0x0], $0xffff  }
0x207: {  	v61 =	vadd.s32 v4, v20;
	_ =	sdelay $0x3  }
0x208: {  	[tilespmem:$0x15030] =	vst v21  }
0x209: {  	v21 =	vld.idx.msk [tilespmem:v61+s4+$0x0], $0xffff  }
0x20a: {  	v62 =	vadd.s32 v5, v20;
	_ =	sdelay $0x3  }
0x20b: {  	[tilespmem:$0x15040] =	vst v21  }
0x20c: {  	v21 =	vld.idx.msk [tilespmem:v62+s4+$0x0], $0xffff  }
0x20d: {  	v63 =	vadd.s32 v6, v20;
	_ =	sdelay $0x3  }
0x20e: {  	[tilespmem:$0x15050] =	vst v21  }
0x20f: {  	v21 =	vld.idx.msk [tilespmem:v63+s4+$0x0], $0xffff  }
0x210: {  	v20 =	vadd.s32 v7, v20;
	_ =	sdelay $0x3  }
0x211: {  	[tilespmem:$0x15060] =	vst v21  }
0x212: {  	v20 =	vld.idx.msk [tilespmem:v20+s4+$0x0], $0xffff;
	_ =	sdelay $0x4  }
.Ltmp14:
0x213: {  	s30 =	simm.s32 $0x15000;
	s18 =	simm.s32 $0x15100;
	[tilespmem:$0x15070] =	vst v20;
	(pc) =	sbr.rel @p1 .LBB2_26-.Ltmp14, $4  }
0x214: {  	[tilespmem:s18], [sflag:$0x1] =	stream.indirect.gather [hbm4b:s6+s5], $0x40, s30, s5, $0xb8;
	[tilespmem:$0x1D500] =	vst v63  }
0x215: {  	_ =	swait.ge [sflag:s17], $0x2000  }
0x216: {  	[sflag:s17] =	ssyncset.done $0x0  }
0x217: {  	[sflag:s17] =	ssyncadd.s32 $0xFFFFE000  }
.LBB2_25:
0x218: {  	_ =	swait.ge [sflag:s19], $0x2000  }
0x219: {  	[sflag:s19] =	ssyncset.done $0x0  }
0x21a: {  	[sflag:s19] =	ssyncadd.s32 $0xFFFFE000  }
.LBB2_26:
0x21b: {  	s1 =	simm.s32 $0x0  }
0x21c: {  	v20 =	vmov s1  }
0x21d: {  	s1 =	simm.s32 $0x17120;
	v21 =	vand.u32 $0x7F, v20  }
0x21e: {  	v20 =	vld [tilespmem:s1+$0xFFFFFFE0];
	v22 =	vadd.s32 v13, v21;
	_ =	sdelay $0x4  }
0x21f: {  	[tilespmem:v22+s13+$0x0] =	vst.idx.msk $0xffff, v20  }
0x220: {  	v22 =	vadd.s32 v17, v21;
	v20 =	vld [tilespmem:s1+$0xFFFFFFF0];
	_ =	sdelay $0x4  }
0x221: {  	[tilespmem:v22+s13+$0x0] =	vst.idx.msk $0xffff, v20  }
0x222: {  	v22 =	vadd.s32 v18, v21;
	v20 =	vld [tilespmem:s1+$0x0];
	_ =	sdelay $0x4  }
0x223: {  	[tilespmem:v22+s13+$0x0] =	vst.idx.msk $0xffff, v20  }
0x224: {  	v21 =	vadd.s32 v19, v21;
	v20 =	vld [tilespmem:s1+$0x10];
	_ =	sdelay $0x2  }
0x225: {  	s18 =	simm.s32 $0x1  }
0x226: {  	v22 =	vmov s18;
	s18 =	simm.s32 $0x2  }
.LBB2_27:
0x227: {  	p1 =	sne.s32 s18, $0x7F;
	v22 =	vand.u32 $0x7F, v22;
	[tilespmem:v21+s13+$0x0] =	vst.idx.msk $0xffff, v20;
	s1 =	sadd.s32 $0x40, s1  }
0x228: {  	v20 =	vld [tilespmem:s1+$0xFFFFFFE0];
	v21 =	vadd.s32 v13, v22;
	_ =	sdelay $0x4  }
0x229: {  	[tilespmem:v21+s13+$0x0] =	vst.idx.msk $0xffff, v20  }
0x22a: {  	v21 =	vadd.s32 v17, v22;
	v20 =	vld [tilespmem:s1+$0xFFFFFFF0];
	_ =	sdelay $0x4  }
0x22b: {  	[tilespmem:v21+s13+$0x0] =	vst.idx.msk $0xffff, v20  }
0x22c: {  	v21 =	vadd.s32 v18, v22;
	v20 =	vld [tilespmem:s1+$0x0];
	_ =	sdelay $0x4  }
0x22d: {  	[tilespmem:v21+s13+$0x0] =	vst.idx.msk $0xffff, v20  }
.Ltmp15:
0x22e: {  	v21 =	vadd.s32 v19, v22;
	v20 =	vld [tilespmem:s1+$0x10];
	(pc) =	sbr.rel @p1 .LBB2_27-.Ltmp15, $2  }
0x22f: {  	_ =	sdelay $0x2  }
0x230: {  	v22 =	vmov s18;
	s18 =	sadd.s32 $0x1, s18  }
0x231: {  	_ =	sdelay $0x3  }
0x232: {  	v22 =	vand.u32 $0x7F, v22;
	[tilespmem:v21+s13+$0x0] =	vst.idx.msk $0xffff, v20;
	s1 =	sadd.s32 $0x40, s1  }
0x233: {  	v20 =	vld [tilespmem:s1+$0xFFFFFFE0];
	v60 =	vadd.s32 v13, v22;
	_ =	sdelay $0x4  }
0x234: {  	[tilespmem:v60+s13+$0x0] =	vst.idx.msk $0xffff, v20  }
0x235: {  	v61 =	vadd.s32 v17, v22;
	v20 =	vld [tilespmem:s1+$0xFFFFFFF0];
	_ =	sdelay $0x4  }
0x236: {  	[tilespmem:v61+s13+$0x0] =	vst.idx.msk $0xffff, v20  }
0x237: {  	v62 =	vadd.s32 v18, v22;
	v20 =	vld [tilespmem:s1+$0x0];
	_ =	sdelay $0x4  }
0x238: {  	[tilespmem:v62+s13+$0x0] =	vst.idx.msk $0xffff, v20  }
0x239: {  	v63 =	vadd.s32 v19, v22;
	v20 =	vld [tilespmem:s1+$0x10];
	_ =	sdelay $0x4  }
0x23a: {  	s18 =	sadd.s32 s31, s29;
	s21 =	simm.s32 $0x1B300;
	[tilespmem:v63+s13+$0x0] =	vst.idx.msk $0xffff, v20  }
0x23b: {  	[hbm4b:s18+s3] =	stream.linear.scatter [tilespmem:s21], [sflag:$0x4], $0x80, $0x38;
	[tilespmem:$0x1D500] =	vst v63  }
0x23c: {  	s24 =	simm.s32 $0x1B388;
	s20 =	sadd.s32 $0x10, s18  }
0x23d: {  	[hbm4b:s20+s3] =	stream.linear.scatter [tilespmem:s24], [sflag:$0x4], $0x80, $0x38;
	[tilespmem:$0x1D500] =	vst v63  }
0x23e: {  	s30 =	simm.s32 $0x1B410;
	s31 =	sadd.s32 $0x20, s18;
	s1 =	simm.s32 $0x440  }
0x23f: {  	[hbm4b:s31+s3] =	stream.linear.scatter [tilespmem:s30], [sflag:$0x4], $0x80, $0x38;
	[tilespmem:$0x1D500] =	vst v63  }
0x240: {  	s21 =	simm.s32 $0x1B498;
	s24 =	sadd.s32 $0x30, s18;
	s20 =	simm.s32 $0x1B6B8  }
0x241: {  	[hbm4b:s24+s3] =	stream.linear.scatter [tilespmem:s21], [sflag:$0x4], $0x80, $0x38;
	[tilespmem:$0x1D500] =	vst v63  }
0x242: {  	s30 =	simm.s32 $0x1B520;
	s31 =	sadd.s32 $0x40, s18;
	s21 =	simm.s32 $0x1B5A8  }
0x243: {  	[hbm4b:s31+s3] =	stream.linear.scatter [tilespmem:s30], [sflag:$0x4], $0x80, $0x38;
	[tilespmem:$0x1D500] =	vst v63  }
0x244: {  	s24 =	sadd.s32 $0x50, s18;
	s30 =	simm.s32 $0x1B630;
	s31 =	sadd.s32 $0x60, s18  }
0x245: {  	[hbm4b:s24+s3] =	stream.linear.scatter [tilespmem:s21], [sflag:$0x4], $0x80, $0x38;
	[tilespmem:$0x1D500] =	vst v63  }
0x246: {  	s24 =	simm.s32 $0x2200;
	s21 =	sadd.s32 $0x70, s18;
	s18 =	sadd.s32 $0x1000, s18  }
0x247: {  	[hbm4b:s31+s3] =	stream.linear.scatter [tilespmem:s30], [sflag:$0x4], $0x80, $0x38;
	[tilespmem:$0x1D500] =	vst v63  }
.LBB2_29:
0x248: {  	[hbm4b:s21+s3] =	stream.linear.scatter [tilespmem:s20], [sflag:$0x4], $0x80, $0x38;
	[tilespmem:$0x1D500] =	vst v63  }
0x249: {  	s20 =	smov.u32 s1;
	s1 =	smov.u32 s24  }
0x24a: {  	s30 =	sadd.s32 $0x1100, s24;
	s1 =	sshra.s32 s1, $0x2;
	s21 =	sadd.s32 $0x1B300, s20  }
0x24b: {  	[hbm4b:s18+s3] =	stream.linear.scatter [tilespmem:s21], [sflag:$0x4], $0x80, $0x38;
	[tilespmem:$0x1D500] =	vst v63  }
0x24c: {  	p1 =	sne.s32 s24, $0x7700;
	s24 =	sadd.s32 $0x10, s18;
	s21 =	sadd.s32 $0x1B388, s20  }
0x24d: {  	[hbm4b:s24+s3] =	stream.linear.scatter [tilespmem:s21], [sflag:$0x4], $0x80, $0x38;
	[tilespmem:$0x1D500] =	vst v63  }
0x24e: {  	s21 =	sadd.s32 $0x1B410, s20;
	s24 =	sadd.s32 $0x20, s18  }
0x24f: {  	[hbm4b:s24+s3] =	stream.linear.scatter [tilespmem:s21], [sflag:$0x4], $0x80, $0x38;
	[tilespmem:$0x1D500] =	vst v63  }
0x250: {  	s21 =	sadd.s32 $0x1B498, s20;
	s24 =	sadd.s32 $0x30, s18  }
0x251: {  	[hbm4b:s24+s3] =	stream.linear.scatter [tilespmem:s21], [sflag:$0x4], $0x80, $0x38;
	[tilespmem:$0x1D500] =	vst v63  }
0x252: {  	s21 =	sadd.s32 $0x1B520, s20;
	s24 =	sadd.s32 $0x40, s18  }
0x253: {  	[hbm4b:s24+s3] =	stream.linear.scatter [tilespmem:s21], [sflag:$0x4], $0x80, $0x38;
	[tilespmem:$0x1D500] =	vst v63  }
.Ltmp16:
0x254: {  	s21 =	sadd.s32 $0x1B5A8, s20;
	s24 =	sadd.s32 $0x50, s18;
	(pc) =	sbr.rel @p1 .LBB2_29-.Ltmp16, $4  }
0x255: {  	[hbm4b:s24+s3] =	stream.linear.scatter [tilespmem:s21], [sflag:$0x4], $0x80, $0x38;
	[tilespmem:$0x1D500] =	vst v63  }
0x256: {  	s21 =	sadd.s32 $0x1B630, s20;
	s24 =	sadd.s32 $0x60, s18;
	s20 =	sadd.s32 $0x1B6B8, s20  }
0x257: {  	[hbm4b:s24+s3] =	stream.linear.scatter [tilespmem:s21], [sflag:$0x4], $0x80, $0x38;
	[tilespmem:$0x1D500] =	vst v63  }
0x258: {  	s21 =	sadd.s32 $0x70, s18;
	s18 =	sadd.s32 $0x1000, s18;
	s24 =	smov.u32 s30  }
0x259: {  	[hbm4b:s21+s3] =	stream.linear.scatter [tilespmem:s20], [sflag:$0x4], $0x80, $0x38;
	[tilespmem:$0x1D500] =	vst v63  }
0x25a: {  	s24 =	sadd.s32 $0x1B300, s1  }
0x25b: {  	[hbm4b:s18+s3] =	stream.linear.scatter [tilespmem:s24], [sflag:$0x4], $0x80, $0x38;
	[tilespmem:$0x1D500] =	vst v63  }
0x25c: {  	s30 =	sadd.s32 $0x1B388, s1;
	s31 =	sadd.s32 $0x10, s18  }
0x25d: {  	[hbm4b:s31+s3] =	stream.linear.scatter [tilespmem:s30], [sflag:$0x4], $0x80, $0x38;
	[tilespmem:$0x1D500] =	vst v63  }
0x25e: {  	s21 =	sadd.s32 $0x1B410, s1;
	s24 =	sadd.s32 $0x20, s18  }
0x25f: {  	[hbm4b:s24+s3] =	stream.linear.scatter [tilespmem:s21], [sflag:$0x4], $0x80, $0x38;
	[tilespmem:$0x1D500] =	vst v63  }
0x260: {  	s30 =	sadd.s32 $0x1B498, s1;
	s31 =	sadd.s32 $0x30, s18  }
0x261: {  	[hbm4b:s31+s3] =	stream.linear.scatter [tilespmem:s30], [sflag:$0x4], $0x80, $0x38;
	[tilespmem:$0x1D500] =	vst v63  }
0x262: {  	s21 =	sadd.s32 $0x1B520, s1;
	s24 =	sadd.s32 $0x40, s18  }
0x263: {  	[hbm4b:s24+s3] =	stream.linear.scatter [tilespmem:s21], [sflag:$0x4], $0x80, $0x38;
	[tilespmem:$0x1D500] =	vst v63  }
0x264: {  	p1 =	seq.s32 s26, $0x63;
	s30 =	sadd.s32 $0x1B5A8, s1;
	s31 =	sadd.s32 $0x50, s18  }
0x265: {  	[hbm4b:s31+s3] =	stream.linear.scatter [tilespmem:s30], [sflag:$0x4], $0x80, $0x38;
	[tilespmem:$0x1D500] =	vst v63  }
.Ltmp17:
0x266: {  	_ = 	snop;
	(pc) =	sbr.rel @p1 .LBB2_32-.Ltmp17, $4  }
0x267: {  	s21 =	sadd.s32 $0x1B630, s1;
	s24 =	sadd.s32 $0x60, s18  }
0x268: {  	[hbm4b:s24+s3] =	stream.linear.scatter [tilespmem:s21], [sflag:$0x4], $0x80, $0x38;
	[tilespmem:$0x1D500] =	vst v63  }
0x269: {  	s30 =	sadd.s32 $0x1B6B8, s1;
	s31 =	sadd.s32 $0x70, s18  }
0x26a: {  	[hbm4b:s31+s3] =	stream.linear.scatter [tilespmem:s30], [sflag:$0x4], $0x80, $0x38;
	[tilespmem:$0x1D500] =	vst v63  }
0x26b: {  	s1 =	sadd.s32 $0x3, s28  }
0x26c: {  	v20 =	vmov s1  }
0x26d: {  	v20 =	vand.u32 $0x1FF, v20  }
0x26e: {  	v21 =	vadd.s32 v0, v20;
	_ =	sdelay $0x4  }
0x26f: {  	v21 =	vld.idx.msk [tilespmem:v21+s4+$0x0], $0xffff  }
0x270: {  	v22 =	vadd.s32 v1, v20;
	_ =	sdelay $0x3  }
0x271: {  	[tilespmem:$0x15080] =	vst v21  }
0x272: {  	v21 =	vld.idx.msk [tilespmem:v22+s4+$0x0], $0xffff  }
0x273: {  	v59 =	vadd.s32 v2, v20;
	_ =	sdelay $0x3  }
0x274: {  	[tilespmem:$0x15090] =	vst v21  }
0x275: {  	v21 =	vld.idx.msk [tilespmem:v59+s4+$0x0], $0xffff  }
0x276: {  	v60 =	vadd.s32 v3, v20;
	_ =	sdelay $0x3  }
0x277: {  	[tilespmem:$0x150A0] =	vst v21  }
0x278: {  	v21 =	vld.idx.msk [tilespmem:v60+s4+$0x0], $0xffff  }
0x279: {  	v61 =	vadd.s32 v4, v20;
	_ =	sdelay $0x3  }
0x27a: {  	[tilespmem:$0x150B0] =	vst v21  }
0x27b: {  	v21 =	vld.idx.msk [tilespmem:v61+s4+$0x0], $0xffff  }
0x27c: {  	v62 =	vadd.s32 v5, v20;
	_ =	sdelay $0x3  }
0x27d: {  	[tilespmem:$0x150C0] =	vst v21  }
0x27e: {  	v21 =	vld.idx.msk [tilespmem:v62+s4+$0x0], $0xffff  }
0x27f: {  	v63 =	vadd.s32 v6, v20;
	_ =	sdelay $0x3  }
0x280: {  	[tilespmem:$0x150D0] =	vst v21  }
0x281: {  	v21 =	vld.idx.msk [tilespmem:v63+s4+$0x0], $0xffff  }
0x282: {  	v20 =	vadd.s32 v7, v20;
	_ =	sdelay $0x3  }
0x283: {  	[tilespmem:$0x150E0] =	vst v21  }
0x284: {  	v20 =	vld.idx.msk [tilespmem:v20+s4+$0x0], $0xffff;
	_ =	sdelay $0x1  }
.Ltmp18:
0x285: {  	_ = 	snop;
	(pc) =	sbr.rel .LBB2_18-.Ltmp18, $3  }
0x286: {  	_ =	sdelay $0x1  }
0x287: {  	s26 =	sadd.s32 $0x1, s26;
	[tilespmem:$0x150F0] =	vst v20  }
0x288: {  	[tilespmem:s9], [sflag:$0x2] =	stream.indirect.gather [hbm4b:s6+s5], $0x40, s22, s5, $0xb8;
	[tilespmem:$0x1D500] =	vst v63  }
.LBB2_33:
0x289: {  	_ =	sfence.sel $0x180000  }
0x28a: {  	[bflag:$0x0] =	sbarrier.arrive $0xFFFF  }
0x28b: {  	_ =	strace $0x90000047  }
0x28c: {  	[bflag:$0x2] =	sbarrier.arrive $0xFFFF  }
0x28d: {  	s0 =	rddreg [dreg:$0x4]  }
0x28e: {  	s0 =	sadd.s32 @!p0 $0x100000, s0  }
0x28f: {  	[sflag:s0] =	ssyncadd.tile.s32 @!p0 $0x1;
	_ =	shalt  }
.Lfunc_end2:
_tile_overlayer_lowered:
.L_overlay_start_2:
0x290: {  	(tag) =	ssettag $0x2  }
0x291: {  	s0 =	rddreg [dreg:$0x0];
	s2 =	stileid.u32  }
0x292: {  	s1 =	rddreg [dreg:$0x1];
	p0 =	sne.s32 s2, $0x0  }
0x293: {  	s3 =	rddreg [dreg:$0x2];
	[bflag:$0x3] =	sbarrier.arrive $0xFFFF;
	s2 =	simm.s32 @!p0 $0x1C05  }
0x294: {  	[timem:s3], [sflag:s2] =	dma.local @!p0 [hbm:s0], s1  }
0x295: {  	s0 =	simm.s32 @!p0 $0x5  }
0x296: {  	_ =	swait.ge @!p0 [sflag:s0], s1  }
0x297: {  	s1 =	ssub.s32 @!p0 $0x0, s1;
	[sflag:s0] =	ssyncset.done @!p0 $0x0  }
0x298: {  	[sflag:s0] =	ssyncadd.s32 @!p0 s1  }
0x299: {  	[bflag:$0x3] =	sbarrier.arrive $0xFFFF  }
0x29a: {  	_ =	shalt  }

</sc_bundles>
